<compile_context>
chip_gen: v7x
topology: tpu7x:2x2x1
jax: 0.10.2.dev20260603
libtpu: 0.0.44.dev20260713+nightly
codegen_flags: <defaults>
</compile_context>

<pallas_src>
import functools

import jax
import jax.numpy as jnp
from jax import lax
from jax.experimental import pallas as pl
from jax.experimental.pallas import tpu as pltpu
from jax.experimental.pallas import tpu_sc as plsc

N = 10000
E = 320000
D = 128

NC = 2
NS = 16
L = 16

B = 128
NBLK = E // B
BLK_PER_CORE = NBLK // NC
IT_MAX = (BLK_PER_CORE + NS - 1) // NS
UNROLL = 6
N_MACRO = (IT_MAX + 1 + UNROLL - 1) // UNROLL

ROW_CHUNK = 80
N_CHUNKS = N // ROW_CHUNK


def _mm_body(p_ref, w_ref, o_ref):
    o_ref[...] = jnp.dot(p_ref[0] + p_ref[1], w_ref[...],
                         preferred_element_type=jnp.float32)


def _matmul_sum(partials, W):
    return pl.pallas_call(
        _mm_body,
        grid=(10,),
        in_specs=[
            pl.BlockSpec((NC, N // 10, D), lambda i: (0, i, 0)),
            pl.BlockSpec((D, D), lambda i: (0, 0)),
        ],
        out_specs=pl.BlockSpec((N // 10, D), lambda i: (i, 0)),
        out_shape=jax.ShapeDtypeStruct((N, D), jnp.float32),
    )(partials, W)


@functools.partial(
    pl.kernel,
    out_type=jax.ShapeDtypeStruct((NC, N, D), jnp.float32),
    mesh=plsc.VectorSubcoreMesh(core_axis_name="c", subcore_axis_name="s"),
    compiler_params=pltpu.CompilerParams(needs_layout_passes=False),
    scratch_types=[
        pltpu.VMEM((3, 3, B), jnp.int32),
        pltpu.VMEM((2, B, D), jnp.float32),
        pltpu.VMEM_SHARED((N, D), jnp.float32),
        pltpu.SemaphoreType.DMA,
        pltpu.SemaphoreType.DMA,
        pltpu.SemaphoreType.DMA,
        pltpu.SemaphoreType.DMA,
        pltpu.SemaphoreType.DMA,
        pltpu.SemaphoreType.DMA,
        pltpu.SemaphoreType.DMA,
    ],
)
def _sc_spmm(x_hbm, meta_hbm, out_hbm,
             meta_v, rows_v, acc_sh,
             sem_m0, sem_m1, sem_m2, sem_g0, sem_g1, sem_s0, sem_s1):
    c = lax.axis_index("c")
    s = lax.axis_index("s")
    sem_m = (sem_m0, sem_m1, sem_m2)
    sem_g = (sem_g0, sem_g1)
    sem_s = (sem_s0, sem_s1)

    trips = (BLK_PER_CORE - s + NS - 1) // NS
    last = trips - 1

    def blk_of(it):
        return c * BLK_PER_CORE + s + jnp.minimum(it, last) * NS

    def meta_start(it, m):
        pltpu.async_copy(meta_hbm.at[blk_of(it)], meta_v.at[m], sem_m[m])

    def meta_wait(m):
        pltpu.make_async_copy(meta_hbm.at[0], meta_v.at[m], sem_m[m]).wait()

    def gather_start(it, b):
        m = it % 3
        pltpu.async_copy(x_hbm.at[meta_v.at[m, 0]], rows_v.at[b], sem_g[b])

    def gather_wait(b):
        pltpu.make_async_copy(x_hbm.at[meta_v.at[0, 0]], rows_v.at[b],
                              sem_g[b]).wait()

    def scatter_start(b, m):
        pltpu.async_copy(rows_v.at[b], acc_sh.at[meta_v.at[m, 1]], sem_s[b],
                         add=True)

    def scatter_wait(b):
        pltpu.make_async_copy(rows_v.at[b], acc_sh.at[meta_v.at[0, 1]],
                              sem_s[b]).wait()

    def scale(b, m):
        ev_ref = meta_v.at[m, 2]

        @plsc.parallel_loop(0, B, step=1, unroll=4)
        def _scale_edge(i):
            iv = plsc.load_gather(ev_ref, [jnp.full((L,), i, jnp.int32)])
            val = plsc.bitcast(iv, jnp.float32)
            for k in range(D // L):
                seg = rows_v[b, i, pl.ds(k * L, L)]
                rows_v[b, i, pl.ds(k * L, L)] = seg * val

    meta_start(0, 0)
    meta_start(1, 1)

    zero16 = jnp.zeros((L,), jnp.float32)

    def _zero_buf(j, _):
        for k in range(D // L):
            rows_v[0, j, pl.ds(k * L, L)] = zero16
        return 0

    lax.fori_loop(0, ROW_CHUNK, _zero_buf, 0)

    def _zero_chunk(j, _):
        r = (s + j * NS) * ROW_CHUNK
        pltpu.sync_copy(rows_v.at[0, pl.ds(0, ROW_CHUNK)],
                        acc_sh.at[pl.ds(r, ROW_CHUNK)])
        return 0

    chunk_trips = (N_CHUNKS - s + NS - 1) // NS
    lax.fori_loop(0, chunk_trips, _zero_chunk, 0)

    meta_wait(0)
    gather_start(0, 0)
    plsc.subcore_barrier()

    def _macro(jm, _):
        for u in range(UNROLL):
            it = jm * UNROLL + u
            b = u % 2
            nb = 1 - b
            m = u % 3

            @pl.when(it < trips)
            def _arrive():
                gather_wait(b)

            @pl.when(jnp.logical_and(it - 1 >= 0, it - 1 < trips))
            def _drain():
                scatter_wait(nb)

            @pl.when(it + 2 < trips)
            def _prefetch():
                meta_start(it + 2, (u + 2) % 3)

            @pl.when(it + 1 < trips)
            def _next():
                meta_wait((u + 1) % 3)
                gather_start(it + 1, nb)

            @pl.when(it < trips)
            def _compute():
                scale(b, m)
                scatter_start(b, m)

        return 0

    lax.fori_loop(0, N_MACRO, _macro, 0)

    plsc.subcore_barrier()

    def _write_chunk(j, _):
        r = (s + j * NS) * ROW_CHUNK
        pltpu.sync_copy(acc_sh.at[pl.ds(r, ROW_CHUNK)],
                        out_hbm.at[c, pl.ds(r, ROW_CHUNK)])
        return 0

    lax.fori_loop(0, chunk_trips, _write_chunk, 0)


def kernel(x, edge_index, edge_values, W):
    src = edge_index[0].astype(jnp.int32)
    dst = edge_index[1].astype(jnp.int32)
    ev32 = lax.bitcast_convert_type(edge_values.astype(jnp.float32), jnp.int32)
    meta = jnp.stack([src.reshape(NBLK, B), dst.reshape(NBLK, B),
                      ev32.reshape(NBLK, B)], axis=1)
    partials = _sc_spmm(x, meta)
    return _matmul_sum(partials, W)

# --- scband reference (transcript-rebuilt; emitter-appended) ---
"""Pipeline reference for scband-graph-convolution-66752381714534 (READ-ONLY COPY).

The authoritative reference and input builder live on the scoring server;
editing this copy changes nothing except your own understanding.
"""

import jax, jax.numpy as jnp
import numpy as np

N = 10000
E = 320000
D_IN = 128
D_OUT = 128

def setup_inputs(seed: int = 0) -> dict:
    key = jax.random.key(seed)
    k1, k2, k3, k4 = jax.random.split(key, 4)
    x = jax.random.normal(k1, (N, D_IN), dtype=jnp.float32)
    edge_index = jax.random.randint(k2, (2, E), 0, N).astype(jnp.int64)
    # normalized adjacency values (e.g. D^-1/2 A D^-1/2 entries), positive
    edge_values = jax.random.uniform(k3, (E,), dtype=jnp.float32)
    # learned kernel (glorot uniform)
    limit = float(np.sqrt(6.0 / (D_IN + D_OUT)))
    W = jax.random.uniform(k4, (D_IN, D_OUT), minval=-limit, maxval=limit, dtype=jnp.float32)
    return {"x": x, "edge_index": edge_index, "edge_values": edge_values, "W": W}

def reference(x, edge_index, edge_values, W):
    # GraphConvolution.call with model='gcn', single support, dropout=0.0,
    # sparse_inputs=False, use_bias=False, activation=None, perturbation=None:
    #   pre_sup = x @ kernel
    #   output  = sparse_dense_matmul(support, pre_sup)
    pre_sup = jnp.matmul(x, W)  # [N, D_OUT]
    src = edge_index[0]
    dst = edge_index[1]
    msgs = edge_values[:, None] * jnp.take(pre_sup, src, axis=0)  # gather
    out = jnp.zeros((x.shape[0], W.shape[1]), dtype=x.dtype).at[dst].add(msgs)  # scatter-add (spmm)
    return out

if __name__ == "__main__":
    import jax
    _d = setup_inputs()
    print(jax.jit(kernel)(*tuple(_d.values())))

</pallas_src>

<mosaic_0001>
#map = affine_map<(d0, d1) -> (0, 0)>
#map1 = affine_map<(d0, d1) -> (0, 0, 0)>
module attributes {stable_mosaic.version = 14 : i64} {
  func.func @_sc_spmm(%arg0: i32, %arg1: i32, %arg2: memref<10000x128xf32, #tpu.memory_space<hbm>>, %arg3: memref<2500x3x128xi32, #tpu.memory_space<hbm>>, %arg4: memref<2x10000x128xf32, #tpu.memory_space<hbm>>, %arg5: memref<3x3x128xi32, #tpu.memory_space<vmem>>, %arg6: memref<2x128x128xf32, #tpu.memory_space<vmem>>, %arg7: memref<10000x128xf32, #tpu.memory_space<vmem_shared>>, %arg8: memref<!tpu.dma_semaphore, #tpu.memory_space<semaphore_mem>>, %arg9: memref<!tpu.dma_semaphore, #tpu.memory_space<semaphore_mem>>, %arg10: memref<!tpu.dma_semaphore, #tpu.memory_space<semaphore_mem>>, %arg11: memref<!tpu.dma_semaphore, #tpu.memory_space<semaphore_mem>>, %arg12: memref<!tpu.dma_semaphore, #tpu.memory_space<semaphore_mem>>, %arg13: memref<!tpu.dma_semaphore, #tpu.memory_space<semaphore_mem>>, %arg14: memref<!tpu.dma_semaphore, #tpu.memory_space<semaphore_mem>>) attributes {dimension_semantics = [#tpu.dimension_semantics<core_parallel>, #tpu.dimension_semantics<subcore_parallel>], iteration_bounds = array<i64: 2, 16>, scalar_prefetch = 0 : i64, scratch_operands = 10 : i64, tpu.core_type = #tpu.core_type<sc_vector_subcore>, window_params = [{transform_indices = #map}, {transform_indices = #map1}, {transform_indices = #map1}]} {
    %sub3A = arith.constant 1250 : i32
    %sub3A_0 = arith.subi %sub3A, %arg1 : i32
    %add3A = arith.constant 16 : i32
    %add3A_1 = arith.addi %sub3A_0, %add3A : i32
    %sub3A_2 = arith.constant 1 : i32
    %sub3A_3 = arith.subi %add3A_1, %sub3A_2 : i32
    %jit3A = arith.constant 16 : i32
    %div3A = arith.divsi %sub3A_3, %jit3A : i32
    %sign3A = arith.constant 0 : i32
    %sign3A_4 = arith.cmpi sgt, %sub3A_3, %sign3A : i32
    %sign3A_5 = arith.extui %sign3A_4 : i1 to i32
    %sign3A_6 = arith.constant 0 : i32
    %sign3A_7 = arith.cmpi slt, %sub3A_3, %sign3A_6 : i32
    %sign3A_8 = arith.extui %sign3A_7 : i1 to i32
    %sign3A_9 = arith.subi %sign3A_5, %sign3A_8 : i32
    %sign3A_10 = arith.constant 0 : i32
    %sign3A_11 = arith.cmpi sgt, %jit3A, %sign3A_10 : i32
    %sign3A_12 = arith.extui %sign3A_11 : i1 to i32
    %sign3A_13 = arith.constant 0 : i32
    %sign3A_14 = arith.cmpi slt, %jit3A, %sign3A_13 : i32
    %sign3A_15 = arith.extui %sign3A_14 : i1 to i32
    %sign3A_16 = arith.subi %sign3A_12, %sign3A_15 : i32
    %ne3A = arith.cmpi ne, %sign3A_9, %sign3A_16 : i32
    %rem3A = arith.remsi %sub3A_3, %jit3A : i32
    %ne3A_17 = arith.constant 0 : i32
    %ne3A_18 = arith.cmpi ne, %rem3A, %ne3A_17 : i32
    %and3A = arith.andi %ne3A, %ne3A_18 : i1
    %sub3A_19 = arith.constant 1 : i32
    %sub3A_20 = arith.subi %div3A, %sub3A_19 : i32
    %select_n3A = arith.select %and3A, %sub3A_20, %div3A : i32
    %sub3A_21 = arith.constant 1 : i32
    %sub3A_22 = arith.subi %select_n3A, %sub3A_21 : i32
    %mul3A = arith.constant 1250 : i32
    %mul3A_23 = arith.muli %arg0, %mul3A : i32
    %add3A_24 = arith.addi %mul3A_23, %arg1 : i32
    %min3A = arith.constant 0 : i32
    %min3A_25 = arith.minsi %min3A, %sub3A_22 : i32
    %mul3A_26 = arith.constant 16 : i32
    %mul3A_27 = arith.muli %min3A_25, %mul3A_26 : i32
    %add3A_28 = arith.addi %add3A_24, %mul3A_27 : i32
    %dma_start3A = arith.constant 0 : i32
    %dma_start3A_29 = arith.constant 0 : i32
    %dma_start3A_30 = arith.constant 0 : i32
    %dma_start3A_31 = tpu.memref_slice %arg5[%dma_start3A, %dma_start3A_29, %dma_start3A_30] : memref<3x3x128xi32, #tpu.memory_space<vmem>> -> memref<1x3x128xi32, #tpu.memory_space<vmem>>
    %dma_start3A_32 = tpu.memref_squeeze %dma_start3A_31 : memref<1x3x128xi32, #tpu.memory_space<vmem>> -> memref<3x128xi32, #tpu.memory_space<vmem>>
    %dma_start3A_33 = arith.constant 0 : i32
    %dma_start3A_34 = arith.constant 0 : i32
    %dma_start3A_35 = tpu.memref_slice %arg3[%add3A_28, %dma_start3A_33, %dma_start3A_34] : memref<2500x3x128xi32, #tpu.memory_space<hbm>> -> memref<1x3x128xi32, #tpu.memory_space<hbm>>
    %dma_start3A_36 = tpu.memref_squeeze %dma_start3A_35 : memref<1x3x128xi32, #tpu.memory_space<hbm>> -> memref<3x128xi32, #tpu.memory_space<hbm>>
    %dma_start3A_37 = arith.constant 0 : i32
    %dma_start3A_38 = arith.constant 0 : i32
    %dma_start3A_39 = tpu.memref_slice %arg5[%dma_start3A, %dma_start3A_37, %dma_start3A_38] : memref<3x3x128xi32, #tpu.memory_space<vmem>> -> memref<1x3x128xi32, #tpu.memory_space<vmem>>
    %dma_start3A_40 = tpu.memref_squeeze %dma_start3A_39 : memref<1x3x128xi32, #tpu.memory_space<vmem>> -> memref<3x128xi32, #tpu.memory_space<vmem>>
    %dma_start3A_41 = arith.constant 0 : i32
    %dma_start3A_42 = arith.constant 0 : i32
    %dma_start3A_43 = tpu.memref_slice %arg3[%add3A_28, %dma_start3A_41, %dma_start3A_42] : memref<2500x3x128xi32, #tpu.memory_space<hbm>> -> memref<1x3x128xi32, #tpu.memory_space<hbm>>
    %dma_start3A_44 = tpu.memref_squeeze %dma_start3A_43 : memref<1x3x128xi32, #tpu.memory_space<hbm>> -> memref<3x128xi32, #tpu.memory_space<hbm>>
    tpu.enqueue_dma source(%dma_start3A_44 : memref<3x128xi32, #tpu.memory_space<hbm>>) target(%dma_start3A_40 : memref<3x128xi32, #tpu.memory_space<vmem>>) target_semaphore(%arg8 : memref<!tpu.dma_semaphore, #tpu.memory_space<semaphore_mem>>)
    %mul3A_45 = arith.constant 1250 : i32
    %mul3A_46 = arith.muli %arg0, %mul3A_45 : i32
    %add3A_47 = arith.addi %mul3A_46, %arg1 : i32
    %min3A_48 = arith.constant 1 : i32
    %min3A_49 = arith.minsi %min3A_48, %sub3A_22 : i32
    %mul3A_50 = arith.constant 16 : i32
    %mul3A_51 = arith.muli %min3A_49, %mul3A_50 : i32
    %add3A_52 = arith.addi %add3A_47, %mul3A_51 : i32
    %dma_start3A_53 = arith.constant 1 : i32
    %dma_start3A_54 = arith.constant 0 : i32
    %dma_start3A_55 = arith.constant 0 : i32
    %dma_start3A_56 = tpu.memref_slice %arg5[%dma_start3A_53, %dma_start3A_54, %dma_start3A_55] : memref<3x3x128xi32, #tpu.memory_space<vmem>> -> memref<1x3x128xi32, #tpu.memory_space<vmem>>
    %dma_start3A_57 = tpu.memref_squeeze %dma_start3A_56 : memref<1x3x128xi32, #tpu.memory_space<vmem>> -> memref<3x128xi32, #tpu.memory_space<vmem>>
    %dma_start3A_58 = arith.constant 0 : i32
    %dma_start3A_59 = arith.constant 0 : i32
    %dma_start3A_60 = tpu.memref_slice %arg3[%add3A_52, %dma_start3A_58, %dma_start3A_59] : memref<2500x3x128xi32, #tpu.memory_space<hbm>> -> memref<1x3x128xi32, #tpu.memory_space<hbm>>
    %dma_start3A_61 = tpu.memref_squeeze %dma_start3A_60 : memref<1x3x128xi32, #tpu.memory_space<hbm>> -> memref<3x128xi32, #tpu.memory_space<hbm>>
    %dma_start3A_62 = arith.constant 0 : i32
    %dma_start3A_63 = arith.constant 0 : i32
    %dma_start3A_64 = tpu.memref_slice %arg5[%dma_start3A_53, %dma_start3A_62, %dma_start3A_63] : memref<3x3x128xi32, #tpu.memory_space<vmem>> -> memref<1x3x128xi32, #tpu.memory_space<vmem>>
    %dma_start3A_65 = tpu.memref_squeeze %dma_start3A_64 : memref<1x3x128xi32, #tpu.memory_space<vmem>> -> memref<3x128xi32, #tpu.memory_space<vmem>>
    %dma_start3A_66 = arith.constant 0 : i32
    %dma_start3A_67 = arith.constant 0 : i32
    %dma_start3A_68 = tpu.memref_slice %arg3[%add3A_52, %dma_start3A_66, %dma_start3A_67] : memref<2500x3x128xi32, #tpu.memory_space<hbm>> -> memref<1x3x128xi32, #tpu.memory_space<hbm>>
    %dma_start3A_69 = tpu.memref_squeeze %dma_start3A_68 : memref<1x3x128xi32, #tpu.memory_space<hbm>> -> memref<3x128xi32, #tpu.memory_space<hbm>>
    tpu.enqueue_dma source(%dma_start3A_69 : memref<3x128xi32, #tpu.memory_space<hbm>>) target(%dma_start3A_65 : memref<3x128xi32, #tpu.memory_space<vmem>>) target_semaphore(%arg9 : memref<!tpu.dma_semaphore, #tpu.memory_space<semaphore_mem>>)
    %broadcast_in_dim3A = arith.constant 0.000000e+00 : f32
    %broadcast_in_dim3A_70 = vector.broadcast %broadcast_in_dim3A : f32 to vector<16xf32>
    %scan3A = arith.constant 0 : i32
    %scan3A_71 = arith.constant 0 : i32
    %scan3A_72 = arith.constant 80 : i32
    %scan3A_73 = arith.addi %scan3A_71, %scan3A_72 : i32
    %scan3A_74 = arith.constant 1 : i32
    %scan3A_75 = scf.for %scan3A_168 = %scan3A_71 to %scan3A_73 step %scan3A_74 iter_args(%scan3A_169 = %scan3A) -> (i32)  : i32 {
      %swap3A = arith.constant 0 : i32
      %swap3A_170 = arith.index_cast %swap3A : i32 to index
      %swap3A_171 = arith.index_cast %scan3A_168 : i32 to index
      %swap3A_172 = arith.constant 0 : index
      %swap3A_173 = tpu.vector_load %arg6[%swap3A_170, %swap3A_171, %swap3A_172] {strides = array<i32>} : memref<2x128x128xf32, #tpu.memory_space<vmem>>, vector<16xf32>,
      tpu.vector_store %arg6[%swap3A_170, %swap3A_171, %swap3A_172], %broadcast_in_dim3A_70 {strides = array<i32>} : memref<2x128x128xf32, #tpu.memory_space<vmem>>, vector<16xf32>,
      %swap3A_174 = arith.constant 0 : i32
      %swap3A_175 = arith.index_cast %swap3A_174 : i32 to index
      %swap3A_176 = arith.index_cast %scan3A_168 : i32 to index
      %swap3A_177 = arith.constant 16 : index
      %swap3A_178 = tpu.vector_load %arg6[%swap3A_175, %swap3A_176, %swap3A_177] {strides = array<i32>} : memref<2x128x128xf32, #tpu.memory_space<vmem>>, vector<16xf32>,
      tpu.vector_store %arg6[%swap3A_175, %swap3A_176, %swap3A_177], %broadcast_in_dim3A_70 {strides = array<i32>} : memref<2x128x128xf32, #tpu.memory_space<vmem>>, vector<16xf32>,
      %swap3A_179 = arith.constant 0 : i32
      %swap3A_180 = arith.index_cast %swap3A_179 : i32 to index
      %swap3A_181 = arith.index_cast %scan3A_168 : i32 to index
      %swap3A_182 = arith.constant 32 : index
      %swap3A_183 = tpu.vector_load %arg6[%swap3A_180, %swap3A_181, %swap3A_182] {strides = array<i32>} : memref<2x128x128xf32, #tpu.memory_space<vmem>>, vector<16xf32>,
      tpu.vector_store %arg6[%swap3A_180, %swap3A_181, %swap3A_182], %broadcast_in_dim3A_70 {strides = array<i32>} : memref<2x128x128xf32, #tpu.memory_space<vmem>>, vector<16xf32>,
      %swap3A_184 = arith.constant 0 : i32
      %swap3A_185 = arith.index_cast %swap3A_184 : i32 to index
      %swap3A_186 = arith.index_cast %scan3A_168 : i32 to index
      %swap3A_187 = arith.constant 48 : index
      %swap3A_188 = tpu.vector_load %arg6[%swap3A_185, %swap3A_186, %swap3A_187] {strides = array<i32>} : memref<2x128x128xf32, #tpu.memory_space<vmem>>, vector<16xf32>,
      tpu.vector_store %arg6[%swap3A_185, %swap3A_186, %swap3A_187], %broadcast_in_dim3A_70 {strides = array<i32>} : memref<2x128x128xf32, #tpu.memory_space<vmem>>, vector<16xf32>,
      %swap3A_189 = arith.constant 0 : i32
      %swap3A_190 = arith.index_cast %swap3A_189 : i32 to index
      %swap3A_191 = arith.index_cast %scan3A_168 : i32 to index
      %swap3A_192 = arith.constant 64 : index
      %swap3A_193 = tpu.vector_load %arg6[%swap3A_190, %swap3A_191, %swap3A_192] {strides = array<i32>} : memref<2x128x128xf32, #tpu.memory_space<vmem>>, vector<16xf32>,
      tpu.vector_store %arg6[%swap3A_190, %swap3A_191, %swap3A_192], %broadcast_in_dim3A_70 {strides = array<i32>} : memref<2x128x128xf32, #tpu.memory_space<vmem>>, vector<16xf32>,
      %swap3A_194 = arith.constant 0 : i32
      %swap3A_195 = arith.index_cast %swap3A_194 : i32 to index
      %swap3A_196 = arith.index_cast %scan3A_168 : i32 to index
      %swap3A_197 = arith.constant 80 : index
      %swap3A_198 = tpu.vector_load %arg6[%swap3A_195, %swap3A_196, %swap3A_197] {strides = array<i32>} : memref<2x128x128xf32, #tpu.memory_space<vmem>>, vector<16xf32>,
      tpu.vector_store %arg6[%swap3A_195, %swap3A_196, %swap3A_197], %broadcast_in_dim3A_70 {strides = array<i32>} : memref<2x128x128xf32, #tpu.memory_space<vmem>>, vector<16xf32>,
      %swap3A_199 = arith.constant 0 : i32
      %swap3A_200 = arith.index_cast %swap3A_199 : i32 to index
      %swap3A_201 = arith.index_cast %scan3A_168 : i32 to index
      %swap3A_202 = arith.constant 96 : index
      %swap3A_203 = tpu.vector_load %arg6[%swap3A_200, %swap3A_201, %swap3A_202] {strides = array<i32>} : memref<2x128x128xf32, #tpu.memory_space<vmem>>, vector<16xf32>,
      tpu.vector_store %arg6[%swap3A_200, %swap3A_201, %swap3A_202], %broadcast_in_dim3A_70 {strides = array<i32>} : memref<2x128x128xf32, #tpu.memory_space<vmem>>, vector<16xf32>,
      %swap3A_204 = arith.constant 0 : i32
      %swap3A_205 = arith.index_cast %swap3A_204 : i32 to index
      %swap3A_206 = arith.index_cast %scan3A_168 : i32 to index
      %swap3A_207 = arith.constant 112 : index
      %swap3A_208 = tpu.vector_load %arg6[%swap3A_205, %swap3A_206, %swap3A_207] {strides = array<i32>} : memref<2x128x128xf32, #tpu.memory_space<vmem>>, vector<16xf32>,
      tpu.vector_store %arg6[%swap3A_205, %swap3A_206, %swap3A_207], %broadcast_in_dim3A_70 {strides = array<i32>} : memref<2x128x128xf32, #tpu.memory_space<vmem>>, vector<16xf32>,
      %scan3A_209 = arith.constant 0 : i32
      scf.yield %scan3A_209 : i32
    }
    %scan3A_76 = arith.constant 80 : i32
    %sub3A_77 = arith.constant 125 : i32
    %sub3A_78 = arith.subi %sub3A_77, %arg1 : i32
    %add3A_79 = arith.constant 16 : i32
    %add3A_80 = arith.addi %sub3A_78, %add3A_79 : i32
    %sub3A_81 = arith.constant 1 : i32
    %sub3A_82 = arith.subi %add3A_80, %sub3A_81 : i32
    %jit3A_83 = arith.constant 16 : i32
    %div3A_84 = arith.divsi %sub3A_82, %jit3A_83 : i32
    %sign3A_85 = arith.constant 0 : i32
    %sign3A_86 = arith.cmpi sgt, %sub3A_82, %sign3A_85 : i32
    %sign3A_87 = arith.extui %sign3A_86 : i1 to i32
    %sign3A_88 = arith.constant 0 : i32
    %sign3A_89 = arith.cmpi slt, %sub3A_82, %sign3A_88 : i32
    %sign3A_90 = arith.extui %sign3A_89 : i1 to i32
    %sign3A_91 = arith.subi %sign3A_87, %sign3A_90 : i32
    %sign3A_92 = arith.constant 0 : i32
    %sign3A_93 = arith.cmpi sgt, %jit3A_83, %sign3A_92 : i32
    %sign3A_94 = arith.extui %sign3A_93 : i1 to i32
    %sign3A_95 = arith.constant 0 : i32
    %sign3A_96 = arith.cmpi slt, %jit3A_83, %sign3A_95 : i32
    %sign3A_97 = arith.extui %sign3A_96 : i1 to i32
    %sign3A_98 = arith.subi %sign3A_94, %sign3A_97 : i32
    %ne3A_99 = arith.cmpi ne, %sign3A_91, %sign3A_98 : i32
    %rem3A_100 = arith.remsi %sub3A_82, %jit3A_83 : i32
    %ne3A_101 = arith.constant 0 : i32
    %ne3A_102 = arith.cmpi ne, %rem3A_100, %ne3A_101 : i32
    %and3A_103 = arith.andi %ne3A_99, %ne3A_102 : i1
    %sub3A_104 = arith.constant 1 : i32
    %sub3A_105 = arith.subi %div3A_84, %sub3A_104 : i32
    %select_n3A_106 = arith.select %and3A_103, %sub3A_105, %div3A_84 : i32
    %while3A = arith.constant 0 : i32
    %while3A_107 = arith.constant 0 : i32
    %while3A_108 = arith.subi %select_n3A_106, %while3A : i32
    %while3A_109 = arith.addi %while3A, %while3A_108 : i32
    %while3A_110 = arith.constant 1 : i32
    %while3A_111 = arith.divsi %while3A_108, %while3A_110 : i32
    %while3A_112 = arith.muli %while3A_111, %while3A_110 : i32
    %while3A_113 = arith.addi %while3A, %while3A_112 : i32
    %while3A_114 = arith.constant 1 : i32
    %while3A_115 = scf.for %while3A_168 = %while3A to %while3A_113 step %while3A_114 iter_args(%while3A_169 = %while3A_107) -> (i32)  : i32 {
      %mul3A_170 = arith.constant 16 : i32
      %mul3A_171 = arith.muli %while3A_168, %mul3A_170 : i32
      %add3A_172 = arith.addi %arg1, %mul3A_171 : i32
      %mul3A_173 = arith.constant 80 : i32
      %mul3A_174 = arith.muli %add3A_172, %mul3A_173 : i32
      %run_scoped3A = arith.constant 0 : i32
      "tpu.region"() ({
        %run_scoped3A_176 = tpu.sem_alloc : memref<!tpu.dma_semaphore, #tpu.memory_space<semaphore_mem>>
        %dma_start3A_177 = arith.constant 0 : i32
        %dma_start3A_178 = arith.constant 0 : i32
        %dma_start3A_179 = tpu.memref_slice %arg6[%run_scoped3A, %dma_start3A_177, %dma_start3A_178] : memref<2x128x128xf32, #tpu.memory_space<vmem>> -> memref<1x80x128xf32, #tpu.memory_space<vmem>>
        %dma_start3A_180 = tpu.memref_squeeze %dma_start3A_179 : memref<1x80x128xf32, #tpu.memory_space<vmem>> -> memref<80x128xf32, #tpu.memory_space<vmem>>
        %dma_start3A_181 = arith.constant 0 : i32
        %dma_start3A_182 = tpu.memref_slice %arg7[%mul3A_174, %dma_start3A_181] : memref<10000x128xf32, #tpu.memory_space<vmem_shared>> -> memref<80x128xf32, #tpu.memory_space<vmem_shared>>
        %dma_start3A_183 = arith.constant 0 : i32
        %dma_start3A_184 = tpu.memref_slice %arg7[%mul3A_174, %dma_start3A_183] : memref<10000x128xf32, #tpu.memory_space<vmem_shared>> -> memref<80x128xf32, #tpu.memory_space<vmem_shared>>
        %dma_start3A_185 = arith.constant 0 : i32
        %dma_start3A_186 = arith.constant 0 : i32
        %dma_start3A_187 = tpu.memref_slice %arg6[%run_scoped3A, %dma_start3A_185, %dma_start3A_186] : memref<2x128x128xf32, #tpu.memory_space<vmem>> -> memref<1x80x128xf32, #tpu.memory_space<vmem>>
        %dma_start3A_188 = tpu.memref_squeeze %dma_start3A_187 : memref<1x80x128xf32, #tpu.memory_space<vmem>> -> memref<80x128xf32, #tpu.memory_space<vmem>>
        tpu.enqueue_dma source(%dma_start3A_188 : memref<80x128xf32, #tpu.memory_space<vmem>>) target(%dma_start3A_184 : memref<80x128xf32, #tpu.memory_space<vmem_shared>>) target_semaphore(%run_scoped3A_176 : memref<!tpu.dma_semaphore, #tpu.memory_space<semaphore_mem>>)
        %dma_wait3A_189 = arith.constant 0 : i32
        %dma_wait3A_190 = arith.constant 0 : i32
        %dma_wait3A_191 = tpu.memref_slice %arg6[%run_scoped3A, %dma_wait3A_189, %dma_wait3A_190] : memref<2x128x128xf32, #tpu.memory_space<vmem>> -> memref<1x80x128xf32, #tpu.memory_space<vmem>>
        %dma_wait3A_192 = tpu.memref_squeeze %dma_wait3A_191 : memref<1x80x128xf32, #tpu.memory_space<vmem>> -> memref<80x128xf32, #tpu.memory_space<vmem>>
        %dma_wait3A_193 = arith.constant 0 : i32
        %dma_wait3A_194 = tpu.memref_slice %arg7[%mul3A_174, %dma_wait3A_193] : memref<10000x128xf32, #tpu.memory_space<vmem_shared>> -> memref<80x128xf32, #tpu.memory_space<vmem_shared>>
        %dma_wait3A_195 = arith.constant 0 : i32
        %dma_wait3A_196 = tpu.memref_slice %arg7[%mul3A_174, %dma_wait3A_195] : memref<10000x128xf32, #tpu.memory_space<vmem_shared>> -> memref<80x128xf32, #tpu.memory_space<vmem_shared>>
        %dma_wait3A_197 = arith.constant 0 : i32
        %dma_wait3A_198 = arith.constant 0 : i32
        %dma_wait3A_199 = tpu.memref_slice %arg6[%run_scoped3A, %dma_wait3A_197, %dma_wait3A_198] : memref<2x128x128xf32, #tpu.memory_space<vmem>> -> memref<1x80x128xf32, #tpu.memory_space<vmem>>
        %dma_wait3A_200 = tpu.memref_squeeze %dma_wait3A_199 : memref<1x80x128xf32, #tpu.memory_space<vmem>> -> memref<80x128xf32, #tpu.memory_space<vmem>>
        tpu.wait_dma2 semaphore(%run_scoped3A_176 : memref<!tpu.dma_semaphore, #tpu.memory_space<semaphore_mem>>) src(%dma_wait3A_200 : memref<80x128xf32, #tpu.memory_space<vmem>>) dst(%dma_wait3A_196 : memref<80x128xf32, #tpu.memory_space<vmem_shared>>)
        tpu.yield
      }) : () -> ()
      %while3A_175 = arith.constant 0 : i32
      scf.yield %while3A_175 : i32
    }
    %while3A_116 = arith.constant 1 : i32
    %while3A_117 = scf.for %while3A_168 = %while3A_113 to %while3A_109 step %while3A_116 iter_args(%while3A_169 = %while3A_115) -> (i32)  : i32 {
      %mul3A_170 = arith.constant 16 : i32
      %mul3A_171 = arith.muli %while3A_168, %mul3A_170 : i32
      %add3A_172 = arith.addi %arg1, %mul3A_171 : i32
      %mul3A_173 = arith.constant 80 : i32
      %mul3A_174 = arith.muli %add3A_172, %mul3A_173 : i32
      %run_scoped3A = arith.constant 0 : i32
      "tpu.region"() ({
        %run_scoped3A_176 = tpu.sem_alloc : memref<!tpu.dma_semaphore, #tpu.memory_space<semaphore_mem>>
        %dma_start3A_177 = arith.constant 0 : i32
        %dma_start3A_178 = arith.constant 0 : i32
        %dma_start3A_179 = tpu.memref_slice %arg6[%run_scoped3A, %dma_start3A_177, %dma_start3A_178] : memref<2x128x128xf32, #tpu.memory_space<vmem>> -> memref<1x80x128xf32, #tpu.memory_space<vmem>>
        %dma_start3A_180 = tpu.memref_squeeze %dma_start3A_179 : memref<1x80x128xf32, #tpu.memory_space<vmem>> -> memref<80x128xf32, #tpu.memory_space<vmem>>
        %dma_start3A_181 = arith.constant 0 : i32
        %dma_start3A_182 = tpu.memref_slice %arg7[%mul3A_174, %dma_start3A_181] : memref<10000x128xf32, #tpu.memory_space<vmem_shared>> -> memref<80x128xf32, #tpu.memory_space<vmem_shared>>
        %dma_start3A_183 = arith.constant 0 : i32
        %dma_start3A_184 = tpu.memref_slice %arg7[%mul3A_174, %dma_start3A_183] : memref<10000x128xf32, #tpu.memory_space<vmem_shared>> -> memref<80x128xf32, #tpu.memory_space<vmem_shared>>
        %dma_start3A_185 = arith.constant 0 : i32
        %dma_start3A_186 = arith.constant 0 : i32
        %dma_start3A_187 = tpu.memref_slice %arg6[%run_scoped3A, %dma_start3A_185, %dma_start3A_186] : memref<2x128x128xf32, #tpu.memory_space<vmem>> -> memref<1x80x128xf32, #tpu.memory_space<vmem>>
        %dma_start3A_188 = tpu.memref_squeeze %dma_start3A_187 : memref<1x80x128xf32, #tpu.memory_space<vmem>> -> memref<80x128xf32, #tpu.memory_space<vmem>>
        tpu.enqueue_dma source(%dma_start3A_188 : memref<80x128xf32, #tpu.memory_space<vmem>>) target(%dma_start3A_184 : memref<80x128xf32, #tpu.memory_space<vmem_shared>>) target_semaphore(%run_scoped3A_176 : memref<!tpu.dma_semaphore, #tpu.memory_space<semaphore_mem>>)
        %dma_wait3A_189 = arith.constant 0 : i32
        %dma_wait3A_190 = arith.constant 0 : i32
        %dma_wait3A_191 = tpu.memref_slice %arg6[%run_scoped3A, %dma_wait3A_189, %dma_wait3A_190] : memref<2x128x128xf32, #tpu.memory_space<vmem>> -> memref<1x80x128xf32, #tpu.memory_space<vmem>>
        %dma_wait3A_192 = tpu.memref_squeeze %dma_wait3A_191 : memref<1x80x128xf32, #tpu.memory_space<vmem>> -> memref<80x128xf32, #tpu.memory_space<vmem>>
        %dma_wait3A_193 = arith.constant 0 : i32
        %dma_wait3A_194 = tpu.memref_slice %arg7[%mul3A_174, %dma_wait3A_193] : memref<10000x128xf32, #tpu.memory_space<vmem_shared>> -> memref<80x128xf32, #tpu.memory_space<vmem_shared>>
        %dma_wait3A_195 = arith.constant 0 : i32
        %dma_wait3A_196 = tpu.memref_slice %arg7[%mul3A_174, %dma_wait3A_195] : memref<10000x128xf32, #tpu.memory_space<vmem_shared>> -> memref<80x128xf32, #tpu.memory_space<vmem_shared>>
        %dma_wait3A_197 = arith.constant 0 : i32
        %dma_wait3A_198 = arith.constant 0 : i32
        %dma_wait3A_199 = tpu.memref_slice %arg6[%run_scoped3A, %dma_wait3A_197, %dma_wait3A_198] : memref<2x128x128xf32, #tpu.memory_space<vmem>> -> memref<1x80x128xf32, #tpu.memory_space<vmem>>
        %dma_wait3A_200 = tpu.memref_squeeze %dma_wait3A_199 : memref<1x80x128xf32, #tpu.memory_space<vmem>> -> memref<80x128xf32, #tpu.memory_space<vmem>>
        tpu.wait_dma2 semaphore(%run_scoped3A_176 : memref<!tpu.dma_semaphore, #tpu.memory_space<semaphore_mem>>) src(%dma_wait3A_200 : memref<80x128xf32, #tpu.memory_space<vmem>>) dst(%dma_wait3A_196 : memref<80x128xf32, #tpu.memory_space<vmem_shared>>)
        tpu.yield
      }) : () -> ()
      %while3A_175 = arith.constant 0 : i32
      scf.yield %while3A_175 : i32
    }
    %dma_wait3A = arith.constant 0 : i32
    %dma_wait3A_118 = arith.constant 0 : i32
    %dma_wait3A_119 = arith.constant 0 : i32
    %dma_wait3A_120 = arith.constant 0 : i32
    %dma_wait3A_121 = tpu.memref_slice %arg5[%dma_wait3A_118, %dma_wait3A_119, %dma_wait3A_120] : memref<3x3x128xi32, #tpu.memory_space<vmem>> -> memref<1x3x128xi32, #tpu.memory_space<vmem>>
    %dma_wait3A_122 = tpu.memref_squeeze %dma_wait3A_121 : memref<1x3x128xi32, #tpu.memory_space<vmem>> -> memref<3x128xi32, #tpu.memory_space<vmem>>
    %dma_wait3A_123 = arith.constant 0 : i32
    %dma_wait3A_124 = arith.constant 0 : i32
    %dma_wait3A_125 = tpu.memref_slice %arg3[%dma_wait3A, %dma_wait3A_123, %dma_wait3A_124] : memref<2500x3x128xi32, #tpu.memory_space<hbm>> -> memref<1x3x128xi32, #tpu.memory_space<hbm>>
    %dma_wait3A_126 = tpu.memref_squeeze %dma_wait3A_125 : memref<1x3x128xi32, #tpu.memory_space<hbm>> -> memref<3x128xi32, #tpu.memory_space<hbm>>
    %dma_wait3A_127 = arith.constant 0 : i32
    %dma_wait3A_128 = arith.constant 0 : i32
    %dma_wait3A_129 = tpu.memref_slice %arg5[%dma_wait3A_118, %dma_wait3A_127, %dma_wait3A_128] : memref<3x3x128xi32, #tpu.memory_space<vmem>> -> memref<1x3x128xi32, #tpu.memory_space<vmem>>
    %dma_wait3A_130 = tpu.memref_squeeze %dma_wait3A_129 : memref<1x3x128xi32, #tpu.memory_space<vmem>> -> memref<3x128xi32, #tpu.memory_space<vmem>>
    %dma_wait3A_131 = arith.constant 0 : i32
    %dma_wait3A_132 = arith.constant 0 : i32
    %dma_wait3A_133 = tpu.memref_slice %arg3[%dma_wait3A, %dma_wait3A_131, %dma_wait3A_132] : memref<2500x3x128xi32, #tpu.memory_space<hbm>> -> memref<1x3x128xi32, #tpu.memory_space<hbm>>
    %dma_wait3A_134 = tpu.memref_squeeze %dma_wait3A_133 : memref<1x3x128xi32, #tpu.memory_space<hbm>> -> memref<3x128xi32, #tpu.memory_space<hbm>>
    tpu.wait_dma2 semaphore(%arg8 : memref<!tpu.dma_semaphore, #tpu.memory_space<semaphore_mem>>) src(%dma_wait3A_134 : memref<3x128xi32, #tpu.memory_space<hbm>>) dst(%dma_wait3A_130 : memref<3x128xi32, #tpu.memory_space<vmem>>)
    %dma_start3A_135 = arith.constant 0 : i32
    %dma_start3A_136 = arith.constant 0 : i32
    %dma_start3A_137 = arith.constant 0 : i32
    %dma_start3A_138 = arith.constant 0 : i32
    %dma_start3A_139 = arith.constant 0 : i32
    %dma_start3A_140 = tpu.memref_slice %arg6[%dma_start3A_137, %dma_start3A_138, %dma_start3A_139] : memref<2x128x128xf32, #tpu.memory_space<vmem>> -> memref<1x128x128xf32, #tpu.memory_space<vmem>>
    %dma_start3A_141 = tpu.memref_squeeze %dma_start3A_140 : memref<1x128x128xf32, #tpu.memory_space<vmem>> -> memref<128x128xf32, #tpu.memory_space<vmem>>
    %dma_start3A_142 = arith.constant 0 : i32
    %dma_start3A_143 = tpu.memref_slice %arg5[%dma_start3A_135, %dma_start3A_136, %dma_start3A_142] : memref<3x3x128xi32, #tpu.memory_space<vmem>> -> memref<1x1x128xi32, #tpu.memory_space<vmem>>
    %dma_start3A_144 = tpu.memref_squeeze %dma_start3A_143 : memref<1x1x128xi32, #tpu.memory_space<vmem>> -> memref<128xi32, #tpu.memory_space<vmem>>
    %dma_start3A_145 = arith.constant 0 : i32
    %dma_start3A_146 = arith.constant 0 : i32
    %dma_start3A_147 = tpu.memref_slice %arg2[%dma_start3A_145, %dma_start3A_146] : memref<10000x128xf32, #tpu.memory_space<hbm>> -> memref<10000x128xf32, #tpu.memory_space<hbm>>
    tpu.enqueue_indirect_dma source(%dma_start3A_147 : memref<10000x128xf32, #tpu.memory_space<hbm>>) target(%dma_start3A_141 : memref<128x128xf32, #tpu.memory_space<vmem>>) offsets(%dma_start3A_144 : memref<128xi32, #tpu.memory_space<vmem>>) semaphore(%arg11 : memref<!tpu.dma_semaphore, #tpu.memory_space<semaphore_mem>>)
    %barrier3A = arith.constant 0 : index
    tpu.barrier barrier_id(%barrier3A)
    %scan3A_148 = arith.constant 0 : i32
    %scan3A_149 = arith.constant 0 : i32
    %scan3A_150 = arith.constant 14 : i32
    %scan3A_151 = arith.addi %scan3A_149, %scan3A_150 : i32
    %scan3A_152 = arith.constant 1 : i32
    %scan3A_153 = scf.for %scan3A_168 = %scan3A_149 to %scan3A_151 step %scan3A_152 iter_args(%scan3A_169 = %scan3A_148) -> (i32)  : i32 {
      %mul3A_170 = arith.constant 6 : i32
      %mul3A_171 = arith.muli %scan3A_168, %mul3A_170 : i32
      %add3A_172 = arith.constant 0 : i32
      %add3A_173 = arith.addi %mul3A_171, %add3A_172 : i32
      %lt3A = arith.cmpi slt, %add3A_173, %select_n3A : i32
      %convert_element_type3A = arith.extui %lt3A : i1 to i32
      %cond3A = arith.constant 0 : i32
      %cond3A_174 = arith.cmpi ne, %convert_element_type3A, %cond3A : i32
      scf.if %cond3A_174 {
        %dma_wait3A_377 = arith.constant 0 : i32
        %dma_wait3A_378 = arith.constant 0 : i32
        %dma_wait3A_379 = arith.constant 0 : i32
        %dma_wait3A_380 = arith.constant 0 : i32
        %dma_wait3A_381 = arith.constant 0 : i32
        %dma_wait3A_382 = tpu.memref_slice %arg6[%dma_wait3A_379, %dma_wait3A_380, %dma_wait3A_381] : memref<2x128x128xf32, #tpu.memory_space<vmem>> -> memref<1x128x128xf32, #tpu.memory_space<vmem>>
        %dma_wait3A_383 = tpu.memref_squeeze %dma_wait3A_382 : memref<1x128x128xf32, #tpu.memory_space<vmem>> -> memref<128x128xf32, #tpu.memory_space<vmem>>
        %dma_wait3A_384 = arith.constant 0 : i32
        %dma_wait3A_385 = tpu.memref_slice %arg5[%dma_wait3A_377, %dma_wait3A_378, %dma_wait3A_384] : memref<3x3x128xi32, #tpu.memory_space<vmem>> -> memref<1x1x128xi32, #tpu.memory_space<vmem>>
        %dma_wait3A_386 = tpu.memref_squeeze %dma_wait3A_385 : memref<1x1x128xi32, #tpu.memory_space<vmem>> -> memref<128xi32, #tpu.memory_space<vmem>>
        %dma_wait3A_387 = arith.constant 0 : i32
        %dma_wait3A_388 = arith.constant 0 : i32
        %dma_wait3A_389 = tpu.memref_slice %arg2[%dma_wait3A_387, %dma_wait3A_388] : memref<10000x128xf32, #tpu.memory_space<hbm>> -> memref<10000x128xf32, #tpu.memory_space<hbm>>
        tpu.wait_indirect_dma semaphore(%arg11 : memref<!tpu.dma_semaphore, #tpu.memory_space<semaphore_mem>>) src(%dma_wait3A_389 : memref<10000x128xf32, #tpu.memory_space<hbm>>) dst(%dma_wait3A_383 : memref<128x128xf32, #tpu.memory_space<vmem>>)
      } else {
      }
      %sub3A_175 = arith.constant 1 : i32
      %sub3A_176 = arith.subi %add3A_173, %sub3A_175 : i32
      %ge3A = arith.constant 0 : i32
      %ge3A_177 = arith.cmpi sge, %sub3A_176, %ge3A : i32
      %sub3A_178 = arith.constant 1 : i32
      %sub3A_179 = arith.subi %add3A_173, %sub3A_178 : i32
      %lt3A_180 = arith.cmpi slt, %sub3A_179, %select_n3A : i32
      %and3A_181 = arith.andi %ge3A_177, %lt3A_180 : i1
      %convert_element_type3A_182 = arith.extui %and3A_181 : i1 to i32
      %cond3A_183 = arith.constant 0 : i32
      %cond3A_184 = arith.cmpi ne, %convert_element_type3A_182, %cond3A_183 : i32
      scf.if %cond3A_184 {
        %dma_wait3A_377 = arith.constant 1 : i32
        %dma_wait3A_378 = arith.constant 0 : i32
        %dma_wait3A_379 = arith.constant 1 : i32
        %dma_wait3A_380 = arith.constant 0 : i32
        %dma_wait3A_381 = arith.constant 0 : i32
        %dma_wait3A_382 = tpu.memref_slice %arg6[%dma_wait3A_377, %dma_wait3A_380, %dma_wait3A_381] : memref<2x128x128xf32, #tpu.memory_space<vmem>> -> memref<1x128x128xf32, #tpu.memory_space<vmem>>
        %dma_wait3A_383 = tpu.memref_squeeze %dma_wait3A_382 : memref<1x128x128xf32, #tpu.memory_space<vmem>> -> memref<128x128xf32, #tpu.memory_space<vmem>>
        %dma_wait3A_384 = arith.constant 0 : i32
        %dma_wait3A_385 = tpu.memref_slice %arg5[%dma_wait3A_378, %dma_wait3A_379, %dma_wait3A_384] : memref<3x3x128xi32, #tpu.memory_space<vmem>> -> memref<1x1x128xi32, #tpu.memory_space<vmem>>
        %dma_wait3A_386 = tpu.memref_squeeze %dma_wait3A_385 : memref<1x1x128xi32, #tpu.memory_space<vmem>> -> memref<128xi32, #tpu.memory_space<vmem>>
        %dma_wait3A_387 = arith.constant 0 : i32
        %dma_wait3A_388 = arith.constant 0 : i32
        %dma_wait3A_389 = tpu.memref_slice %arg7[%dma_wait3A_387, %dma_wait3A_388] : memref<10000x128xf32, #tpu.memory_space<vmem_shared>> -> memref<10000x128xf32, #tpu.memory_space<vmem_shared>>
        tpu.wait_indirect_dma semaphore(%arg14 : memref<!tpu.dma_semaphore, #tpu.memory_space<semaphore_mem>>) src(%dma_wait3A_383 : memref<128x128xf32, #tpu.memory_space<vmem>>) dst(%dma_wait3A_389 : memref<10000x128xf32, #tpu.memory_space<vmem_shared>>)
      } else {
      }
      %add3A_185 = arith.constant 2 : i32
      %add3A_186 = arith.addi %add3A_173, %add3A_185 : i32
      %lt3A_187 = arith.cmpi slt, %add3A_186, %select_n3A : i32
      %convert_element_type3A_188 = arith.extui %lt3A_187 : i1 to i32
      %cond3A_189 = arith.constant 0 : i32
      %cond3A_190 = arith.cmpi ne, %convert_element_type3A_188, %cond3A_189 : i32
      scf.if %cond3A_190 {
        %add3A_377 = arith.constant 2 : i32
        %add3A_378 = arith.addi %add3A_173, %add3A_377 : i32
        %mul3A_379 = arith.constant 1250 : i32
        %mul3A_380 = arith.muli %arg0, %mul3A_379 : i32
        %add3A_381 = arith.addi %mul3A_380, %arg1 : i32
        %min3A_382 = arith.minsi %add3A_378, %sub3A_22 : i32
        %mul3A_383 = arith.constant 16 : i32
        %mul3A_384 = arith.muli %min3A_382, %mul3A_383 : i32
        %add3A_385 = arith.addi %add3A_381, %mul3A_384 : i32
        %dma_start3A_386 = arith.constant 2 : i32
        %dma_start3A_387 = arith.constant 0 : i32
        %dma_start3A_388 = arith.constant 0 : i32
        %dma_start3A_389 = tpu.memref_slice %arg5[%dma_start3A_386, %dma_start3A_387, %dma_start3A_388] : memref<3x3x128xi32, #tpu.memory_space<vmem>> -> memref<1x3x128xi32, #tpu.memory_space<vmem>>
        %dma_start3A_390 = tpu.memref_squeeze %dma_start3A_389 : memref<1x3x128xi32, #tpu.memory_space<vmem>> -> memref<3x128xi32, #tpu.memory_space<vmem>>
        %dma_start3A_391 = arith.constant 0 : i32
        %dma_start3A_392 = arith.constant 0 : i32
        %dma_start3A_393 = tpu.memref_slice %arg3[%add3A_385, %dma_start3A_391, %dma_start3A_392] : memref<2500x3x128xi32, #tpu.memory_space<hbm>> -> memref<1x3x128xi32, #tpu.memory_space<hbm>>
        %dma_start3A_394 = tpu.memref_squeeze %dma_start3A_393 : memref<1x3x128xi32, #tpu.memory_space<hbm>> -> memref<3x128xi32, #tpu.memory_space<hbm>>
        %dma_start3A_395 = arith.constant 0 : i32
        %dma_start3A_396 = arith.constant 0 : i32
        %dma_start3A_397 = tpu.memref_slice %arg5[%dma_start3A_386, %dma_start3A_395, %dma_start3A_396] : memref<3x3x128xi32, #tpu.memory_space<vmem>> -> memref<1x3x128xi32, #tpu.memory_space<vmem>>
        %dma_start3A_398 = tpu.memref_squeeze %dma_start3A_397 : memref<1x3x128xi32, #tpu.memory_space<vmem>> -> memref<3x128xi32, #tpu.memory_space<vmem>>
        %dma_start3A_399 = arith.constant 0 : i32
        %dma_start3A_400 = arith.constant 0 : i32
        %dma_start3A_401 = tpu.memref_slice %arg3[%add3A_385, %dma_start3A_399, %dma_start3A_400] : memref<2500x3x128xi32, #tpu.memory_space<hbm>> -> memref<1x3x128xi32, #tpu.memory_space<hbm>>
        %dma_start3A_402 = tpu.memref_squeeze %dma_start3A_401 : memref<1x3x128xi32, #tpu.memory_space<hbm>> -> memref<3x128xi32, #tpu.memory_space<hbm>>
        tpu.enqueue_dma source(%dma_start3A_402 : memref<3x128xi32, #tpu.memory_space<hbm>>) target(%dma_start3A_398 : memref<3x128xi32, #tpu.memory_space<vmem>>) target_semaphore(%arg10 : memref<!tpu.dma_semaphore, #tpu.memory_space<semaphore_mem>>)
      } else {
      }
      %add3A_191 = arith.constant 1 : i32
      %add3A_192 = arith.addi %add3A_173, %add3A_191 : i32
      %lt3A_193 = arith.cmpi slt, %add3A_192, %select_n3A : i32
      %convert_element_type3A_194 = arith.extui %lt3A_193 : i1 to i32
      %cond3A_195 = arith.constant 0 : i32
      %cond3A_196 = arith.cmpi ne, %convert_element_type3A_194, %cond3A_195 : i32
      scf.if %cond3A_196 {
        %dma_wait3A_377 = arith.constant 0 : i32
        %dma_wait3A_378 = arith.constant 1 : i32
        %dma_wait3A_379 = arith.constant 0 : i32
        %dma_wait3A_380 = arith.constant 0 : i32
        %dma_wait3A_381 = tpu.memref_slice %arg5[%dma_wait3A_378, %dma_wait3A_379, %dma_wait3A_380] : memref<3x3x128xi32, #tpu.memory_space<vmem>> -> memref<1x3x128xi32, #tpu.memory_space<vmem>>
        %dma_wait3A_382 = tpu.memref_squeeze %dma_wait3A_381 : memref<1x3x128xi32, #tpu.memory_space<vmem>> -> memref<3x128xi32, #tpu.memory_space<vmem>>
        %dma_wait3A_383 = arith.constant 0 : i32
        %dma_wait3A_384 = arith.constant 0 : i32
        %dma_wait3A_385 = tpu.memref_slice %arg3[%dma_wait3A_377, %dma_wait3A_383, %dma_wait3A_384] : memref<2500x3x128xi32, #tpu.memory_space<hbm>> -> memref<1x3x128xi32, #tpu.memory_space<hbm>>
        %dma_wait3A_386 = tpu.memref_squeeze %dma_wait3A_385 : memref<1x3x128xi32, #tpu.memory_space<hbm>> -> memref<3x128xi32, #tpu.memory_space<hbm>>
        %dma_wait3A_387 = arith.constant 0 : i32
        %dma_wait3A_388 = arith.constant 0 : i32
        %dma_wait3A_389 = tpu.memref_slice %arg5[%dma_wait3A_378, %dma_wait3A_387, %dma_wait3A_388] : memref<3x3x128xi32, #tpu.memory_space<vmem>> -> memref<1x3x128xi32, #tpu.memory_space<vmem>>
        %dma_wait3A_390 = tpu.memref_squeeze %dma_wait3A_389 : memref<1x3x128xi32, #tpu.memory_space<vmem>> -> memref<3x128xi32, #tpu.memory_space<vmem>>
        %dma_wait3A_391 = arith.constant 0 : i32
        %dma_wait3A_392 = arith.constant 0 : i32
        %dma_wait3A_393 = tpu.memref_slice %arg3[%dma_wait3A_377, %dma_wait3A_391, %dma_wait3A_392] : memref<2500x3x128xi32, #tpu.memory_space<hbm>> -> memref<1x3x128xi32, #tpu.memory_space<hbm>>
        %dma_wait3A_394 = tpu.memref_squeeze %dma_wait3A_393 : memref<1x3x128xi32, #tpu.memory_space<hbm>> -> memref<3x128xi32, #tpu.memory_space<hbm>>
        tpu.wait_dma2 semaphore(%arg9 : memref<!tpu.dma_semaphore, #tpu.memory_space<semaphore_mem>>) src(%dma_wait3A_394 : memref<3x128xi32, #tpu.memory_space<hbm>>) dst(%dma_wait3A_390 : memref<3x128xi32, #tpu.memory_space<vmem>>)
        %add3A_395 = arith.constant 1 : i32
        %add3A_396 = arith.addi %add3A_173, %add3A_395 : i32
        %jit3A_397 = arith.constant 3 : i32
        %eq3A = arith.constant 0 : i32
        %eq3A_398 = arith.cmpi eq, %jit3A_397, %eq3A : i32
        %jit3A_399 = arith.constant 1 : i32
        %select_n3A_400 = arith.select %eq3A_398, %jit3A_399, %jit3A_397 : i32
        %rem3A_401 = arith.remsi %add3A_396, %select_n3A_400 : i32
        %ne3A_402 = arith.constant 0 : i32
        %ne3A_403 = arith.cmpi ne, %rem3A_401, %ne3A_402 : i32
        %lt3A_404 = arith.constant 0 : i32
        %lt3A_405 = arith.cmpi slt, %rem3A_401, %lt3A_404 : i32
        %lt3A_406 = arith.constant 0 : i32
        %lt3A_407 = arith.cmpi slt, %select_n3A_400, %lt3A_406 : i32
        %ne3A_408 = arith.xori %lt3A_405, %lt3A_407 : i1
        %and3A_409 = arith.andi %ne3A_408, %ne3A_403 : i1
        %add3A_410 = arith.addi %rem3A_401, %select_n3A_400 : i32
        %select_n3A_411 = arith.select %and3A_409, %add3A_410, %rem3A_401 : i32
        %dma_start3A_412 = arith.constant 0 : i32
        %dma_start3A_413 = arith.constant 1 : i32
        %dma_start3A_414 = arith.constant 0 : i32
        %dma_start3A_415 = arith.constant 0 : i32
        %dma_start3A_416 = tpu.memref_slice %arg6[%dma_start3A_413, %dma_start3A_414, %dma_start3A_415] : memref<2x128x128xf32, #tpu.memory_space<vmem>> -> memref<1x128x128xf32, #tpu.memory_space<vmem>>
        %dma_start3A_417 = tpu.memref_squeeze %dma_start3A_416 : memref<1x128x128xf32, #tpu.memory_space<vmem>> -> memref<128x128xf32, #tpu.memory_space<vmem>>
        %dma_start3A_418 = arith.constant 0 : i32
        %dma_start3A_419 = tpu.memref_slice %arg5[%select_n3A_411, %dma_start3A_412, %dma_start3A_418] : memref<3x3x128xi32, #tpu.memory_space<vmem>> -> memref<1x1x128xi32, #tpu.memory_space<vmem>>
        %dma_start3A_420 = tpu.memref_squeeze %dma_start3A_419 : memref<1x1x128xi32, #tpu.memory_space<vmem>> -> memref<128xi32, #tpu.memory_space<vmem>>
        %dma_start3A_421 = arith.constant 0 : i32
        %dma_start3A_422 = arith.constant 0 : i32
        %dma_start3A_423 = tpu.memref_slice %arg2[%dma_start3A_421, %dma_start3A_422] : memref<10000x128xf32, #tpu.memory_space<hbm>> -> memref<10000x128xf32, #tpu.memory_space<hbm>>
        tpu.enqueue_indirect_dma source(%dma_start3A_423 : memref<10000x128xf32, #tpu.memory_space<hbm>>) target(%dma_start3A_417 : memref<128x128xf32, #tpu.memory_space<vmem>>) offsets(%dma_start3A_420 : memref<128xi32, #tpu.memory_space<vmem>>) semaphore(%arg12 : memref<!tpu.dma_semaphore, #tpu.memory_space<semaphore_mem>>)
      } else {
      }
      %lt3A_197 = arith.cmpi slt, %add3A_173, %select_n3A : i32
      %convert_element_type3A_198 = arith.extui %lt3A_197 : i1 to i32
      %cond3A_199 = arith.constant 0 : i32
      %cond3A_200 = arith.cmpi ne, %convert_element_type3A_198, %cond3A_199 : i32
      scf.if %cond3A_200 {
        %parallel_loop3A = arith.constant 0 : i32
        %parallel_loop3A_377 = arith.constant 128 : i32
        %parallel_loop3A_378 = arith.constant 1 : i32
        %parallel_loop3A_379 = arith.constant 0 : i32
        %parallel_loop3A_380 = arith.constant 2 : i32
        scf.for %parallel_loop3A_394 = %parallel_loop3A to %parallel_loop3A_377 step %parallel_loop3A_378  : i32 {
          %parallel_loop3A_395 = vector.broadcast %parallel_loop3A_394 : i32 to vector<16xi32>
          %parallel_loop3A_396 = arith.constant 0 : i32
          %parallel_loop3A_397 = tpu.memref_slice %arg5[%parallel_loop3A_379, %parallel_loop3A_380, %parallel_loop3A_396] : memref<3x3x128xi32, #tpu.memory_space<vmem>> -> memref<1x1x128xi32, #tpu.memory_space<vmem>>
          %parallel_loop3A_398 = tpu.memref_squeeze %parallel_loop3A_397 : memref<1x1x128xi32, #tpu.memory_space<vmem>> -> memref<128xi32, #tpu.memory_space<vmem>>
          %parallel_loop3A_399 = tpu.vector_load_idx %parallel_loop3A_398[%parallel_loop3A_395] : memref<128xi32, #tpu.memory_space<vmem>>[vector<16xi32>], vector<16xi32>,
          %parallel_loop3A_400 = vector.bitcast %parallel_loop3A_399 : vector<16xi32> to vector<16xf32>
          %parallel_loop3A_401 = arith.constant 0 : i32
          %parallel_loop3A_402 = arith.index_cast %parallel_loop3A_401 : i32 to index
          %parallel_loop3A_403 = arith.index_cast %parallel_loop3A_394 : i32 to index
          %parallel_loop3A_404 = arith.constant 0 : index
          %parallel_loop3A_405 = tpu.vector_load %arg6[%parallel_loop3A_402, %parallel_loop3A_403, %parallel_loop3A_404] {strides = array<i32>} : memref<2x128x128xf32, #tpu.memory_space<vmem>>, vector<16xf32>,
          %parallel_loop3A_406 = arith.mulf %parallel_loop3A_405, %parallel_loop3A_400 : vector<16xf32>
          %parallel_loop3A_407 = arith.constant 0 : i32
          %parallel_loop3A_408 = arith.index_cast %parallel_loop3A_407 : i32 to index
          %parallel_loop3A_409 = arith.index_cast %parallel_loop3A_394 : i32 to index
          %parallel_loop3A_410 = arith.constant 0 : index
          %parallel_loop3A_411 = tpu.vector_load %arg6[%parallel_loop3A_408, %parallel_loop3A_409, %parallel_loop3A_410] {strides = array<i32>} : memref<2x128x128xf32, #tpu.memory_space<vmem>>, vector<16xf32>,
          tpu.vector_store %arg6[%parallel_loop3A_408, %parallel_loop3A_409, %parallel_loop3A_410], %parallel_loop3A_406 {strides = array<i32>} : memref<2x128x128xf32, #tpu.memory_space<vmem>>, vector<16xf32>,
          %parallel_loop3A_412 = arith.constant 0 : i32
          %parallel_loop3A_413 = arith.index_cast %parallel_loop3A_412 : i32 to index
          %parallel_loop3A_414 = arith.index_cast %parallel_loop3A_394 : i32 to index
          %parallel_loop3A_415 = arith.constant 16 : index
          %parallel_loop3A_416 = tpu.vector_load %arg6[%parallel_loop3A_413, %parallel_loop3A_414, %parallel_loop3A_415] {strides = array<i32>} : memref<2x128x128xf32, #tpu.memory_space<vmem>>, vector<16xf32>,
          %parallel_loop3A_417 = arith.mulf %parallel_loop3A_416, %parallel_loop3A_400 : vector<16xf32>
          %parallel_loop3A_418 = arith.constant 0 : i32
          %parallel_loop3A_419 = arith.index_cast %parallel_loop3A_418 : i32 to index
          %parallel_loop3A_420 = arith.index_cast %parallel_loop3A_394 : i32 to index
          %parallel_loop3A_421 = arith.constant 16 : index
          %parallel_loop3A_422 = tpu.vector_load %arg6[%parallel_loop3A_419, %parallel_loop3A_420, %parallel_loop3A_421] {strides = array<i32>} : memref<2x128x128xf32, #tpu.memory_space<vmem>>, vector<16xf32>,
          tpu.vector_store %arg6[%parallel_loop3A_419, %parallel_loop3A_420, %parallel_loop3A_421], %parallel_loop3A_417 {strides = array<i32>} : memref<2x128x128xf32, #tpu.memory_space<vmem>>, vector<16xf32>,
          %parallel_loop3A_423 = arith.constant 0 : i32
          %parallel_loop3A_424 = arith.index_cast %parallel_loop3A_423 : i32 to index
          %parallel_loop3A_425 = arith.index_cast %parallel_loop3A_394 : i32 to index
          %parallel_loop3A_426 = arith.constant 32 : index
          %parallel_loop3A_427 = tpu.vector_load %arg6[%parallel_loop3A_424, %parallel_loop3A_425, %parallel_loop3A_426] {strides = array<i32>} : memref<2x128x128xf32, #tpu.memory_space<vmem>>, vector<16xf32>,
          %parallel_loop3A_428 = arith.mulf %parallel_loop3A_427, %parallel_loop3A_400 : vector<16xf32>
          %parallel_loop3A_429 = arith.constant 0 : i32
          %parallel_loop3A_430 = arith.index_cast %parallel_loop3A_429 : i32 to index
          %parallel_loop3A_431 = arith.index_cast %parallel_loop3A_394 : i32 to index
          %parallel_loop3A_432 = arith.constant 32 : index
          %parallel_loop3A_433 = tpu.vector_load %arg6[%parallel_loop3A_430, %parallel_loop3A_431, %parallel_loop3A_432] {strides = array<i32>} : memref<2x128x128xf32, #tpu.memory_space<vmem>>, vector<16xf32>,
          tpu.vector_store %arg6[%parallel_loop3A_430, %parallel_loop3A_431, %parallel_loop3A_432], %parallel_loop3A_428 {strides = array<i32>} : memref<2x128x128xf32, #tpu.memory_space<vmem>>, vector<16xf32>,
          %parallel_loop3A_434 = arith.constant 0 : i32
          %parallel_loop3A_435 = arith.index_cast %parallel_loop3A_434 : i32 to index
          %parallel_loop3A_436 = arith.index_cast %parallel_loop3A_394 : i32 to index
          %parallel_loop3A_437 = arith.constant 48 : index
          %parallel_loop3A_438 = tpu.vector_load %arg6[%parallel_loop3A_435, %parallel_loop3A_436, %parallel_loop3A_437] {strides = array<i32>} : memref<2x128x128xf32, #tpu.memory_space<vmem>>, vector<16xf32>,
          %parallel_loop3A_439 = arith.mulf %parallel_loop3A_438, %parallel_loop3A_400 : vector<16xf32>
          %parallel_loop3A_440 = arith.constant 0 : i32
          %parallel_loop3A_441 = arith.index_cast %parallel_loop3A_440 : i32 to index
          %parallel_loop3A_442 = arith.index_cast %parallel_loop3A_394 : i32 to index
          %parallel_loop3A_443 = arith.constant 48 : index
          %parallel_loop3A_444 = tpu.vector_load %arg6[%parallel_loop3A_441, %parallel_loop3A_442, %parallel_loop3A_443] {strides = array<i32>} : memref<2x128x128xf32, #tpu.memory_space<vmem>>, vector<16xf32>,
          tpu.vector_store %arg6[%parallel_loop3A_441, %parallel_loop3A_442, %parallel_loop3A_443], %parallel_loop3A_439 {strides = array<i32>} : memref<2x128x128xf32, #tpu.memory_space<vmem>>, vector<16xf32>,
          %parallel_loop3A_445 = arith.constant 0 : i32
          %parallel_loop3A_446 = arith.index_cast %parallel_loop3A_445 : i32 to index
          %parallel_loop3A_447 = arith.index_cast %parallel_loop3A_394 : i32 to index
          %parallel_loop3A_448 = arith.constant 64 : index
          %parallel_loop3A_449 = tpu.vector_load %arg6[%parallel_loop3A_446, %parallel_loop3A_447, %parallel_loop3A_448] {strides = array<i32>} : memref<2x128x128xf32, #tpu.memory_space<vmem>>, vector<16xf32>,
          %parallel_loop3A_450 = arith.mulf %parallel_loop3A_449, %parallel_loop3A_400 : vector<16xf32>
          %parallel_loop3A_451 = arith.constant 0 : i32
          %parallel_loop3A_452 = arith.index_cast %parallel_loop3A_451 : i32 to index
          %parallel_loop3A_453 = arith.index_cast %parallel_loop3A_394 : i32 to index
          %parallel_loop3A_454 = arith.constant 64 : index
          %parallel_loop3A_455 = tpu.vector_load %arg6[%parallel_loop3A_452, %parallel_loop3A_453, %parallel_loop3A_454] {strides = array<i32>} : memref<2x128x128xf32, #tpu.memory_space<vmem>>, vector<16xf32>,
          tpu.vector_store %arg6[%parallel_loop3A_452, %parallel_loop3A_453, %parallel_loop3A_454], %parallel_loop3A_450 {strides = array<i32>} : memref<2x128x128xf32, #tpu.memory_space<vmem>>, vector<16xf32>,
          %parallel_loop3A_456 = arith.constant 0 : i32
          %parallel_loop3A_457 = arith.index_cast %parallel_loop3A_456 : i32 to index
          %parallel_loop3A_458 = arith.index_cast %parallel_loop3A_394 : i32 to index
          %parallel_loop3A_459 = arith.constant 80 : index
          %parallel_loop3A_460 = tpu.vector_load %arg6[%parallel_loop3A_457, %parallel_loop3A_458, %parallel_loop3A_459] {strides = array<i32>} : memref<2x128x128xf32, #tpu.memory_space<vmem>>, vector<16xf32>,
          %parallel_loop3A_461 = arith.mulf %parallel_loop3A_460, %parallel_loop3A_400 : vector<16xf32>
          %parallel_loop3A_462 = arith.constant 0 : i32
          %parallel_loop3A_463 = arith.index_cast %parallel_loop3A_462 : i32 to index
          %parallel_loop3A_464 = arith.index_cast %parallel_loop3A_394 : i32 to index
          %parallel_loop3A_465 = arith.constant 80 : index
          %parallel_loop3A_466 = tpu.vector_load %arg6[%parallel_loop3A_463, %parallel_loop3A_464, %parallel_loop3A_465] {strides = array<i32>} : memref<2x128x128xf32, #tpu.memory_space<vmem>>, vector<16xf32>,
          tpu.vector_store %arg6[%parallel_loop3A_463, %parallel_loop3A_464, %parallel_loop3A_465], %parallel_loop3A_461 {strides = array<i32>} : memref<2x128x128xf32, #tpu.memory_space<vmem>>, vector<16xf32>,
          %parallel_loop3A_467 = arith.constant 0 : i32
          %parallel_loop3A_468 = arith.index_cast %parallel_loop3A_467 : i32 to index
          %parallel_loop3A_469 = arith.index_cast %parallel_loop3A_394 : i32 to index
          %parallel_loop3A_470 = arith.constant 96 : index
          %parallel_loop3A_471 = tpu.vector_load %arg6[%parallel_loop3A_468, %parallel_loop3A_469, %parallel_loop3A_470] {strides = array<i32>} : memref<2x128x128xf32, #tpu.memory_space<vmem>>, vector<16xf32>,
          %parallel_loop3A_472 = arith.mulf %parallel_loop3A_471, %parallel_loop3A_400 : vector<16xf32>
          %parallel_loop3A_473 = arith.constant 0 : i32
          %parallel_loop3A_474 = arith.index_cast %parallel_loop3A_473 : i32 to index
          %parallel_loop3A_475 = arith.index_cast %parallel_loop3A_394 : i32 to index
          %parallel_loop3A_476 = arith.constant 96 : index
          %parallel_loop3A_477 = tpu.vector_load %arg6[%parallel_loop3A_474, %parallel_loop3A_475, %parallel_loop3A_476] {strides = array<i32>} : memref<2x128x128xf32, #tpu.memory_space<vmem>>, vector<16xf32>,
          tpu.vector_store %arg6[%parallel_loop3A_474, %parallel_loop3A_475, %parallel_loop3A_476], %parallel_loop3A_472 {strides = array<i32>} : memref<2x128x128xf32, #tpu.memory_space<vmem>>, vector<16xf32>,
          %parallel_loop3A_478 = arith.constant 0 : i32
          %parallel_loop3A_479 = arith.index_cast %parallel_loop3A_478 : i32 to index
          %parallel_loop3A_480 = arith.index_cast %parallel_loop3A_394 : i32 to index
          %parallel_loop3A_481 = arith.constant 112 : index
          %parallel_loop3A_482 = tpu.vector_load %arg6[%parallel_loop3A_479, %parallel_loop3A_480, %parallel_loop3A_481] {strides = array<i32>} : memref<2x128x128xf32, #tpu.memory_space<vmem>>, vector<16xf32>,
          %parallel_loop3A_483 = arith.mulf %parallel_loop3A_482, %parallel_loop3A_400 : vector<16xf32>
          %parallel_loop3A_484 = arith.constant 0 : i32
          %parallel_loop3A_485 = arith.index_cast %parallel_loop3A_484 : i32 to index
          %parallel_loop3A_486 = arith.index_cast %parallel_loop3A_394 : i32 to index
          %parallel_loop3A_487 = arith.constant 112 : index
          %parallel_loop3A_488 = tpu.vector_load %arg6[%parallel_loop3A_485, %parallel_loop3A_486, %parallel_loop3A_487] {strides = array<i32>} : memref<2x128x128xf32, #tpu.memory_space<vmem>>, vector<16xf32>,
          tpu.vector_store %arg6[%parallel_loop3A_485, %parallel_loop3A_486, %parallel_loop3A_487], %parallel_loop3A_483 {strides = array<i32>} : memref<2x128x128xf32, #tpu.memory_space<vmem>>, vector<16xf32>,
        } {sc.loop_unroll_factor = 4 : i64, sc.parallel_access}
        %dma_start3A_381 = arith.constant 0 : i32
        %dma_start3A_382 = arith.constant 0 : i32
        %dma_start3A_383 = arith.constant 1 : i32
        %dma_start3A_384 = arith.constant 0 : i32
        %dma_start3A_385 = arith.constant 0 : i32
        %dma_start3A_386 = tpu.memref_slice %arg6[%dma_start3A_381, %dma_start3A_384, %dma_start3A_385] : memref<2x128x128xf32, #tpu.memory_space<vmem>> -> memref<1x128x128xf32, #tpu.memory_space<vmem>>
        %dma_start3A_387 = tpu.memref_squeeze %dma_start3A_386 : memref<1x128x128xf32, #tpu.memory_space<vmem>> -> memref<128x128xf32, #tpu.memory_space<vmem>>
        %dma_start3A_388 = arith.constant 0 : i32
        %dma_start3A_389 = tpu.memref_slice %arg5[%dma_start3A_382, %dma_start3A_383, %dma_start3A_388] : memref<3x3x128xi32, #tpu.memory_space<vmem>> -> memref<1x1x128xi32, #tpu.memory_space<vmem>>
        %dma_start3A_390 = tpu.memref_squeeze %dma_start3A_389 : memref<1x1x128xi32, #tpu.memory_space<vmem>> -> memref<128xi32, #tpu.memory_space<vmem>>
        %dma_start3A_391 = arith.constant 0 : i32
        %dma_start3A_392 = arith.constant 0 : i32
        %dma_start3A_393 = tpu.memref_slice %arg7[%dma_start3A_391, %dma_start3A_392] : memref<10000x128xf32, #tpu.memory_space<vmem_shared>> -> memref<10000x128xf32, #tpu.memory_space<vmem_shared>>
        tpu.enqueue_indirect_dma source(%dma_start3A_387 : memref<128x128xf32, #tpu.memory_space<vmem>>) target(%dma_start3A_393 : memref<10000x128xf32, #tpu.memory_space<vmem_shared>>) offsets(%dma_start3A_390 : memref<128xi32, #tpu.memory_space<vmem>>) semaphore(%arg13 : memref<!tpu.dma_semaphore, #tpu.memory_space<semaphore_mem>>) {add = true}
      } else {
      }
      %mul3A_201 = arith.constant 6 : i32
      %mul3A_202 = arith.muli %scan3A_168, %mul3A_201 : i32
      %add3A_203 = arith.constant 1 : i32
      %add3A_204 = arith.addi %mul3A_202, %add3A_203 : i32
      %lt3A_205 = arith.cmpi slt, %add3A_204, %select_n3A : i32
      %convert_element_type3A_206 = arith.extui %lt3A_205 : i1 to i32
      %cond3A_207 = arith.constant 0 : i32
      %cond3A_208 = arith.cmpi ne, %convert_element_type3A_206, %cond3A_207 : i32
      scf.if %cond3A_208 {
        %dma_wait3A_377 = arith.constant 0 : i32
        %dma_wait3A_378 = arith.constant 0 : i32
        %dma_wait3A_379 = arith.constant 1 : i32
        %dma_wait3A_380 = arith.constant 0 : i32
        %dma_wait3A_381 = arith.constant 0 : i32
        %dma_wait3A_382 = tpu.memref_slice %arg6[%dma_wait3A_379, %dma_wait3A_380, %dma_wait3A_381] : memref<2x128x128xf32, #tpu.memory_space<vmem>> -> memref<1x128x128xf32, #tpu.memory_space<vmem>>
        %dma_wait3A_383 = tpu.memref_squeeze %dma_wait3A_382 : memref<1x128x128xf32, #tpu.memory_space<vmem>> -> memref<128x128xf32, #tpu.memory_space<vmem>>
        %dma_wait3A_384 = arith.constant 0 : i32
        %dma_wait3A_385 = tpu.memref_slice %arg5[%dma_wait3A_377, %dma_wait3A_378, %dma_wait3A_384] : memref<3x3x128xi32, #tpu.memory_space<vmem>> -> memref<1x1x128xi32, #tpu.memory_space<vmem>>
        %dma_wait3A_386 = tpu.memref_squeeze %dma_wait3A_385 : memref<1x1x128xi32, #tpu.memory_space<vmem>> -> memref<128xi32, #tpu.memory_space<vmem>>
        %dma_wait3A_387 = arith.constant 0 : i32
        %dma_wait3A_388 = arith.constant 0 : i32
        %dma_wait3A_389 = tpu.memref_slice %arg2[%dma_wait3A_387, %dma_wait3A_388] : memref<10000x128xf32, #tpu.memory_space<hbm>> -> memref<10000x128xf32, #tpu.memory_space<hbm>>
        tpu.wait_indirect_dma semaphore(%arg12 : memref<!tpu.dma_semaphore, #tpu.memory_space<semaphore_mem>>) src(%dma_wait3A_389 : memref<10000x128xf32, #tpu.memory_space<hbm>>) dst(%dma_wait3A_383 : memref<128x128xf32, #tpu.memory_space<vmem>>)
      } else {
      }
      %sub3A_209 = arith.constant 1 : i32
      %sub3A_210 = arith.subi %add3A_204, %sub3A_209 : i32
      %ge3A_211 = arith.constant 0 : i32
      %ge3A_212 = arith.cmpi sge, %sub3A_210, %ge3A_211 : i32
      %sub3A_213 = arith.constant 1 : i32
      %sub3A_214 = arith.subi %add3A_204, %sub3A_213 : i32
      %lt3A_215 = arith.cmpi slt, %sub3A_214, %select_n3A : i32
      %and3A_216 = arith.andi %ge3A_212, %lt3A_215 : i1
      %convert_element_type3A_217 = arith.extui %and3A_216 : i1 to i32
      %cond3A_218 = arith.constant 0 : i32
      %cond3A_219 = arith.cmpi ne, %convert_element_type3A_217, %cond3A_218 : i32
      scf.if %cond3A_219 {
        %dma_wait3A_377 = arith.constant 0 : i32
        %dma_wait3A_378 = arith.constant 0 : i32
        %dma_wait3A_379 = arith.constant 1 : i32
        %dma_wait3A_380 = arith.constant 0 : i32
        %dma_wait3A_381 = arith.constant 0 : i32
        %dma_wait3A_382 = tpu.memref_slice %arg6[%dma_wait3A_377, %dma_wait3A_380, %dma_wait3A_381] : memref<2x128x128xf32, #tpu.memory_space<vmem>> -> memref<1x128x128xf32, #tpu.memory_space<vmem>>
        %dma_wait3A_383 = tpu.memref_squeeze %dma_wait3A_382 : memref<1x128x128xf32, #tpu.memory_space<vmem>> -> memref<128x128xf32, #tpu.memory_space<vmem>>
        %dma_wait3A_384 = arith.constant 0 : i32
        %dma_wait3A_385 = tpu.memref_slice %arg5[%dma_wait3A_378, %dma_wait3A_379, %dma_wait3A_384] : memref<3x3x128xi32, #tpu.memory_space<vmem>> -> memref<1x1x128xi32, #tpu.memory_space<vmem>>
        %dma_wait3A_386 = tpu.memref_squeeze %dma_wait3A_385 : memref<1x1x128xi32, #tpu.memory_space<vmem>> -> memref<128xi32, #tpu.memory_space<vmem>>
        %dma_wait3A_387 = arith.constant 0 : i32
        %dma_wait3A_388 = arith.constant 0 : i32
        %dma_wait3A_389 = tpu.memref_slice %arg7[%dma_wait3A_387, %dma_wait3A_388] : memref<10000x128xf32, #tpu.memory_space<vmem_shared>> -> memref<10000x128xf32, #tpu.memory_space<vmem_shared>>
        tpu.wait_indirect_dma semaphore(%arg13 : memref<!tpu.dma_semaphore, #tpu.memory_space<semaphore_mem>>) src(%dma_wait3A_383 : memref<128x128xf32, #tpu.memory_space<vmem>>) dst(%dma_wait3A_389 : memref<10000x128xf32, #tpu.memory_space<vmem_shared>>)
      } else {
      }
      %add3A_220 = arith.constant 2 : i32
      %add3A_221 = arith.addi %add3A_204, %add3A_220 : i32
      %lt3A_222 = arith.cmpi slt, %add3A_221, %select_n3A : i32
      %convert_element_type3A_223 = arith.extui %lt3A_222 : i1 to i32
      %cond3A_224 = arith.constant 0 : i32
      %cond3A_225 = arith.cmpi ne, %convert_element_type3A_223, %cond3A_224 : i32
      scf.if %cond3A_225 {
        %add3A_377 = arith.constant 2 : i32
        %add3A_378 = arith.addi %add3A_204, %add3A_377 : i32
        %mul3A_379 = arith.constant 1250 : i32
        %mul3A_380 = arith.muli %arg0, %mul3A_379 : i32
        %add3A_381 = arith.addi %mul3A_380, %arg1 : i32
        %min3A_382 = arith.minsi %add3A_378, %sub3A_22 : i32
        %mul3A_383 = arith.constant 16 : i32
        %mul3A_384 = arith.muli %min3A_382, %mul3A_383 : i32
        %add3A_385 = arith.addi %add3A_381, %mul3A_384 : i32
        %dma_start3A_386 = arith.constant 0 : i32
        %dma_start3A_387 = arith.constant 0 : i32
        %dma_start3A_388 = arith.constant 0 : i32
        %dma_start3A_389 = tpu.memref_slice %arg5[%dma_start3A_386, %dma_start3A_387, %dma_start3A_388] : memref<3x3x128xi32, #tpu.memory_space<vmem>> -> memref<1x3x128xi32, #tpu.memory_space<vmem>>
        %dma_start3A_390 = tpu.memref_squeeze %dma_start3A_389 : memref<1x3x128xi32, #tpu.memory_space<vmem>> -> memref<3x128xi32, #tpu.memory_space<vmem>>
        %dma_start3A_391 = arith.constant 0 : i32
        %dma_start3A_392 = arith.constant 0 : i32
        %dma_start3A_393 = tpu.memref_slice %arg3[%add3A_385, %dma_start3A_391, %dma_start3A_392] : memref<2500x3x128xi32, #tpu.memory_space<hbm>> -> memref<1x3x128xi32, #tpu.memory_space<hbm>>
        %dma_start3A_394 = tpu.memref_squeeze %dma_start3A_393 : memref<1x3x128xi32, #tpu.memory_space<hbm>> -> memref<3x128xi32, #tpu.memory_space<hbm>>
        %dma_start3A_395 = arith.constant 0 : i32
        %dma_start3A_396 = arith.constant 0 : i32
        %dma_start3A_397 = tpu.memref_slice %arg5[%dma_start3A_386, %dma_start3A_395, %dma_start3A_396] : memref<3x3x128xi32, #tpu.memory_space<vmem>> -> memref<1x3x128xi32, #tpu.memory_space<vmem>>
        %dma_start3A_398 = tpu.memref_squeeze %dma_start3A_397 : memref<1x3x128xi32, #tpu.memory_space<vmem>> -> memref<3x128xi32, #tpu.memory_space<vmem>>
        %dma_start3A_399 = arith.constant 0 : i32
        %dma_start3A_400 = arith.constant 0 : i32
        %dma_start3A_401 = tpu.memref_slice %arg3[%add3A_385, %dma_start3A_399, %dma_start3A_400] : memref<2500x3x128xi32, #tpu.memory_space<hbm>> -> memref<1x3x128xi32, #tpu.memory_space<hbm>>
        %dma_start3A_402 = tpu.memref_squeeze %dma_start3A_401 : memref<1x3x128xi32, #tpu.memory_space<hbm>> -> memref<3x128xi32, #tpu.memory_space<hbm>>
        tpu.enqueue_dma source(%dma_start3A_402 : memref<3x128xi32, #tpu.memory_space<hbm>>) target(%dma_start3A_398 : memref<3x128xi32, #tpu.memory_space<vmem>>) target_semaphore(%arg8 : memref<!tpu.dma_semaphore, #tpu.memory_space<semaphore_mem>>)
      } else {
      }
      %add3A_226 = arith.constant 1 : i32
      %add3A_227 = arith.addi %add3A_204, %add3A_226 : i32
      %lt3A_228 = arith.cmpi slt, %add3A_227, %select_n3A : i32
      %convert_element_type3A_229 = arith.extui %lt3A_228 : i1 to i32
      %cond3A_230 = arith.constant 0 : i32
      %cond3A_231 = arith.cmpi ne, %convert_element_type3A_229, %cond3A_230 : i32
      scf.if %cond3A_231 {
        %dma_wait3A_377 = arith.constant 0 : i32
        %dma_wait3A_378 = arith.constant 2 : i32
        %dma_wait3A_379 = arith.constant 0 : i32
        %dma_wait3A_380 = arith.constant 0 : i32
        %dma_wait3A_381 = tpu.memref_slice %arg5[%dma_wait3A_378, %dma_wait3A_379, %dma_wait3A_380] : memref<3x3x128xi32, #tpu.memory_space<vmem>> -> memref<1x3x128xi32, #tpu.memory_space<vmem>>
        %dma_wait3A_382 = tpu.memref_squeeze %dma_wait3A_381 : memref<1x3x128xi32, #tpu.memory_space<vmem>> -> memref<3x128xi32, #tpu.memory_space<vmem>>
        %dma_wait3A_383 = arith.constant 0 : i32
        %dma_wait3A_384 = arith.constant 0 : i32
        %dma_wait3A_385 = tpu.memref_slice %arg3[%dma_wait3A_377, %dma_wait3A_383, %dma_wait3A_384] : memref<2500x3x128xi32, #tpu.memory_space<hbm>> -> memref<1x3x128xi32, #tpu.memory_space<hbm>>
        %dma_wait3A_386 = tpu.memref_squeeze %dma_wait3A_385 : memref<1x3x128xi32, #tpu.memory_space<hbm>> -> memref<3x128xi32, #tpu.memory_space<hbm>>
        %dma_wait3A_387 = arith.constant 0 : i32
        %dma_wait3A_388 = arith.constant 0 : i32
        %dma_wait3A_389 = tpu.memref_slice %arg5[%dma_wait3A_378, %dma_wait3A_387, %dma_wait3A_388] : memref<3x3x128xi32, #tpu.memory_space<vmem>> -> memref<1x3x128xi32, #tpu.memory_space<vmem>>
        %dma_wait3A_390 = tpu.memref_squeeze %dma_wait3A_389 : memref<1x3x128xi32, #tpu.memory_space<vmem>> -> memref<3x128xi32, #tpu.memory_space<vmem>>
        %dma_wait3A_391 = arith.constant 0 : i32
        %dma_wait3A_392 = arith.constant 0 : i32
        %dma_wait3A_393 = tpu.memref_slice %arg3[%dma_wait3A_377, %dma_wait3A_391, %dma_wait3A_392] : memref<2500x3x128xi32, #tpu.memory_space<hbm>> -> memref<1x3x128xi32, #tpu.memory_space<hbm>>
        %dma_wait3A_394 = tpu.memref_squeeze %dma_wait3A_393 : memref<1x3x128xi32, #tpu.memory_space<hbm>> -> memref<3x128xi32, #tpu.memory_space<hbm>>
        tpu.wait_dma2 semaphore(%arg10 : memref<!tpu.dma_semaphore, #tpu.memory_space<semaphore_mem>>) src(%dma_wait3A_394 : memref<3x128xi32, #tpu.memory_space<hbm>>) dst(%dma_wait3A_390 : memref<3x128xi32, #tpu.memory_space<vmem>>)
        %add3A_395 = arith.constant 1 : i32
        %add3A_396 = arith.addi %add3A_204, %add3A_395 : i32
        %jit3A_397 = arith.constant 3 : i32
        %eq3A = arith.constant 0 : i32
        %eq3A_398 = arith.cmpi eq, %jit3A_397, %eq3A : i32
        %jit3A_399 = arith.constant 1 : i32
        %select_n3A_400 = arith.select %eq3A_398, %jit3A_399, %jit3A_397 : i32
        %rem3A_401 = arith.remsi %add3A_396, %select_n3A_400 : i32
        %ne3A_402 = arith.constant 0 : i32
        %ne3A_403 = arith.cmpi ne, %rem3A_401, %ne3A_402 : i32
        %lt3A_404 = arith.constant 0 : i32
        %lt3A_405 = arith.cmpi slt, %rem3A_401, %lt3A_404 : i32
        %lt3A_406 = arith.constant 0 : i32
        %lt3A_407 = arith.cmpi slt, %select_n3A_400, %lt3A_406 : i32
        %ne3A_408 = arith.xori %lt3A_405, %lt3A_407 : i1
        %and3A_409 = arith.andi %ne3A_408, %ne3A_403 : i1
        %add3A_410 = arith.addi %rem3A_401, %select_n3A_400 : i32
        %select_n3A_411 = arith.select %and3A_409, %add3A_410, %rem3A_401 : i32
        %dma_start3A_412 = arith.constant 0 : i32
        %dma_start3A_413 = arith.constant 0 : i32
        %dma_start3A_414 = arith.constant 0 : i32
        %dma_start3A_415 = arith.constant 0 : i32
        %dma_start3A_416 = tpu.memref_slice %arg6[%dma_start3A_413, %dma_start3A_414, %dma_start3A_415] : memref<2x128x128xf32, #tpu.memory_space<vmem>> -> memref<1x128x128xf32, #tpu.memory_space<vmem>>
        %dma_start3A_417 = tpu.memref_squeeze %dma_start3A_416 : memref<1x128x128xf32, #tpu.memory_space<vmem>> -> memref<128x128xf32, #tpu.memory_space<vmem>>
        %dma_start3A_418 = arith.constant 0 : i32
        %dma_start3A_419 = tpu.memref_slice %arg5[%select_n3A_411, %dma_start3A_412, %dma_start3A_418] : memref<3x3x128xi32, #tpu.memory_space<vmem>> -> memref<1x1x128xi32, #tpu.memory_space<vmem>>
        %dma_start3A_420 = tpu.memref_squeeze %dma_start3A_419 : memref<1x1x128xi32, #tpu.memory_space<vmem>> -> memref<128xi32, #tpu.memory_space<vmem>>
        %dma_start3A_421 = arith.constant 0 : i32
        %dma_start3A_422 = arith.constant 0 : i32
        %dma_start3A_423 = tpu.memref_slice %arg2[%dma_start3A_421, %dma_start3A_422] : memref<10000x128xf32, #tpu.memory_space<hbm>> -> memref<10000x128xf32, #tpu.memory_space<hbm>>
        tpu.enqueue_indirect_dma source(%dma_start3A_423 : memref<10000x128xf32, #tpu.memory_space<hbm>>) target(%dma_start3A_417 : memref<128x128xf32, #tpu.memory_space<vmem>>) offsets(%dma_start3A_420 : memref<128xi32, #tpu.memory_space<vmem>>) semaphore(%arg11 : memref<!tpu.dma_semaphore, #tpu.memory_space<semaphore_mem>>)
      } else {
      }
      %lt3A_232 = arith.cmpi slt, %add3A_204, %select_n3A : i32
      %convert_element_type3A_233 = arith.extui %lt3A_232 : i1 to i32
      %cond3A_234 = arith.constant 0 : i32
      %cond3A_235 = arith.cmpi ne, %convert_element_type3A_233, %cond3A_234 : i32
      scf.if %cond3A_235 {
        %parallel_loop3A = arith.constant 0 : i32
        %parallel_loop3A_377 = arith.constant 128 : i32
        %parallel_loop3A_378 = arith.constant 1 : i32
        %parallel_loop3A_379 = arith.constant 1 : i32
        %parallel_loop3A_380 = arith.constant 2 : i32
        scf.for %parallel_loop3A_394 = %parallel_loop3A to %parallel_loop3A_377 step %parallel_loop3A_378  : i32 {
          %parallel_loop3A_395 = vector.broadcast %parallel_loop3A_394 : i32 to vector<16xi32>
          %parallel_loop3A_396 = arith.constant 0 : i32
          %parallel_loop3A_397 = tpu.memref_slice %arg5[%parallel_loop3A_379, %parallel_loop3A_380, %parallel_loop3A_396] : memref<3x3x128xi32, #tpu.memory_space<vmem>> -> memref<1x1x128xi32, #tpu.memory_space<vmem>>
          %parallel_loop3A_398 = tpu.memref_squeeze %parallel_loop3A_397 : memref<1x1x128xi32, #tpu.memory_space<vmem>> -> memref<128xi32, #tpu.memory_space<vmem>>
          %parallel_loop3A_399 = tpu.vector_load_idx %parallel_loop3A_398[%parallel_loop3A_395] : memref<128xi32, #tpu.memory_space<vmem>>[vector<16xi32>], vector<16xi32>,
          %parallel_loop3A_400 = vector.bitcast %parallel_loop3A_399 : vector<16xi32> to vector<16xf32>
          %parallel_loop3A_401 = arith.constant 1 : i32
          %parallel_loop3A_402 = arith.index_cast %parallel_loop3A_401 : i32 to index
          %parallel_loop3A_403 = arith.index_cast %parallel_loop3A_394 : i32 to index
          %parallel_loop3A_404 = arith.constant 0 : index
          %parallel_loop3A_405 = tpu.vector_load %arg6[%parallel_loop3A_402, %parallel_loop3A_403, %parallel_loop3A_404] {strides = array<i32>} : memref<2x128x128xf32, #tpu.memory_space<vmem>>, vector<16xf32>,
          %parallel_loop3A_406 = arith.mulf %parallel_loop3A_405, %parallel_loop3A_400 : vector<16xf32>
          %parallel_loop3A_407 = arith.constant 1 : i32
          %parallel_loop3A_408 = arith.index_cast %parallel_loop3A_407 : i32 to index
          %parallel_loop3A_409 = arith.index_cast %parallel_loop3A_394 : i32 to index
          %parallel_loop3A_410 = arith.constant 0 : index
          %parallel_loop3A_411 = tpu.vector_load %arg6[%parallel_loop3A_408, %parallel_loop3A_409, %parallel_loop3A_410] {strides = array<i32>} : memref<2x128x128xf32, #tpu.memory_space<vmem>>, vector<16xf32>,
          tpu.vector_store %arg6[%parallel_loop3A_408, %parallel_loop3A_409, %parallel_loop3A_410], %parallel_loop3A_406 {strides = array<i32>} : memref<2x128x128xf32, #tpu.memory_space<vmem>>, vector<16xf32>,
          %parallel_loop3A_412 = arith.constant 1 : i32
          %parallel_loop3A_413 = arith.index_cast %parallel_loop3A_412 : i32 to index
          %parallel_loop3A_414 = arith.index_cast %parallel_loop3A_394 : i32 to index
          %parallel_loop3A_415 = arith.constant 16 : index
          %parallel_loop3A_416 = tpu.vector_load %arg6[%parallel_loop3A_413, %parallel_loop3A_414, %parallel_loop3A_415] {strides = array<i32>} : memref<2x128x128xf32, #tpu.memory_space<vmem>>, vector<16xf32>,
          %parallel_loop3A_417 = arith.mulf %parallel_loop3A_416, %parallel_loop3A_400 : vector<16xf32>
          %parallel_loop3A_418 = arith.constant 1 : i32
          %parallel_loop3A_419 = arith.index_cast %parallel_loop3A_418 : i32 to index
          %parallel_loop3A_420 = arith.index_cast %parallel_loop3A_394 : i32 to index
          %parallel_loop3A_421 = arith.constant 16 : index
          %parallel_loop3A_422 = tpu.vector_load %arg6[%parallel_loop3A_419, %parallel_loop3A_420, %parallel_loop3A_421] {strides = array<i32>} : memref<2x128x128xf32, #tpu.memory_space<vmem>>, vector<16xf32>,
          tpu.vector_store %arg6[%parallel_loop3A_419, %parallel_loop3A_420, %parallel_loop3A_421], %parallel_loop3A_417 {strides = array<i32>} : memref<2x128x128xf32, #tpu.memory_space<vmem>>, vector<16xf32>,
          %parallel_loop3A_423 = arith.constant 1 : i32
          %parallel_loop3A_424 = arith.index_cast %parallel_loop3A_423 : i32 to index
          %parallel_loop3A_425 = arith.index_cast %parallel_loop3A_394 : i32 to index
          %parallel_loop3A_426 = arith.constant 32 : index
          %parallel_loop3A_427 = tpu.vector_load %arg6[%parallel_loop3A_424, %parallel_loop3A_425, %parallel_loop3A_426] {strides = array<i32>} : memref<2x128x128xf32, #tpu.memory_space<vmem>>, vector<16xf32>,
          %parallel_loop3A_428 = arith.mulf %parallel_loop3A_427, %parallel_loop3A_400 : vector<16xf32>
          %parallel_loop3A_429 = arith.constant 1 : i32
          %parallel_loop3A_430 = arith.index_cast %parallel_loop3A_429 : i32 to index
          %parallel_loop3A_431 = arith.index_cast %parallel_loop3A_394 : i32 to index
          %parallel_loop3A_432 = arith.constant 32 : index
          %parallel_loop3A_433 = tpu.vector_load %arg6[%parallel_loop3A_430, %parallel_loop3A_431, %parallel_loop3A_432] {strides = array<i32>} : memref<2x128x128xf32, #tpu.memory_space<vmem>>, vector<16xf32>,
          tpu.vector_store %arg6[%parallel_loop3A_430, %parallel_loop3A_431, %parallel_loop3A_432], %parallel_loop3A_428 {strides = array<i32>} : memref<2x128x128xf32, #tpu.memory_space<vmem>>, vector<16xf32>,
          %parallel_loop3A_434 = arith.constant 1 : i32
          %parallel_loop3A_435 = arith.index_cast %parallel_loop3A_434 : i32 to index
          %parallel_loop3A_436 = arith.index_cast %parallel_loop3A_394 : i32 to index
          %parallel_loop3A_437 = arith.constant 48 : index
          %parallel_loop3A_438 = tpu.vector_load %arg6[%parallel_loop3A_435, %parallel_loop3A_436, %parallel_loop3A_437] {strides = array<i32>} : memref<2x128x128xf32, #tpu.memory_space<vmem>>, vector<16xf32>,
          %parallel_loop3A_439 = arith.mulf %parallel_loop3A_438, %parallel_loop3A_400 : vector<16xf32>
          %parallel_loop3A_440 = arith.constant 1 : i32
          %parallel_loop3A_441 = arith.index_cast %parallel_loop3A_440 : i32 to index
          %parallel_loop3A_442 = arith.index_cast %parallel_loop3A_394 : i32 to index
          %parallel_loop3A_443 = arith.constant 48 : index
          %parallel_loop3A_444 = tpu.vector_load %arg6[%parallel_loop3A_441, %parallel_loop3A_442, %parallel_loop3A_443] {strides = array<i32>} : memref<2x128x128xf32, #tpu.memory_space<vmem>>, vector<16xf32>,
          tpu.vector_store %arg6[%parallel_loop3A_441, %parallel_loop3A_442, %parallel_loop3A_443], %parallel_loop3A_439 {strides = array<i32>} : memref<2x128x128xf32, #tpu.memory_space<vmem>>, vector<16xf32>,
          %parallel_loop3A_445 = arith.constant 1 : i32
          %parallel_loop3A_446 = arith.index_cast %parallel_loop3A_445 : i32 to index
          %parallel_loop3A_447 = arith.index_cast %parallel_loop3A_394 : i32 to index
          %parallel_loop3A_448 = arith.constant 64 : index
          %parallel_loop3A_449 = tpu.vector_load %arg6[%parallel_loop3A_446, %parallel_loop3A_447, %parallel_loop3A_448] {strides = array<i32>} : memref<2x128x128xf32, #tpu.memory_space<vmem>>, vector<16xf32>,
          %parallel_loop3A_450 = arith.mulf %parallel_loop3A_449, %parallel_loop3A_400 : vector<16xf32>
          %parallel_loop3A_451 = arith.constant 1 : i32
          %parallel_loop3A_452 = arith.index_cast %parallel_loop3A_451 : i32 to index
          %parallel_loop3A_453 = arith.index_cast %parallel_loop3A_394 : i32 to index
          %parallel_loop3A_454 = arith.constant 64 : index
          %parallel_loop3A_455 = tpu.vector_load %arg6[%parallel_loop3A_452, %parallel_loop3A_453, %parallel_loop3A_454] {strides = array<i32>} : memref<2x128x128xf32, #tpu.memory_space<vmem>>, vector<16xf32>,
          tpu.vector_store %arg6[%parallel_loop3A_452, %parallel_loop3A_453, %parallel_loop3A_454], %parallel_loop3A_450 {strides = array<i32>} : memref<2x128x128xf32, #tpu.memory_space<vmem>>, vector<16xf32>,
          %parallel_loop3A_456 = arith.constant 1 : i32
          %parallel_loop3A_457 = arith.index_cast %parallel_loop3A_456 : i32 to index
          %parallel_loop3A_458 = arith.index_cast %parallel_loop3A_394 : i32 to index
          %parallel_loop3A_459 = arith.constant 80 : index
          %parallel_loop3A_460 = tpu.vector_load %arg6[%parallel_loop3A_457, %parallel_loop3A_458, %parallel_loop3A_459] {strides = array<i32>} : memref<2x128x128xf32, #tpu.memory_space<vmem>>, vector<16xf32>,
          %parallel_loop3A_461 = arith.mulf %parallel_loop3A_460, %parallel_loop3A_400 : vector<16xf32>
          %parallel_loop3A_462 = arith.constant 1 : i32
          %parallel_loop3A_463 = arith.index_cast %parallel_loop3A_462 : i32 to index
          %parallel_loop3A_464 = arith.index_cast %parallel_loop3A_394 : i32 to index
          %parallel_loop3A_465 = arith.constant 80 : index
          %parallel_loop3A_466 = tpu.vector_load %arg6[%parallel_loop3A_463, %parallel_loop3A_464, %parallel_loop3A_465] {strides = array<i32>} : memref<2x128x128xf32, #tpu.memory_space<vmem>>, vector<16xf32>,
          tpu.vector_store %arg6[%parallel_loop3A_463, %parallel_loop3A_464, %parallel_loop3A_465], %parallel_loop3A_461 {strides = array<i32>} : memref<2x128x128xf32, #tpu.memory_space<vmem>>, vector<16xf32>,
          %parallel_loop3A_467 = arith.constant 1 : i32
          %parallel_loop3A_468 = arith.index_cast %parallel_loop3A_467 : i32 to index
          %parallel_loop3A_469 = arith.index_cast %parallel_loop3A_394 : i32 to index
          %parallel_loop3A_470 = arith.constant 96 : index
          %parallel_loop3A_471 = tpu.vector_load %arg6[%parallel_loop3A_468, %parallel_loop3A_469, %parallel_loop3A_470] {strides = array<i32>} : memref<2x128x128xf32, #tpu.memory_space<vmem>>, vector<16xf32>,
          %parallel_loop3A_472 = arith.mulf %parallel_loop3A_471, %parallel_loop3A_400 : vector<16xf32>
          %parallel_loop3A_473 = arith.constant 1 : i32
          %parallel_loop3A_474 = arith.index_cast %parallel_loop3A_473 : i32 to index
          %parallel_loop3A_475 = arith.index_cast %parallel_loop3A_394 : i32 to index
          %parallel_loop3A_476 = arith.constant 96 : index
          %parallel_loop3A_477 = tpu.vector_load %arg6[%parallel_loop3A_474, %parallel_loop3A_475, %parallel_loop3A_476] {strides = array<i32>} : memref<2x128x128xf32, #tpu.memory_space<vmem>>, vector<16xf32>,
          tpu.vector_store %arg6[%parallel_loop3A_474, %parallel_loop3A_475, %parallel_loop3A_476], %parallel_loop3A_472 {strides = array<i32>} : memref<2x128x128xf32, #tpu.memory_space<vmem>>, vector<16xf32>,
          %parallel_loop3A_478 = arith.constant 1 : i32
          %parallel_loop3A_479 = arith.index_cast %parallel_loop3A_478 : i32 to index
          %parallel_loop3A_480 = arith.index_cast %parallel_loop3A_394 : i32 to index
          %parallel_loop3A_481 = arith.constant 112 : index
          %parallel_loop3A_482 = tpu.vector_load %arg6[%parallel_loop3A_479, %parallel_loop3A_480, %parallel_loop3A_481] {strides = array<i32>} : memref<2x128x128xf32, #tpu.memory_space<vmem>>, vector<16xf32>,
          %parallel_loop3A_483 = arith.mulf %parallel_loop3A_482, %parallel_loop3A_400 : vector<16xf32>
          %parallel_loop3A_484 = arith.constant 1 : i32
          %parallel_loop3A_485 = arith.index_cast %parallel_loop3A_484 : i32 to index
          %parallel_loop3A_486 = arith.index_cast %parallel_loop3A_394 : i32 to index
          %parallel_loop3A_487 = arith.constant 112 : index
          %parallel_loop3A_488 = tpu.vector_load %arg6[%parallel_loop3A_485, %parallel_loop3A_486, %parallel_loop3A_487] {strides = array<i32>} : memref<2x128x128xf32, #tpu.memory_space<vmem>>, vector<16xf32>,
          tpu.vector_store %arg6[%parallel_loop3A_485, %parallel_loop3A_486, %parallel_loop3A_487], %parallel_loop3A_483 {strides = array<i32>} : memref<2x128x128xf32, #tpu.memory_space<vmem>>, vector<16xf32>,
        } {sc.loop_unroll_factor = 4 : i64, sc.parallel_access}
        %dma_start3A_381 = arith.constant 1 : i32
        %dma_start3A_382 = arith.constant 1 : i32
        %dma_start3A_383 = arith.constant 1 : i32
        %dma_start3A_384 = arith.constant 0 : i32
        %dma_start3A_385 = arith.constant 0 : i32
        %dma_start3A_386 = tpu.memref_slice %arg6[%dma_start3A_381, %dma_start3A_384, %dma_start3A_385] : memref<2x128x128xf32, #tpu.memory_space<vmem>> -> memref<1x128x128xf32, #tpu.memory_space<vmem>>
        %dma_start3A_387 = tpu.memref_squeeze %dma_start3A_386 : memref<1x128x128xf32, #tpu.memory_space<vmem>> -> memref<128x128xf32, #tpu.memory_space<vmem>>
        %dma_start3A_388 = arith.constant 0 : i32
        %dma_start3A_389 = tpu.memref_slice %arg5[%dma_start3A_382, %dma_start3A_383, %dma_start3A_388] : memref<3x3x128xi32, #tpu.memory_space<vmem>> -> memref<1x1x128xi32, #tpu.memory_space<vmem>>
        %dma_start3A_390 = tpu.memref_squeeze %dma_start3A_389 : memref<1x1x128xi32, #tpu.memory_space<vmem>> -> memref<128xi32, #tpu.memory_space<vmem>>
        %dma_start3A_391 = arith.constant 0 : i32
        %dma_start3A_392 = arith.constant 0 : i32
        %dma_start3A_393 = tpu.memref_slice %arg7[%dma_start3A_391, %dma_start3A_392] : memref<10000x128xf32, #tpu.memory_space<vmem_shared>> -> memref<10000x128xf32, #tpu.memory_space<vmem_shared>>
        tpu.enqueue_indirect_dma source(%dma_start3A_387 : memref<128x128xf32, #tpu.memory_space<vmem>>) target(%dma_start3A_393 : memref<10000x128xf32, #tpu.memory_space<vmem_shared>>) offsets(%dma_start3A_390 : memref<128xi32, #tpu.memory_space<vmem>>) semaphore(%arg14 : memref<!tpu.dma_semaphore, #tpu.memory_space<semaphore_mem>>) {add = true}
      } else {
      }
      %mul3A_236 = arith.constant 6 : i32
      %mul3A_237 = arith.muli %scan3A_168, %mul3A_236 : i32
      %add3A_238 = arith.constant 2 : i32
      %add3A_239 = arith.addi %mul3A_237, %add3A_238 : i32
      %lt3A_240 = arith.cmpi slt, %add3A_239, %select_n3A : i32
      %convert_element_type3A_241 = arith.extui %lt3A_240 : i1 to i32
      %cond3A_242 = arith.constant 0 : i32
      %cond3A_243 = arith.cmpi ne, %convert_element_type3A_241, %cond3A_242 : i32
      scf.if %cond3A_243 {
        %dma_wait3A_377 = arith.constant 0 : i32
        %dma_wait3A_378 = arith.constant 0 : i32
        %dma_wait3A_379 = arith.constant 0 : i32
        %dma_wait3A_380 = arith.constant 0 : i32
        %dma_wait3A_381 = arith.constant 0 : i32
        %dma_wait3A_382 = tpu.memref_slice %arg6[%dma_wait3A_379, %dma_wait3A_380, %dma_wait3A_381] : memref<2x128x128xf32, #tpu.memory_space<vmem>> -> memref<1x128x128xf32, #tpu.memory_space<vmem>>
        %dma_wait3A_383 = tpu.memref_squeeze %dma_wait3A_382 : memref<1x128x128xf32, #tpu.memory_space<vmem>> -> memref<128x128xf32, #tpu.memory_space<vmem>>
        %dma_wait3A_384 = arith.constant 0 : i32
        %dma_wait3A_385 = tpu.memref_slice %arg5[%dma_wait3A_377, %dma_wait3A_378, %dma_wait3A_384] : memref<3x3x128xi32, #tpu.memory_space<vmem>> -> memref<1x1x128xi32, #tpu.memory_space<vmem>>
        %dma_wait3A_386 = tpu.memref_squeeze %dma_wait3A_385 : memref<1x1x128xi32, #tpu.memory_space<vmem>> -> memref<128xi32, #tpu.memory_space<vmem>>
        %dma_wait3A_387 = arith.constant 0 : i32
        %dma_wait3A_388 = arith.constant 0 : i32
        %dma_wait3A_389 = tpu.memref_slice %arg2[%dma_wait3A_387, %dma_wait3A_388] : memref<10000x128xf32, #tpu.memory_space<hbm>> -> memref<10000x128xf32, #tpu.memory_space<hbm>>
        tpu.wait_indirect_dma semaphore(%arg11 : memref<!tpu.dma_semaphore, #tpu.memory_space<semaphore_mem>>) src(%dma_wait3A_389 : memref<10000x128xf32, #tpu.memory_space<hbm>>) dst(%dma_wait3A_383 : memref<128x128xf32, #tpu.memory_space<vmem>>)
      } else {
      }
      %sub3A_244 = arith.constant 1 : i32
      %sub3A_245 = arith.subi %add3A_239, %sub3A_244 : i32
      %ge3A_246 = arith.constant 0 : i32
      %ge3A_247 = arith.cmpi sge, %sub3A_245, %ge3A_246 : i32
      %sub3A_248 = arith.constant 1 : i32
      %sub3A_249 = arith.subi %add3A_239, %sub3A_248 : i32
      %lt3A_250 = arith.cmpi slt, %sub3A_249, %select_n3A : i32
      %and3A_251 = arith.andi %ge3A_247, %lt3A_250 : i1
      %convert_element_type3A_252 = arith.extui %and3A_251 : i1 to i32
      %cond3A_253 = arith.constant 0 : i32
      %cond3A_254 = arith.cmpi ne, %convert_element_type3A_252, %cond3A_253 : i32
      scf.if %cond3A_254 {
        %dma_wait3A_377 = arith.constant 1 : i32
        %dma_wait3A_378 = arith.constant 0 : i32
        %dma_wait3A_379 = arith.constant 1 : i32
        %dma_wait3A_380 = arith.constant 0 : i32
        %dma_wait3A_381 = arith.constant 0 : i32
        %dma_wait3A_382 = tpu.memref_slice %arg6[%dma_wait3A_377, %dma_wait3A_380, %dma_wait3A_381] : memref<2x128x128xf32, #tpu.memory_space<vmem>> -> memref<1x128x128xf32, #tpu.memory_space<vmem>>
        %dma_wait3A_383 = tpu.memref_squeeze %dma_wait3A_382 : memref<1x128x128xf32, #tpu.memory_space<vmem>> -> memref<128x128xf32, #tpu.memory_space<vmem>>
        %dma_wait3A_384 = arith.constant 0 : i32
        %dma_wait3A_385 = tpu.memref_slice %arg5[%dma_wait3A_378, %dma_wait3A_379, %dma_wait3A_384] : memref<3x3x128xi32, #tpu.memory_space<vmem>> -> memref<1x1x128xi32, #tpu.memory_space<vmem>>
        %dma_wait3A_386 = tpu.memref_squeeze %dma_wait3A_385 : memref<1x1x128xi32, #tpu.memory_space<vmem>> -> memref<128xi32, #tpu.memory_space<vmem>>
        %dma_wait3A_387 = arith.constant 0 : i32
        %dma_wait3A_388 = arith.constant 0 : i32
        %dma_wait3A_389 = tpu.memref_slice %arg7[%dma_wait3A_387, %dma_wait3A_388] : memref<10000x128xf32, #tpu.memory_space<vmem_shared>> -> memref<10000x128xf32, #tpu.memory_space<vmem_shared>>
        tpu.wait_indirect_dma semaphore(%arg14 : memref<!tpu.dma_semaphore, #tpu.memory_space<semaphore_mem>>) src(%dma_wait3A_383 : memref<128x128xf32, #tpu.memory_space<vmem>>) dst(%dma_wait3A_389 : memref<10000x128xf32, #tpu.memory_space<vmem_shared>>)
      } else {
      }
      %add3A_255 = arith.constant 2 : i32
      %add3A_256 = arith.addi %add3A_239, %add3A_255 : i32
      %lt3A_257 = arith.cmpi slt, %add3A_256, %select_n3A : i32
      %convert_element_type3A_258 = arith.extui %lt3A_257 : i1 to i32
      %cond3A_259 = arith.constant 0 : i32
      %cond3A_260 = arith.cmpi ne, %convert_element_type3A_258, %cond3A_259 : i32
      scf.if %cond3A_260 {
        %add3A_377 = arith.constant 2 : i32
        %add3A_378 = arith.addi %add3A_239, %add3A_377 : i32
        %mul3A_379 = arith.constant 1250 : i32
        %mul3A_380 = arith.muli %arg0, %mul3A_379 : i32
        %add3A_381 = arith.addi %mul3A_380, %arg1 : i32
        %min3A_382 = arith.minsi %add3A_378, %sub3A_22 : i32
        %mul3A_383 = arith.constant 16 : i32
        %mul3A_384 = arith.muli %min3A_382, %mul3A_383 : i32
        %add3A_385 = arith.addi %add3A_381, %mul3A_384 : i32
        %dma_start3A_386 = arith.constant 1 : i32
        %dma_start3A_387 = arith.constant 0 : i32
        %dma_start3A_388 = arith.constant 0 : i32
        %dma_start3A_389 = tpu.memref_slice %arg5[%dma_start3A_386, %dma_start3A_387, %dma_start3A_388] : memref<3x3x128xi32, #tpu.memory_space<vmem>> -> memref<1x3x128xi32, #tpu.memory_space<vmem>>
        %dma_start3A_390 = tpu.memref_squeeze %dma_start3A_389 : memref<1x3x128xi32, #tpu.memory_space<vmem>> -> memref<3x128xi32, #tpu.memory_space<vmem>>
        %dma_start3A_391 = arith.constant 0 : i32
        %dma_start3A_392 = arith.constant 0 : i32
        %dma_start3A_393 = tpu.memref_slice %arg3[%add3A_385, %dma_start3A_391, %dma_start3A_392] : memref<2500x3x128xi32, #tpu.memory_space<hbm>> -> memref<1x3x128xi32, #tpu.memory_space<hbm>>
        %dma_start3A_394 = tpu.memref_squeeze %dma_start3A_393 : memref<1x3x128xi32, #tpu.memory_space<hbm>> -> memref<3x128xi32, #tpu.memory_space<hbm>>
        %dma_start3A_395 = arith.constant 0 : i32
        %dma_start3A_396 = arith.constant 0 : i32
        %dma_start3A_397 = tpu.memref_slice %arg5[%dma_start3A_386, %dma_start3A_395, %dma_start3A_396] : memref<3x3x128xi32, #tpu.memory_space<vmem>> -> memref<1x3x128xi32, #tpu.memory_space<vmem>>
        %dma_start3A_398 = tpu.memref_squeeze %dma_start3A_397 : memref<1x3x128xi32, #tpu.memory_space<vmem>> -> memref<3x128xi32, #tpu.memory_space<vmem>>
        %dma_start3A_399 = arith.constant 0 : i32
        %dma_start3A_400 = arith.constant 0 : i32
        %dma_start3A_401 = tpu.memref_slice %arg3[%add3A_385, %dma_start3A_399, %dma_start3A_400] : memref<2500x3x128xi32, #tpu.memory_space<hbm>> -> memref<1x3x128xi32, #tpu.memory_space<hbm>>
        %dma_start3A_402 = tpu.memref_squeeze %dma_start3A_401 : memref<1x3x128xi32, #tpu.memory_space<hbm>> -> memref<3x128xi32, #tpu.memory_space<hbm>>
        tpu.enqueue_dma source(%dma_start3A_402 : memref<3x128xi32, #tpu.memory_space<hbm>>) target(%dma_start3A_398 : memref<3x128xi32, #tpu.memory_space<vmem>>) target_semaphore(%arg9 : memref<!tpu.dma_semaphore, #tpu.memory_space<semaphore_mem>>)
      } else {
      }
      %add3A_261 = arith.constant 1 : i32
      %add3A_262 = arith.addi %add3A_239, %add3A_261 : i32
      %lt3A_263 = arith.cmpi slt, %add3A_262, %select_n3A : i32
      %convert_element_type3A_264 = arith.extui %lt3A_263 : i1 to i32
      %cond3A_265 = arith.constant 0 : i32
      %cond3A_266 = arith.cmpi ne, %convert_element_type3A_264, %cond3A_265 : i32
      scf.if %cond3A_266 {
        %dma_wait3A_377 = arith.constant 0 : i32
        %dma_wait3A_378 = arith.constant 0 : i32
        %dma_wait3A_379 = arith.constant 0 : i32
        %dma_wait3A_380 = arith.constant 0 : i32
        %dma_wait3A_381 = tpu.memref_slice %arg5[%dma_wait3A_378, %dma_wait3A_379, %dma_wait3A_380] : memref<3x3x128xi32, #tpu.memory_space<vmem>> -> memref<1x3x128xi32, #tpu.memory_space<vmem>>
        %dma_wait3A_382 = tpu.memref_squeeze %dma_wait3A_381 : memref<1x3x128xi32, #tpu.memory_space<vmem>> -> memref<3x128xi32, #tpu.memory_space<vmem>>
        %dma_wait3A_383 = arith.constant 0 : i32
        %dma_wait3A_384 = arith.constant 0 : i32
        %dma_wait3A_385 = tpu.memref_slice %arg3[%dma_wait3A_377, %dma_wait3A_383, %dma_wait3A_384] : memref<2500x3x128xi32, #tpu.memory_space<hbm>> -> memref<1x3x128xi32, #tpu.memory_space<hbm>>
        %dma_wait3A_386 = tpu.memref_squeeze %dma_wait3A_385 : memref<1x3x128xi32, #tpu.memory_space<hbm>> -> memref<3x128xi32, #tpu.memory_space<hbm>>
        %dma_wait3A_387 = arith.constant 0 : i32
        %dma_wait3A_388 = arith.constant 0 : i32
        %dma_wait3A_389 = tpu.memref_slice %arg5[%dma_wait3A_378, %dma_wait3A_387, %dma_wait3A_388] : memref<3x3x128xi32, #tpu.memory_space<vmem>> -> memref<1x3x128xi32, #tpu.memory_space<vmem>>
        %dma_wait3A_390 = tpu.memref_squeeze %dma_wait3A_389 : memref<1x3x128xi32, #tpu.memory_space<vmem>> -> memref<3x128xi32, #tpu.memory_space<vmem>>
        %dma_wait3A_391 = arith.constant 0 : i32
        %dma_wait3A_392 = arith.constant 0 : i32
        %dma_wait3A_393 = tpu.memref_slice %arg3[%dma_wait3A_377, %dma_wait3A_391, %dma_wait3A_392] : memref<2500x3x128xi32, #tpu.memory_space<hbm>> -> memref<1x3x128xi32, #tpu.memory_space<hbm>>
        %dma_wait3A_394 = tpu.memref_squeeze %dma_wait3A_393 : memref<1x3x128xi32, #tpu.memory_space<hbm>> -> memref<3x128xi32, #tpu.memory_space<hbm>>
        tpu.wait_dma2 semaphore(%arg8 : memref<!tpu.dma_semaphore, #tpu.memory_space<semaphore_mem>>) src(%dma_wait3A_394 : memref<3x128xi32, #tpu.memory_space<hbm>>) dst(%dma_wait3A_390 : memref<3x128xi32, #tpu.memory_space<vmem>>)
        %add3A_395 = arith.constant 1 : i32
        %add3A_396 = arith.addi %add3A_239, %add3A_395 : i32
        %jit3A_397 = arith.constant 3 : i32
        %eq3A = arith.constant 0 : i32
        %eq3A_398 = arith.cmpi eq, %jit3A_397, %eq3A : i32
        %jit3A_399 = arith.constant 1 : i32
        %select_n3A_400 = arith.select %eq3A_398, %jit3A_399, %jit3A_397 : i32
        %rem3A_401 = arith.remsi %add3A_396, %select_n3A_400 : i32
        %ne3A_402 = arith.constant 0 : i32
        %ne3A_403 = arith.cmpi ne, %rem3A_401, %ne3A_402 : i32
        %lt3A_404 = arith.constant 0 : i32
        %lt3A_405 = arith.cmpi slt, %rem3A_401, %lt3A_404 : i32
        %lt3A_406 = arith.constant 0 : i32
        %lt3A_407 = arith.cmpi slt, %select_n3A_400, %lt3A_406 : i32
        %ne3A_408 = arith.xori %lt3A_405, %lt3A_407 : i1
        %and3A_409 = arith.andi %ne3A_408, %ne3A_403 : i1
        %add3A_410 = arith.addi %rem3A_401, %select_n3A_400 : i32
        %select_n3A_411 = arith.select %and3A_409, %add3A_410, %rem3A_401 : i32
        %dma_start3A_412 = arith.constant 0 : i32
        %dma_start3A_413 = arith.constant 1 : i32
        %dma_start3A_414 = arith.constant 0 : i32
        %dma_start3A_415 = arith.constant 0 : i32
        %dma_start3A_416 = tpu.memref_slice %arg6[%dma_start3A_413, %dma_start3A_414, %dma_start3A_415] : memref<2x128x128xf32, #tpu.memory_space<vmem>> -> memref<1x128x128xf32, #tpu.memory_space<vmem>>
        %dma_start3A_417 = tpu.memref_squeeze %dma_start3A_416 : memref<1x128x128xf32, #tpu.memory_space<vmem>> -> memref<128x128xf32, #tpu.memory_space<vmem>>
        %dma_start3A_418 = arith.constant 0 : i32
        %dma_start3A_419 = tpu.memref_slice %arg5[%select_n3A_411, %dma_start3A_412, %dma_start3A_418] : memref<3x3x128xi32, #tpu.memory_space<vmem>> -> memref<1x1x128xi32, #tpu.memory_space<vmem>>
        %dma_start3A_420 = tpu.memref_squeeze %dma_start3A_419 : memref<1x1x128xi32, #tpu.memory_space<vmem>> -> memref<128xi32, #tpu.memory_space<vmem>>
        %dma_start3A_421 = arith.constant 0 : i32
        %dma_start3A_422 = arith.constant 0 : i32
        %dma_start3A_423 = tpu.memref_slice %arg2[%dma_start3A_421, %dma_start3A_422] : memref<10000x128xf32, #tpu.memory_space<hbm>> -> memref<10000x128xf32, #tpu.memory_space<hbm>>
        tpu.enqueue_indirect_dma source(%dma_start3A_423 : memref<10000x128xf32, #tpu.memory_space<hbm>>) target(%dma_start3A_417 : memref<128x128xf32, #tpu.memory_space<vmem>>) offsets(%dma_start3A_420 : memref<128xi32, #tpu.memory_space<vmem>>) semaphore(%arg12 : memref<!tpu.dma_semaphore, #tpu.memory_space<semaphore_mem>>)
      } else {
      }
      %lt3A_267 = arith.cmpi slt, %add3A_239, %select_n3A : i32
      %convert_element_type3A_268 = arith.extui %lt3A_267 : i1 to i32
      %cond3A_269 = arith.constant 0 : i32
      %cond3A_270 = arith.cmpi ne, %convert_element_type3A_268, %cond3A_269 : i32
      scf.if %cond3A_270 {
        %parallel_loop3A = arith.constant 0 : i32
        %parallel_loop3A_377 = arith.constant 128 : i32
        %parallel_loop3A_378 = arith.constant 1 : i32
        %parallel_loop3A_379 = arith.constant 2 : i32
        %parallel_loop3A_380 = arith.constant 2 : i32
        scf.for %parallel_loop3A_394 = %parallel_loop3A to %parallel_loop3A_377 step %parallel_loop3A_378  : i32 {
          %parallel_loop3A_395 = vector.broadcast %parallel_loop3A_394 : i32 to vector<16xi32>
          %parallel_loop3A_396 = arith.constant 0 : i32
          %parallel_loop3A_397 = tpu.memref_slice %arg5[%parallel_loop3A_379, %parallel_loop3A_380, %parallel_loop3A_396] : memref<3x3x128xi32, #tpu.memory_space<vmem>> -> memref<1x1x128xi32, #tpu.memory_space<vmem>>
          %parallel_loop3A_398 = tpu.memref_squeeze %parallel_loop3A_397 : memref<1x1x128xi32, #tpu.memory_space<vmem>> -> memref<128xi32, #tpu.memory_space<vmem>>
          %parallel_loop3A_399 = tpu.vector_load_idx %parallel_loop3A_398[%parallel_loop3A_395] : memref<128xi32, #tpu.memory_space<vmem>>[vector<16xi32>], vector<16xi32>,
          %parallel_loop3A_400 = vector.bitcast %parallel_loop3A_399 : vector<16xi32> to vector<16xf32>
          %parallel_loop3A_401 = arith.constant 0 : i32
          %parallel_loop3A_402 = arith.index_cast %parallel_loop3A_401 : i32 to index
          %parallel_loop3A_403 = arith.index_cast %parallel_loop3A_394 : i32 to index
          %parallel_loop3A_404 = arith.constant 0 : index
          %parallel_loop3A_405 = tpu.vector_load %arg6[%parallel_loop3A_402, %parallel_loop3A_403, %parallel_loop3A_404] {strides = array<i32>} : memref<2x128x128xf32, #tpu.memory_space<vmem>>, vector<16xf32>,
          %parallel_loop3A_406 = arith.mulf %parallel_loop3A_405, %parallel_loop3A_400 : vector<16xf32>
          %parallel_loop3A_407 = arith.constant 0 : i32
          %parallel_loop3A_408 = arith.index_cast %parallel_loop3A_407 : i32 to index
          %parallel_loop3A_409 = arith.index_cast %parallel_loop3A_394 : i32 to index
          %parallel_loop3A_410 = arith.constant 0 : index
          %parallel_loop3A_411 = tpu.vector_load %arg6[%parallel_loop3A_408, %parallel_loop3A_409, %parallel_loop3A_410] {strides = array<i32>} : memref<2x128x128xf32, #tpu.memory_space<vmem>>, vector<16xf32>,
          tpu.vector_store %arg6[%parallel_loop3A_408, %parallel_loop3A_409, %parallel_loop3A_410], %parallel_loop3A_406 {strides = array<i32>} : memref<2x128x128xf32, #tpu.memory_space<vmem>>, vector<16xf32>,
          %parallel_loop3A_412 = arith.constant 0 : i32
          %parallel_loop3A_413 = arith.index_cast %parallel_loop3A_412 : i32 to index
          %parallel_loop3A_414 = arith.index_cast %parallel_loop3A_394 : i32 to index
          %parallel_loop3A_415 = arith.constant 16 : index
          %parallel_loop3A_416 = tpu.vector_load %arg6[%parallel_loop3A_413, %parallel_loop3A_414, %parallel_loop3A_415] {strides = array<i32>} : memref<2x128x128xf32, #tpu.memory_space<vmem>>, vector<16xf32>,
          %parallel_loop3A_417 = arith.mulf %parallel_loop3A_416, %parallel_loop3A_400 : vector<16xf32>
          %parallel_loop3A_418 = arith.constant 0 : i32
          %parallel_loop3A_419 = arith.index_cast %parallel_loop3A_418 : i32 to index
          %parallel_loop3A_420 = arith.index_cast %parallel_loop3A_394 : i32 to index
          %parallel_loop3A_421 = arith.constant 16 : index
          %parallel_loop3A_422 = tpu.vector_load %arg6[%parallel_loop3A_419, %parallel_loop3A_420, %parallel_loop3A_421] {strides = array<i32>} : memref<2x128x128xf32, #tpu.memory_space<vmem>>, vector<16xf32>,
          tpu.vector_store %arg6[%parallel_loop3A_419, %parallel_loop3A_420, %parallel_loop3A_421], %parallel_loop3A_417 {strides = array<i32>} : memref<2x128x128xf32, #tpu.memory_space<vmem>>, vector<16xf32>,
          %parallel_loop3A_423 = arith.constant 0 : i32
          %parallel_loop3A_424 = arith.index_cast %parallel_loop3A_423 : i32 to index
          %parallel_loop3A_425 = arith.index_cast %parallel_loop3A_394 : i32 to index
          %parallel_loop3A_426 = arith.constant 32 : index
          %parallel_loop3A_427 = tpu.vector_load %arg6[%parallel_loop3A_424, %parallel_loop3A_425, %parallel_loop3A_426] {strides = array<i32>} : memref<2x128x128xf32, #tpu.memory_space<vmem>>, vector<16xf32>,
          %parallel_loop3A_428 = arith.mulf %parallel_loop3A_427, %parallel_loop3A_400 : vector<16xf32>
          %parallel_loop3A_429 = arith.constant 0 : i32
          %parallel_loop3A_430 = arith.index_cast %parallel_loop3A_429 : i32 to index
          %parallel_loop3A_431 = arith.index_cast %parallel_loop3A_394 : i32 to index
          %parallel_loop3A_432 = arith.constant 32 : index
          %parallel_loop3A_433 = tpu.vector_load %arg6[%parallel_loop3A_430, %parallel_loop3A_431, %parallel_loop3A_432] {strides = array<i32>} : memref<2x128x128xf32, #tpu.memory_space<vmem>>, vector<16xf32>,
          tpu.vector_store %arg6[%parallel_loop3A_430, %parallel_loop3A_431, %parallel_loop3A_432], %parallel_loop3A_428 {strides = array<i32>} : memref<2x128x128xf32, #tpu.memory_space<vmem>>, vector<16xf32>,
          %parallel_loop3A_434 = arith.constant 0 : i32
          %parallel_loop3A_435 = arith.index_cast %parallel_loop3A_434 : i32 to index
          %parallel_loop3A_436 = arith.index_cast %parallel_loop3A_394 : i32 to index
          %parallel_loop3A_437 = arith.constant 48 : index
          %parallel_loop3A_438 = tpu.vector_load %arg6[%parallel_loop3A_435, %parallel_loop3A_436, %parallel_loop3A_437] {strides = array<i32>} : memref<2x128x128xf32, #tpu.memory_space<vmem>>, vector<16xf32>,
          %parallel_loop3A_439 = arith.mulf %parallel_loop3A_438, %parallel_loop3A_400 : vector<16xf32>
          %parallel_loop3A_440 = arith.constant 0 : i32
          %parallel_loop3A_441 = arith.index_cast %parallel_loop3A_440 : i32 to index
          %parallel_loop3A_442 = arith.index_cast %parallel_loop3A_394 : i32 to index
          %parallel_loop3A_443 = arith.constant 48 : index
          %parallel_loop3A_444 = tpu.vector_load %arg6[%parallel_loop3A_441, %parallel_loop3A_442, %parallel_loop3A_443] {strides = array<i32>} : memref<2x128x128xf32, #tpu.memory_space<vmem>>, vector<16xf32>,
          tpu.vector_store %arg6[%parallel_loop3A_441, %parallel_loop3A_442, %parallel_loop3A_443], %parallel_loop3A_439 {strides = array<i32>} : memref<2x128x128xf32, #tpu.memory_space<vmem>>, vector<16xf32>,
          %parallel_loop3A_445 = arith.constant 0 : i32
          %parallel_loop3A_446 = arith.index_cast %parallel_loop3A_445 : i32 to index
          %parallel_loop3A_447 = arith.index_cast %parallel_loop3A_394 : i32 to index
          %parallel_loop3A_448 = arith.constant 64 : index
          %parallel_loop3A_449 = tpu.vector_load %arg6[%parallel_loop3A_446, %parallel_loop3A_447, %parallel_loop3A_448] {strides = array<i32>} : memref<2x128x128xf32, #tpu.memory_space<vmem>>, vector<16xf32>,
          %parallel_loop3A_450 = arith.mulf %parallel_loop3A_449, %parallel_loop3A_400 : vector<16xf32>
          %parallel_loop3A_451 = arith.constant 0 : i32
          %parallel_loop3A_452 = arith.index_cast %parallel_loop3A_451 : i32 to index
          %parallel_loop3A_453 = arith.index_cast %parallel_loop3A_394 : i32 to index
          %parallel_loop3A_454 = arith.constant 64 : index
          %parallel_loop3A_455 = tpu.vector_load %arg6[%parallel_loop3A_452, %parallel_loop3A_453, %parallel_loop3A_454] {strides = array<i32>} : memref<2x128x128xf32, #tpu.memory_space<vmem>>, vector<16xf32>,
          tpu.vector_store %arg6[%parallel_loop3A_452, %parallel_loop3A_453, %parallel_loop3A_454], %parallel_loop3A_450 {strides = array<i32>} : memref<2x128x128xf32, #tpu.memory_space<vmem>>, vector<16xf32>,
          %parallel_loop3A_456 = arith.constant 0 : i32
          %parallel_loop3A_457 = arith.index_cast %parallel_loop3A_456 : i32 to index
          %parallel_loop3A_458 = arith.index_cast %parallel_loop3A_394 : i32 to index
          %parallel_loop3A_459 = arith.constant 80 : index
          %parallel_loop3A_460 = tpu.vector_load %arg6[%parallel_loop3A_457, %parallel_loop3A_458, %parallel_loop3A_459] {strides = array<i32>} : memref<2x128x128xf32, #tpu.memory_space<vmem>>, vector<16xf32>,
          %parallel_loop3A_461 = arith.mulf %parallel_loop3A_460, %parallel_loop3A_400 : vector<16xf32>
          %parallel_loop3A_462 = arith.constant 0 : i32
          %parallel_loop3A_463 = arith.index_cast %parallel_loop3A_462 : i32 to index
          %parallel_loop3A_464 = arith.index_cast %parallel_loop3A_394 : i32 to index
          %parallel_loop3A_465 = arith.constant 80 : index
          %parallel_loop3A_466 = tpu.vector_load %arg6[%parallel_loop3A_463, %parallel_loop3A_464, %parallel_loop3A_465] {strides = array<i32>} : memref<2x128x128xf32, #tpu.memory_space<vmem>>, vector<16xf32>,
          tpu.vector_store %arg6[%parallel_loop3A_463, %parallel_loop3A_464, %parallel_loop3A_465], %parallel_loop3A_461 {strides = array<i32>} : memref<2x128x128xf32, #tpu.memory_space<vmem>>, vector<16xf32>,
          %parallel_loop3A_467 = arith.constant 0 : i32
          %parallel_loop3A_468 = arith.index_cast %parallel_loop3A_467 : i32 to index
          %parallel_loop3A_469 = arith.index_cast %parallel_loop3A_394 : i32 to index
          %parallel_loop3A_470 = arith.constant 96 : index
          %parallel_loop3A_471 = tpu.vector_load %arg6[%parallel_loop3A_468, %parallel_loop3A_469, %parallel_loop3A_470] {strides = array<i32>} : memref<2x128x128xf32, #tpu.memory_space<vmem>>, vector<16xf32>,
          %parallel_loop3A_472 = arith.mulf %parallel_loop3A_471, %parallel_loop3A_400 : vector<16xf32>
          %parallel_loop3A_473 = arith.constant 0 : i32
          %parallel_loop3A_474 = arith.index_cast %parallel_loop3A_473 : i32 to index
          %parallel_loop3A_475 = arith.index_cast %parallel_loop3A_394 : i32 to index
          %parallel_loop3A_476 = arith.constant 96 : index
          %parallel_loop3A_477 = tpu.vector_load %arg6[%parallel_loop3A_474, %parallel_loop3A_475, %parallel_loop3A_476] {strides = array<i32>} : memref<2x128x128xf32, #tpu.memory_space<vmem>>, vector<16xf32>,
          tpu.vector_store %arg6[%parallel_loop3A_474, %parallel_loop3A_475, %parallel_loop3A_476], %parallel_loop3A_472 {strides = array<i32>} : memref<2x128x128xf32, #tpu.memory_space<vmem>>, vector<16xf32>,
          %parallel_loop3A_478 = arith.constant 0 : i32
          %parallel_loop3A_479 = arith.index_cast %parallel_loop3A_478 : i32 to index
          %parallel_loop3A_480 = arith.index_cast %parallel_loop3A_394 : i32 to index
          %parallel_loop3A_481 = arith.constant 112 : index
          %parallel_loop3A_482 = tpu.vector_load %arg6[%parallel_loop3A_479, %parallel_loop3A_480, %parallel_loop3A_481] {strides = array<i32>} : memref<2x128x128xf32, #tpu.memory_space<vmem>>, vector<16xf32>,
          %parallel_loop3A_483 = arith.mulf %parallel_loop3A_482, %parallel_loop3A_400 : vector<16xf32>
          %parallel_loop3A_484 = arith.constant 0 : i32
          %parallel_loop3A_485 = arith.index_cast %parallel_loop3A_484 : i32 to index
          %parallel_loop3A_486 = arith.index_cast %parallel_loop3A_394 : i32 to index
          %parallel_loop3A_487 = arith.constant 112 : index
          %parallel_loop3A_488 = tpu.vector_load %arg6[%parallel_loop3A_485, %parallel_loop3A_486, %parallel_loop3A_487] {strides = array<i32>} : memref<2x128x128xf32, #tpu.memory_space<vmem>>, vector<16xf32>,
          tpu.vector_store %arg6[%parallel_loop3A_485, %parallel_loop3A_486, %parallel_loop3A_487], %parallel_loop3A_483 {strides = array<i32>} : memref<2x128x128xf32, #tpu.memory_space<vmem>>, vector<16xf32>,
        } {sc.loop_unroll_factor = 4 : i64, sc.parallel_access}
        %dma_start3A_381 = arith.constant 0 : i32
        %dma_start3A_382 = arith.constant 2 : i32
        %dma_start3A_383 = arith.constant 1 : i32
        %dma_start3A_384 = arith.constant 0 : i32
        %dma_start3A_385 = arith.constant 0 : i32
        %dma_start3A_386 = tpu.memref_slice %arg6[%dma_start3A_381, %dma_start3A_384, %dma_start3A_385] : memref<2x128x128xf32, #tpu.memory_space<vmem>> -> memref<1x128x128xf32, #tpu.memory_space<vmem>>
        %dma_start3A_387 = tpu.memref_squeeze %dma_start3A_386 : memref<1x128x128xf32, #tpu.memory_space<vmem>> -> memref<128x128xf32, #tpu.memory_space<vmem>>
        %dma_start3A_388 = arith.constant 0 : i32
        %dma_start3A_389 = tpu.memref_slice %arg5[%dma_start3A_382, %dma_start3A_383, %dma_start3A_388] : memref<3x3x128xi32, #tpu.memory_space<vmem>> -> memref<1x1x128xi32, #tpu.memory_space<vmem>>
        %dma_start3A_390 = tpu.memref_squeeze %dma_start3A_389 : memref<1x1x128xi32, #tpu.memory_space<vmem>> -> memref<128xi32, #tpu.memory_space<vmem>>
        %dma_start3A_391 = arith.constant 0 : i32
        %dma_start3A_392 = arith.constant 0 : i32
        %dma_start3A_393 = tpu.memref_slice %arg7[%dma_start3A_391, %dma_start3A_392] : memref<10000x128xf32, #tpu.memory_space<vmem_shared>> -> memref<10000x128xf32, #tpu.memory_space<vmem_shared>>
        tpu.enqueue_indirect_dma source(%dma_start3A_387 : memref<128x128xf32, #tpu.memory_space<vmem>>) target(%dma_start3A_393 : memref<10000x128xf32, #tpu.memory_space<vmem_shared>>) offsets(%dma_start3A_390 : memref<128xi32, #tpu.memory_space<vmem>>) semaphore(%arg13 : memref<!tpu.dma_semaphore, #tpu.memory_space<semaphore_mem>>) {add = true}
      } else {
      }
      %mul3A_271 = arith.constant 6 : i32
      %mul3A_272 = arith.muli %scan3A_168, %mul3A_271 : i32
      %add3A_273 = arith.constant 3 : i32
      %add3A_274 = arith.addi %mul3A_272, %add3A_273 : i32
      %lt3A_275 = arith.cmpi slt, %add3A_274, %select_n3A : i32
      %convert_element_type3A_276 = arith.extui %lt3A_275 : i1 to i32
      %cond3A_277 = arith.constant 0 : i32
      %cond3A_278 = arith.cmpi ne, %convert_element_type3A_276, %cond3A_277 : i32
      scf.if %cond3A_278 {
        %dma_wait3A_377 = arith.constant 0 : i32
        %dma_wait3A_378 = arith.constant 0 : i32
        %dma_wait3A_379 = arith.constant 1 : i32
        %dma_wait3A_380 = arith.constant 0 : i32
        %dma_wait3A_381 = arith.constant 0 : i32
        %dma_wait3A_382 = tpu.memref_slice %arg6[%dma_wait3A_379, %dma_wait3A_380, %dma_wait3A_381] : memref<2x128x128xf32, #tpu.memory_space<vmem>> -> memref<1x128x128xf32, #tpu.memory_space<vmem>>
        %dma_wait3A_383 = tpu.memref_squeeze %dma_wait3A_382 : memref<1x128x128xf32, #tpu.memory_space<vmem>> -> memref<128x128xf32, #tpu.memory_space<vmem>>
        %dma_wait3A_384 = arith.constant 0 : i32
        %dma_wait3A_385 = tpu.memref_slice %arg5[%dma_wait3A_377, %dma_wait3A_378, %dma_wait3A_384] : memref<3x3x128xi32, #tpu.memory_space<vmem>> -> memref<1x1x128xi32, #tpu.memory_space<vmem>>
        %dma_wait3A_386 = tpu.memref_squeeze %dma_wait3A_385 : memref<1x1x128xi32, #tpu.memory_space<vmem>> -> memref<128xi32, #tpu.memory_space<vmem>>
        %dma_wait3A_387 = arith.constant 0 : i32
        %dma_wait3A_388 = arith.constant 0 : i32
        %dma_wait3A_389 = tpu.memref_slice %arg2[%dma_wait3A_387, %dma_wait3A_388] : memref<10000x128xf32, #tpu.memory_space<hbm>> -> memref<10000x128xf32, #tpu.memory_space<hbm>>
        tpu.wait_indirect_dma semaphore(%arg12 : memref<!tpu.dma_semaphore, #tpu.memory_space<semaphore_mem>>) src(%dma_wait3A_389 : memref<10000x128xf32, #tpu.memory_space<hbm>>) dst(%dma_wait3A_383 : memref<128x128xf32, #tpu.memory_space<vmem>>)
      } else {
      }
      %sub3A_279 = arith.constant 1 : i32
      %sub3A_280 = arith.subi %add3A_274, %sub3A_279 : i32
      %ge3A_281 = arith.constant 0 : i32
      %ge3A_282 = arith.cmpi sge, %sub3A_280, %ge3A_281 : i32
      %sub3A_283 = arith.constant 1 : i32
      %sub3A_284 = arith.subi %add3A_274, %sub3A_283 : i32
      %lt3A_285 = arith.cmpi slt, %sub3A_284, %select_n3A : i32
      %and3A_286 = arith.andi %ge3A_282, %lt3A_285 : i1
      %convert_element_type3A_287 = arith.extui %and3A_286 : i1 to i32
      %cond3A_288 = arith.constant 0 : i32
      %cond3A_289 = arith.cmpi ne, %convert_element_type3A_287, %cond3A_288 : i32
      scf.if %cond3A_289 {
        %dma_wait3A_377 = arith.constant 0 : i32
        %dma_wait3A_378 = arith.constant 0 : i32
        %dma_wait3A_379 = arith.constant 1 : i32
        %dma_wait3A_380 = arith.constant 0 : i32
        %dma_wait3A_381 = arith.constant 0 : i32
        %dma_wait3A_382 = tpu.memref_slice %arg6[%dma_wait3A_377, %dma_wait3A_380, %dma_wait3A_381] : memref<2x128x128xf32, #tpu.memory_space<vmem>> -> memref<1x128x128xf32, #tpu.memory_space<vmem>>
        %dma_wait3A_383 = tpu.memref_squeeze %dma_wait3A_382 : memref<1x128x128xf32, #tpu.memory_space<vmem>> -> memref<128x128xf32, #tpu.memory_space<vmem>>
        %dma_wait3A_384 = arith.constant 0 : i32
        %dma_wait3A_385 = tpu.memref_slice %arg5[%dma_wait3A_378, %dma_wait3A_379, %dma_wait3A_384] : memref<3x3x128xi32, #tpu.memory_space<vmem>> -> memref<1x1x128xi32, #tpu.memory_space<vmem>>
        %dma_wait3A_386 = tpu.memref_squeeze %dma_wait3A_385 : memref<1x1x128xi32, #tpu.memory_space<vmem>> -> memref<128xi32, #tpu.memory_space<vmem>>
        %dma_wait3A_387 = arith.constant 0 : i32
        %dma_wait3A_388 = arith.constant 0 : i32
        %dma_wait3A_389 = tpu.memref_slice %arg7[%dma_wait3A_387, %dma_wait3A_388] : memref<10000x128xf32, #tpu.memory_space<vmem_shared>> -> memref<10000x128xf32, #tpu.memory_space<vmem_shared>>
        tpu.wait_indirect_dma semaphore(%arg13 : memref<!tpu.dma_semaphore, #tpu.memory_space<semaphore_mem>>) src(%dma_wait3A_383 : memref<128x128xf32, #tpu.memory_space<vmem>>) dst(%dma_wait3A_389 : memref<10000x128xf32, #tpu.memory_space<vmem_shared>>)
      } else {
      }
      %add3A_290 = arith.constant 2 : i32
      %add3A_291 = arith.addi %add3A_274, %add3A_290 : i32
      %lt3A_292 = arith.cmpi slt, %add3A_291, %select_n3A : i32
      %convert_element_type3A_293 = arith.extui %lt3A_292 : i1 to i32
      %cond3A_294 = arith.constant 0 : i32
      %cond3A_295 = arith.cmpi ne, %convert_element_type3A_293, %cond3A_294 : i32
      scf.if %cond3A_295 {
        %add3A_377 = arith.constant 2 : i32
        %add3A_378 = arith.addi %add3A_274, %add3A_377 : i32
        %mul3A_379 = arith.constant 1250 : i32
        %mul3A_380 = arith.muli %arg0, %mul3A_379 : i32
        %add3A_381 = arith.addi %mul3A_380, %arg1 : i32
        %min3A_382 = arith.minsi %add3A_378, %sub3A_22 : i32
        %mul3A_383 = arith.constant 16 : i32
        %mul3A_384 = arith.muli %min3A_382, %mul3A_383 : i32
        %add3A_385 = arith.addi %add3A_381, %mul3A_384 : i32
        %dma_start3A_386 = arith.constant 2 : i32
        %dma_start3A_387 = arith.constant 0 : i32
        %dma_start3A_388 = arith.constant 0 : i32
        %dma_start3A_389 = tpu.memref_slice %arg5[%dma_start3A_386, %dma_start3A_387, %dma_start3A_388] : memref<3x3x128xi32, #tpu.memory_space<vmem>> -> memref<1x3x128xi32, #tpu.memory_space<vmem>>
        %dma_start3A_390 = tpu.memref_squeeze %dma_start3A_389 : memref<1x3x128xi32, #tpu.memory_space<vmem>> -> memref<3x128xi32, #tpu.memory_space<vmem>>
        %dma_start3A_391 = arith.constant 0 : i32
        %dma_start3A_392 = arith.constant 0 : i32
        %dma_start3A_393 = tpu.memref_slice %arg3[%add3A_385, %dma_start3A_391, %dma_start3A_392] : memref<2500x3x128xi32, #tpu.memory_space<hbm>> -> memref<1x3x128xi32, #tpu.memory_space<hbm>>
        %dma_start3A_394 = tpu.memref_squeeze %dma_start3A_393 : memref<1x3x128xi32, #tpu.memory_space<hbm>> -> memref<3x128xi32, #tpu.memory_space<hbm>>
        %dma_start3A_395 = arith.constant 0 : i32
        %dma_start3A_396 = arith.constant 0 : i32
        %dma_start3A_397 = tpu.memref_slice %arg5[%dma_start3A_386, %dma_start3A_395, %dma_start3A_396] : memref<3x3x128xi32, #tpu.memory_space<vmem>> -> memref<1x3x128xi32, #tpu.memory_space<vmem>>
        %dma_start3A_398 = tpu.memref_squeeze %dma_start3A_397 : memref<1x3x128xi32, #tpu.memory_space<vmem>> -> memref<3x128xi32, #tpu.memory_space<vmem>>
        %dma_start3A_399 = arith.constant 0 : i32
        %dma_start3A_400 = arith.constant 0 : i32
        %dma_start3A_401 = tpu.memref_slice %arg3[%add3A_385, %dma_start3A_399, %dma_start3A_400] : memref<2500x3x128xi32, #tpu.memory_space<hbm>> -> memref<1x3x128xi32, #tpu.memory_space<hbm>>
        %dma_start3A_402 = tpu.memref_squeeze %dma_start3A_401 : memref<1x3x128xi32, #tpu.memory_space<hbm>> -> memref<3x128xi32, #tpu.memory_space<hbm>>
        tpu.enqueue_dma source(%dma_start3A_402 : memref<3x128xi32, #tpu.memory_space<hbm>>) target(%dma_start3A_398 : memref<3x128xi32, #tpu.memory_space<vmem>>) target_semaphore(%arg10 : memref<!tpu.dma_semaphore, #tpu.memory_space<semaphore_mem>>)
      } else {
      }
      %add3A_296 = arith.constant 1 : i32
      %add3A_297 = arith.addi %add3A_274, %add3A_296 : i32
      %lt3A_298 = arith.cmpi slt, %add3A_297, %select_n3A : i32
      %convert_element_type3A_299 = arith.extui %lt3A_298 : i1 to i32
      %cond3A_300 = arith.constant 0 : i32
      %cond3A_301 = arith.cmpi ne, %convert_element_type3A_299, %cond3A_300 : i32
      scf.if %cond3A_301 {
        %dma_wait3A_377 = arith.constant 0 : i32
        %dma_wait3A_378 = arith.constant 1 : i32
        %dma_wait3A_379 = arith.constant 0 : i32
        %dma_wait3A_380 = arith.constant 0 : i32
        %dma_wait3A_381 = tpu.memref_slice %arg5[%dma_wait3A_378, %dma_wait3A_379, %dma_wait3A_380] : memref<3x3x128xi32, #tpu.memory_space<vmem>> -> memref<1x3x128xi32, #tpu.memory_space<vmem>>
        %dma_wait3A_382 = tpu.memref_squeeze %dma_wait3A_381 : memref<1x3x128xi32, #tpu.memory_space<vmem>> -> memref<3x128xi32, #tpu.memory_space<vmem>>
        %dma_wait3A_383 = arith.constant 0 : i32
        %dma_wait3A_384 = arith.constant 0 : i32
        %dma_wait3A_385 = tpu.memref_slice %arg3[%dma_wait3A_377, %dma_wait3A_383, %dma_wait3A_384] : memref<2500x3x128xi32, #tpu.memory_space<hbm>> -> memref<1x3x128xi32, #tpu.memory_space<hbm>>
        %dma_wait3A_386 = tpu.memref_squeeze %dma_wait3A_385 : memref<1x3x128xi32, #tpu.memory_space<hbm>> -> memref<3x128xi32, #tpu.memory_space<hbm>>
        %dma_wait3A_387 = arith.constant 0 : i32
        %dma_wait3A_388 = arith.constant 0 : i32
        %dma_wait3A_389 = tpu.memref_slice %arg5[%dma_wait3A_378, %dma_wait3A_387, %dma_wait3A_388] : memref<3x3x128xi32, #tpu.memory_space<vmem>> -> memref<1x3x128xi32, #tpu.memory_space<vmem>>
        %dma_wait3A_390 = tpu.memref_squeeze %dma_wait3A_389 : memref<1x3x128xi32, #tpu.memory_space<vmem>> -> memref<3x128xi32, #tpu.memory_space<vmem>>
        %dma_wait3A_391 = arith.constant 0 : i32
        %dma_wait3A_392 = arith.constant 0 : i32
        %dma_wait3A_393 = tpu.memref_slice %arg3[%dma_wait3A_377, %dma_wait3A_391, %dma_wait3A_392] : memref<2500x3x128xi32, #tpu.memory_space<hbm>> -> memref<1x3x128xi32, #tpu.memory_space<hbm>>
        %dma_wait3A_394 = tpu.memref_squeeze %dma_wait3A_393 : memref<1x3x128xi32, #tpu.memory_space<hbm>> -> memref<3x128xi32, #tpu.memory_space<hbm>>
        tpu.wait_dma2 semaphore(%arg9 : memref<!tpu.dma_semaphore, #tpu.memory_space<semaphore_mem>>) src(%dma_wait3A_394 : memref<3x128xi32, #tpu.memory_space<hbm>>) dst(%dma_wait3A_390 : memref<3x128xi32, #tpu.memory_space<vmem>>)
        %add3A_395 = arith.constant 1 : i32
        %add3A_396 = arith.addi %add3A_274, %add3A_395 : i32
        %jit3A_397 = arith.constant 3 : i32
        %eq3A = arith.constant 0 : i32
        %eq3A_398 = arith.cmpi eq, %jit3A_397, %eq3A : i32
        %jit3A_399 = arith.constant 1 : i32
        %select_n3A_400 = arith.select %eq3A_398, %jit3A_399, %jit3A_397 : i32
        %rem3A_401 = arith.remsi %add3A_396, %select_n3A_400 : i32
        %ne3A_402 = arith.constant 0 : i32
        %ne3A_403 = arith.cmpi ne, %rem3A_401, %ne3A_402 : i32
        %lt3A_404 = arith.constant 0 : i32
        %lt3A_405 = arith.cmpi slt, %rem3A_401, %lt3A_404 : i32
        %lt3A_406 = arith.constant 0 : i32
        %lt3A_407 = arith.cmpi slt, %select_n3A_400, %lt3A_406 : i32
        %ne3A_408 = arith.xori %lt3A_405, %lt3A_407 : i1
        %and3A_409 = arith.andi %ne3A_408, %ne3A_403 : i1
        %add3A_410 = arith.addi %rem3A_401, %select_n3A_400 : i32
        %select_n3A_411 = arith.select %and3A_409, %add3A_410, %rem3A_401 : i32
        %dma_start3A_412 = arith.constant 0 : i32
        %dma_start3A_413 = arith.constant 0 : i32
        %dma_start3A_414 = arith.constant 0 : i32
        %dma_start3A_415 = arith.constant 0 : i32
        %dma_start3A_416 = tpu.memref_slice %arg6[%dma_start3A_413, %dma_start3A_414, %dma_start3A_415] : memref<2x128x128xf32, #tpu.memory_space<vmem>> -> memref<1x128x128xf32, #tpu.memory_space<vmem>>
        %dma_start3A_417 = tpu.memref_squeeze %dma_start3A_416 : memref<1x128x128xf32, #tpu.memory_space<vmem>> -> memref<128x128xf32, #tpu.memory_space<vmem>>
        %dma_start3A_418 = arith.constant 0 : i32
        %dma_start3A_419 = tpu.memref_slice %arg5[%select_n3A_411, %dma_start3A_412, %dma_start3A_418] : memref<3x3x128xi32, #tpu.memory_space<vmem>> -> memref<1x1x128xi32, #tpu.memory_space<vmem>>
        %dma_start3A_420 = tpu.memref_squeeze %dma_start3A_419 : memref<1x1x128xi32, #tpu.memory_space<vmem>> -> memref<128xi32, #tpu.memory_space<vmem>>
        %dma_start3A_421 = arith.constant 0 : i32
        %dma_start3A_422 = arith.constant 0 : i32
        %dma_start3A_423 = tpu.memref_slice %arg2[%dma_start3A_421, %dma_start3A_422] : memref<10000x128xf32, #tpu.memory_space<hbm>> -> memref<10000x128xf32, #tpu.memory_space<hbm>>
        tpu.enqueue_indirect_dma source(%dma_start3A_423 : memref<10000x128xf32, #tpu.memory_space<hbm>>) target(%dma_start3A_417 : memref<128x128xf32, #tpu.memory_space<vmem>>) offsets(%dma_start3A_420 : memref<128xi32, #tpu.memory_space<vmem>>) semaphore(%arg11 : memref<!tpu.dma_semaphore, #tpu.memory_space<semaphore_mem>>)
      } else {
      }
      %lt3A_302 = arith.cmpi slt, %add3A_274, %select_n3A : i32
      %convert_element_type3A_303 = arith.extui %lt3A_302 : i1 to i32
      %cond3A_304 = arith.constant 0 : i32
      %cond3A_305 = arith.cmpi ne, %convert_element_type3A_303, %cond3A_304 : i32
      scf.if %cond3A_305 {
        %parallel_loop3A = arith.constant 0 : i32
        %parallel_loop3A_377 = arith.constant 128 : i32
        %parallel_loop3A_378 = arith.constant 1 : i32
        %parallel_loop3A_379 = arith.constant 0 : i32
        %parallel_loop3A_380 = arith.constant 2 : i32
        scf.for %parallel_loop3A_394 = %parallel_loop3A to %parallel_loop3A_377 step %parallel_loop3A_378  : i32 {
          %parallel_loop3A_395 = vector.broadcast %parallel_loop3A_394 : i32 to vector<16xi32>
          %parallel_loop3A_396 = arith.constant 0 : i32
          %parallel_loop3A_397 = tpu.memref_slice %arg5[%parallel_loop3A_379, %parallel_loop3A_380, %parallel_loop3A_396] : memref<3x3x128xi32, #tpu.memory_space<vmem>> -> memref<1x1x128xi32, #tpu.memory_space<vmem>>
          %parallel_loop3A_398 = tpu.memref_squeeze %parallel_loop3A_397 : memref<1x1x128xi32, #tpu.memory_space<vmem>> -> memref<128xi32, #tpu.memory_space<vmem>>
          %parallel_loop3A_399 = tpu.vector_load_idx %parallel_loop3A_398[%parallel_loop3A_395] : memref<128xi32, #tpu.memory_space<vmem>>[vector<16xi32>], vector<16xi32>,
          %parallel_loop3A_400 = vector.bitcast %parallel_loop3A_399 : vector<16xi32> to vector<16xf32>
          %parallel_loop3A_401 = arith.constant 1 : i32
          %parallel_loop3A_402 = arith.index_cast %parallel_loop3A_401 : i32 to index
          %parallel_loop3A_403 = arith.index_cast %parallel_loop3A_394 : i32 to index
          %parallel_loop3A_404 = arith.constant 0 : index
          %parallel_loop3A_405 = tpu.vector_load %arg6[%parallel_loop3A_402, %parallel_loop3A_403, %parallel_loop3A_404] {strides = array<i32>} : memref<2x128x128xf32, #tpu.memory_space<vmem>>, vector<16xf32>,
          %parallel_loop3A_406 = arith.mulf %parallel_loop3A_405, %parallel_loop3A_400 : vector<16xf32>
          %parallel_loop3A_407 = arith.constant 1 : i32
          %parallel_loop3A_408 = arith.index_cast %parallel_loop3A_407 : i32 to index
          %parallel_loop3A_409 = arith.index_cast %parallel_loop3A_394 : i32 to index
          %parallel_loop3A_410 = arith.constant 0 : index
          %parallel_loop3A_411 = tpu.vector_load %arg6[%parallel_loop3A_408, %parallel_loop3A_409, %parallel_loop3A_410] {strides = array<i32>} : memref<2x128x128xf32, #tpu.memory_space<vmem>>, vector<16xf32>,
          tpu.vector_store %arg6[%parallel_loop3A_408, %parallel_loop3A_409, %parallel_loop3A_410], %parallel_loop3A_406 {strides = array<i32>} : memref<2x128x128xf32, #tpu.memory_space<vmem>>, vector<16xf32>,
          %parallel_loop3A_412 = arith.constant 1 : i32
          %parallel_loop3A_413 = arith.index_cast %parallel_loop3A_412 : i32 to index
          %parallel_loop3A_414 = arith.index_cast %parallel_loop3A_394 : i32 to index
          %parallel_loop3A_415 = arith.constant 16 : index
          %parallel_loop3A_416 = tpu.vector_load %arg6[%parallel_loop3A_413, %parallel_loop3A_414, %parallel_loop3A_415] {strides = array<i32>} : memref<2x128x128xf32, #tpu.memory_space<vmem>>, vector<16xf32>,
          %parallel_loop3A_417 = arith.mulf %parallel_loop3A_416, %parallel_loop3A_400 : vector<16xf32>
          %parallel_loop3A_418 = arith.constant 1 : i32
          %parallel_loop3A_419 = arith.index_cast %parallel_loop3A_418 : i32 to index
          %parallel_loop3A_420 = arith.index_cast %parallel_loop3A_394 : i32 to index
          %parallel_loop3A_421 = arith.constant 16 : index
          %parallel_loop3A_422 = tpu.vector_load %arg6[%parallel_loop3A_419, %parallel_loop3A_420, %parallel_loop3A_421] {strides = array<i32>} : memref<2x128x128xf32, #tpu.memory_space<vmem>>, vector<16xf32>,
          tpu.vector_store %arg6[%parallel_loop3A_419, %parallel_loop3A_420, %parallel_loop3A_421], %parallel_loop3A_417 {strides = array<i32>} : memref<2x128x128xf32, #tpu.memory_space<vmem>>, vector<16xf32>,
          %parallel_loop3A_423 = arith.constant 1 : i32
          %parallel_loop3A_424 = arith.index_cast %parallel_loop3A_423 : i32 to index
          %parallel_loop3A_425 = arith.index_cast %parallel_loop3A_394 : i32 to index
          %parallel_loop3A_426 = arith.constant 32 : index
          %parallel_loop3A_427 = tpu.vector_load %arg6[%parallel_loop3A_424, %parallel_loop3A_425, %parallel_loop3A_426] {strides = array<i32>} : memref<2x128x128xf32, #tpu.memory_space<vmem>>, vector<16xf32>,
          %parallel_loop3A_428 = arith.mulf %parallel_loop3A_427, %parallel_loop3A_400 : vector<16xf32>
          %parallel_loop3A_429 = arith.constant 1 : i32
          %parallel_loop3A_430 = arith.index_cast %parallel_loop3A_429 : i32 to index
          %parallel_loop3A_431 = arith.index_cast %parallel_loop3A_394 : i32 to index
          %parallel_loop3A_432 = arith.constant 32 : index
          %parallel_loop3A_433 = tpu.vector_load %arg6[%parallel_loop3A_430, %parallel_loop3A_431, %parallel_loop3A_432] {strides = array<i32>} : memref<2x128x128xf32, #tpu.memory_space<vmem>>, vector<16xf32>,
          tpu.vector_store %arg6[%parallel_loop3A_430, %parallel_loop3A_431, %parallel_loop3A_432], %parallel_loop3A_428 {strides = array<i32>} : memref<2x128x128xf32, #tpu.memory_space<vmem>>, vector<16xf32>,
          %parallel_loop3A_434 = arith.constant 1 : i32
          %parallel_loop3A_435 = arith.index_cast %parallel_loop3A_434 : i32 to index
          %parallel_loop3A_436 = arith.index_cast %parallel_loop3A_394 : i32 to index
          %parallel_loop3A_437 = arith.constant 48 : index
          %parallel_loop3A_438 = tpu.vector_load %arg6[%parallel_loop3A_435, %parallel_loop3A_436, %parallel_loop3A_437] {strides = array<i32>} : memref<2x128x128xf32, #tpu.memory_space<vmem>>, vector<16xf32>,
          %parallel_loop3A_439 = arith.mulf %parallel_loop3A_438, %parallel_loop3A_400 : vector<16xf32>
          %parallel_loop3A_440 = arith.constant 1 : i32
          %parallel_loop3A_441 = arith.index_cast %parallel_loop3A_440 : i32 to index
          %parallel_loop3A_442 = arith.index_cast %parallel_loop3A_394 : i32 to index
          %parallel_loop3A_443 = arith.constant 48 : index
          %parallel_loop3A_444 = tpu.vector_load %arg6[%parallel_loop3A_441, %parallel_loop3A_442, %parallel_loop3A_443] {strides = array<i32>} : memref<2x128x128xf32, #tpu.memory_space<vmem>>, vector<16xf32>,
          tpu.vector_store %arg6[%parallel_loop3A_441, %parallel_loop3A_442, %parallel_loop3A_443], %parallel_loop3A_439 {strides = array<i32>} : memref<2x128x128xf32, #tpu.memory_space<vmem>>, vector<16xf32>,
          %parallel_loop3A_445 = arith.constant 1 : i32
          %parallel_loop3A_446 = arith.index_cast %parallel_loop3A_445 : i32 to index
          %parallel_loop3A_447 = arith.index_cast %parallel_loop3A_394 : i32 to index
          %parallel_loop3A_448 = arith.constant 64 : index
          %parallel_loop3A_449 = tpu.vector_load %arg6[%parallel_loop3A_446, %parallel_loop3A_447, %parallel_loop3A_448] {strides = array<i32>} : memref<2x128x128xf32, #tpu.memory_space<vmem>>, vector<16xf32>,
          %parallel_loop3A_450 = arith.mulf %parallel_loop3A_449, %parallel_loop3A_400 : vector<16xf32>
          %parallel_loop3A_451 = arith.constant 1 : i32
          %parallel_loop3A_452 = arith.index_cast %parallel_loop3A_451 : i32 to index
          %parallel_loop3A_453 = arith.index_cast %parallel_loop3A_394 : i32 to index
          %parallel_loop3A_454 = arith.constant 64 : index
          %parallel_loop3A_455 = tpu.vector_load %arg6[%parallel_loop3A_452, %parallel_loop3A_453, %parallel_loop3A_454] {strides = array<i32>} : memref<2x128x128xf32, #tpu.memory_space<vmem>>, vector<16xf32>,
          tpu.vector_store %arg6[%parallel_loop3A_452, %parallel_loop3A_453, %parallel_loop3A_454], %parallel_loop3A_450 {strides = array<i32>} : memref<2x128x128xf32, #tpu.memory_space<vmem>>, vector<16xf32>,
          %parallel_loop3A_456 = arith.constant 1 : i32
          %parallel_loop3A_457 = arith.index_cast %parallel_loop3A_456 : i32 to index
          %parallel_loop3A_458 = arith.index_cast %parallel_loop3A_394 : i32 to index
          %parallel_loop3A_459 = arith.constant 80 : index
          %parallel_loop3A_460 = tpu.vector_load %arg6[%parallel_loop3A_457, %parallel_loop3A_458, %parallel_loop3A_459] {strides = array<i32>} : memref<2x128x128xf32, #tpu.memory_space<vmem>>, vector<16xf32>,
          %parallel_loop3A_461 = arith.mulf %parallel_loop3A_460, %parallel_loop3A_400 : vector<16xf32>
          %parallel_loop3A_462 = arith.constant 1 : i32
          %parallel_loop3A_463 = arith.index_cast %parallel_loop3A_462 : i32 to index
          %parallel_loop3A_464 = arith.index_cast %parallel_loop3A_394 : i32 to index
          %parallel_loop3A_465 = arith.constant 80 : index
          %parallel_loop3A_466 = tpu.vector_load %arg6[%parallel_loop3A_463, %parallel_loop3A_464, %parallel_loop3A_465] {strides = array<i32>} : memref<2x128x128xf32, #tpu.memory_space<vmem>>, vector<16xf32>,
          tpu.vector_store %arg6[%parallel_loop3A_463, %parallel_loop3A_464, %parallel_loop3A_465], %parallel_loop3A_461 {strides = array<i32>} : memref<2x128x128xf32, #tpu.memory_space<vmem>>, vector<16xf32>,
          %parallel_loop3A_467 = arith.constant 1 : i32
          %parallel_loop3A_468 = arith.index_cast %parallel_loop3A_467 : i32 to index
          %parallel_loop3A_469 = arith.index_cast %parallel_loop3A_394 : i32 to index
          %parallel_loop3A_470 = arith.constant 96 : index
          %parallel_loop3A_471 = tpu.vector_load %arg6[%parallel_loop3A_468, %parallel_loop3A_469, %parallel_loop3A_470] {strides = array<i32>} : memref<2x128x128xf32, #tpu.memory_space<vmem>>, vector<16xf32>,
          %parallel_loop3A_472 = arith.mulf %parallel_loop3A_471, %parallel_loop3A_400 : vector<16xf32>
          %parallel_loop3A_473 = arith.constant 1 : i32
          %parallel_loop3A_474 = arith.index_cast %parallel_loop3A_473 : i32 to index
          %parallel_loop3A_475 = arith.index_cast %parallel_loop3A_394 : i32 to index
          %parallel_loop3A_476 = arith.constant 96 : index
          %parallel_loop3A_477 = tpu.vector_load %arg6[%parallel_loop3A_474, %parallel_loop3A_475, %parallel_loop3A_476] {strides = array<i32>} : memref<2x128x128xf32, #tpu.memory_space<vmem>>, vector<16xf32>,
          tpu.vector_store %arg6[%parallel_loop3A_474, %parallel_loop3A_475, %parallel_loop3A_476], %parallel_loop3A_472 {strides = array<i32>} : memref<2x128x128xf32, #tpu.memory_space<vmem>>, vector<16xf32>,
          %parallel_loop3A_478 = arith.constant 1 : i32
          %parallel_loop3A_479 = arith.index_cast %parallel_loop3A_478 : i32 to index
          %parallel_loop3A_480 = arith.index_cast %parallel_loop3A_394 : i32 to index
          %parallel_loop3A_481 = arith.constant 112 : index
          %parallel_loop3A_482 = tpu.vector_load %arg6[%parallel_loop3A_479, %parallel_loop3A_480, %parallel_loop3A_481] {strides = array<i32>} : memref<2x128x128xf32, #tpu.memory_space<vmem>>, vector<16xf32>,
          %parallel_loop3A_483 = arith.mulf %parallel_loop3A_482, %parallel_loop3A_400 : vector<16xf32>
          %parallel_loop3A_484 = arith.constant 1 : i32
          %parallel_loop3A_485 = arith.index_cast %parallel_loop3A_484 : i32 to index
          %parallel_loop3A_486 = arith.index_cast %parallel_loop3A_394 : i32 to index
          %parallel_loop3A_487 = arith.constant 112 : index
          %parallel_loop3A_488 = tpu.vector_load %arg6[%parallel_loop3A_485, %parallel_loop3A_486, %parallel_loop3A_487] {strides = array<i32>} : memref<2x128x128xf32, #tpu.memory_space<vmem>>, vector<16xf32>,
          tpu.vector_store %arg6[%parallel_loop3A_485, %parallel_loop3A_486, %parallel_loop3A_487], %parallel_loop3A_483 {strides = array<i32>} : memref<2x128x128xf32, #tpu.memory_space<vmem>>, vector<16xf32>,
        } {sc.loop_unroll_factor = 4 : i64, sc.parallel_access}
        %dma_start3A_381 = arith.constant 1 : i32
        %dma_start3A_382 = arith.constant 0 : i32
        %dma_start3A_383 = arith.constant 1 : i32
        %dma_start3A_384 = arith.constant 0 : i32
        %dma_start3A_385 = arith.constant 0 : i32
        %dma_start3A_386 = tpu.memref_slice %arg6[%dma_start3A_381, %dma_start3A_384, %dma_start3A_385] : memref<2x128x128xf32, #tpu.memory_space<vmem>> -> memref<1x128x128xf32, #tpu.memory_space<vmem>>
        %dma_start3A_387 = tpu.memref_squeeze %dma_start3A_386 : memref<1x128x128xf32, #tpu.memory_space<vmem>> -> memref<128x128xf32, #tpu.memory_space<vmem>>
        %dma_start3A_388 = arith.constant 0 : i32
        %dma_start3A_389 = tpu.memref_slice %arg5[%dma_start3A_382, %dma_start3A_383, %dma_start3A_388] : memref<3x3x128xi32, #tpu.memory_space<vmem>> -> memref<1x1x128xi32, #tpu.memory_space<vmem>>
        %dma_start3A_390 = tpu.memref_squeeze %dma_start3A_389 : memref<1x1x128xi32, #tpu.memory_space<vmem>> -> memref<128xi32, #tpu.memory_space<vmem>>
        %dma_start3A_391 = arith.constant 0 : i32
        %dma_start3A_392 = arith.constant 0 : i32
        %dma_start3A_393 = tpu.memref_slice %arg7[%dma_start3A_391, %dma_start3A_392] : memref<10000x128xf32, #tpu.memory_space<vmem_shared>> -> memref<10000x128xf32, #tpu.memory_space<vmem_shared>>
        tpu.enqueue_indirect_dma source(%dma_start3A_387 : memref<128x128xf32, #tpu.memory_space<vmem>>) target(%dma_start3A_393 : memref<10000x128xf32, #tpu.memory_space<vmem_shared>>) offsets(%dma_start3A_390 : memref<128xi32, #tpu.memory_space<vmem>>) semaphore(%arg14 : memref<!tpu.dma_semaphore, #tpu.memory_space<semaphore_mem>>) {add = true}
      } else {
      }
      %mul3A_306 = arith.constant 6 : i32
      %mul3A_307 = arith.muli %scan3A_168, %mul3A_306 : i32
      %add3A_308 = arith.constant 4 : i32
      %add3A_309 = arith.addi %mul3A_307, %add3A_308 : i32
      %lt3A_310 = arith.cmpi slt, %add3A_309, %select_n3A : i32
      %convert_element_type3A_311 = arith.extui %lt3A_310 : i1 to i32
      %cond3A_312 = arith.constant 0 : i32
      %cond3A_313 = arith.cmpi ne, %convert_element_type3A_311, %cond3A_312 : i32
      scf.if %cond3A_313 {
        %dma_wait3A_377 = arith.constant 0 : i32
        %dma_wait3A_378 = arith.constant 0 : i32
        %dma_wait3A_379 = arith.constant 0 : i32
        %dma_wait3A_380 = arith.constant 0 : i32
        %dma_wait3A_381 = arith.constant 0 : i32
        %dma_wait3A_382 = tpu.memref_slice %arg6[%dma_wait3A_379, %dma_wait3A_380, %dma_wait3A_381] : memref<2x128x128xf32, #tpu.memory_space<vmem>> -> memref<1x128x128xf32, #tpu.memory_space<vmem>>
        %dma_wait3A_383 = tpu.memref_squeeze %dma_wait3A_382 : memref<1x128x128xf32, #tpu.memory_space<vmem>> -> memref<128x128xf32, #tpu.memory_space<vmem>>
        %dma_wait3A_384 = arith.constant 0 : i32
        %dma_wait3A_385 = tpu.memref_slice %arg5[%dma_wait3A_377, %dma_wait3A_378, %dma_wait3A_384] : memref<3x3x128xi32, #tpu.memory_space<vmem>> -> memref<1x1x128xi32, #tpu.memory_space<vmem>>
        %dma_wait3A_386 = tpu.memref_squeeze %dma_wait3A_385 : memref<1x1x128xi32, #tpu.memory_space<vmem>> -> memref<128xi32, #tpu.memory_space<vmem>>
        %dma_wait3A_387 = arith.constant 0 : i32
        %dma_wait3A_388 = arith.constant 0 : i32
        %dma_wait3A_389 = tpu.memref_slice %arg2[%dma_wait3A_387, %dma_wait3A_388] : memref<10000x128xf32, #tpu.memory_space<hbm>> -> memref<10000x128xf32, #tpu.memory_space<hbm>>
        tpu.wait_indirect_dma semaphore(%arg11 : memref<!tpu.dma_semaphore, #tpu.memory_space<semaphore_mem>>) src(%dma_wait3A_389 : memref<10000x128xf32, #tpu.memory_space<hbm>>) dst(%dma_wait3A_383 : memref<128x128xf32, #tpu.memory_space<vmem>>)
      } else {
      }
      %sub3A_314 = arith.constant 1 : i32
      %sub3A_315 = arith.subi %add3A_309, %sub3A_314 : i32
      %ge3A_316 = arith.constant 0 : i32
      %ge3A_317 = arith.cmpi sge, %sub3A_315, %ge3A_316 : i32
      %sub3A_318 = arith.constant 1 : i32
      %sub3A_319 = arith.subi %add3A_309, %sub3A_318 : i32
      %lt3A_320 = arith.cmpi slt, %sub3A_319, %select_n3A : i32
      %and3A_321 = arith.andi %ge3A_317, %lt3A_320 : i1
      %convert_element_type3A_322 = arith.extui %and3A_321 : i1 to i32
      %cond3A_323 = arith.constant 0 : i32
      %cond3A_324 = arith.cmpi ne, %convert_element_type3A_322, %cond3A_323 : i32
      scf.if %cond3A_324 {
        %dma_wait3A_377 = arith.constant 1 : i32
        %dma_wait3A_378 = arith.constant 0 : i32
        %dma_wait3A_379 = arith.constant 1 : i32
        %dma_wait3A_380 = arith.constant 0 : i32
        %dma_wait3A_381 = arith.constant 0 : i32
        %dma_wait3A_382 = tpu.memref_slice %arg6[%dma_wait3A_377, %dma_wait3A_380, %dma_wait3A_381] : memref<2x128x128xf32, #tpu.memory_space<vmem>> -> memref<1x128x128xf32, #tpu.memory_space<vmem>>
        %dma_wait3A_383 = tpu.memref_squeeze %dma_wait3A_382 : memref<1x128x128xf32, #tpu.memory_space<vmem>> -> memref<128x128xf32, #tpu.memory_space<vmem>>
        %dma_wait3A_384 = arith.constant 0 : i32
        %dma_wait3A_385 = tpu.memref_slice %arg5[%dma_wait3A_378, %dma_wait3A_379, %dma_wait3A_384] : memref<3x3x128xi32, #tpu.memory_space<vmem>> -> memref<1x1x128xi32, #tpu.memory_space<vmem>>
        %dma_wait3A_386 = tpu.memref_squeeze %dma_wait3A_385 : memref<1x1x128xi32, #tpu.memory_space<vmem>> -> memref<128xi32, #tpu.memory_space<vmem>>
        %dma_wait3A_387 = arith.constant 0 : i32
        %dma_wait3A_388 = arith.constant 0 : i32
        %dma_wait3A_389 = tpu.memref_slice %arg7[%dma_wait3A_387, %dma_wait3A_388] : memref<10000x128xf32, #tpu.memory_space<vmem_shared>> -> memref<10000x128xf32, #tpu.memory_space<vmem_shared>>
        tpu.wait_indirect_dma semaphore(%arg14 : memref<!tpu.dma_semaphore, #tpu.memory_space<semaphore_mem>>) src(%dma_wait3A_383 : memref<128x128xf32, #tpu.memory_space<vmem>>) dst(%dma_wait3A_389 : memref<10000x128xf32, #tpu.memory_space<vmem_shared>>)
      } else {
      }
      %add3A_325 = arith.constant 2 : i32
      %add3A_326 = arith.addi %add3A_309, %add3A_325 : i32
      %lt3A_327 = arith.cmpi slt, %add3A_326, %select_n3A : i32
      %convert_element_type3A_328 = arith.extui %lt3A_327 : i1 to i32
      %cond3A_329 = arith.constant 0 : i32
      %cond3A_330 = arith.cmpi ne, %convert_element_type3A_328, %cond3A_329 : i32
      scf.if %cond3A_330 {
        %add3A_377 = arith.constant 2 : i32
        %add3A_378 = arith.addi %add3A_309, %add3A_377 : i32
        %mul3A_379 = arith.constant 1250 : i32
        %mul3A_380 = arith.muli %arg0, %mul3A_379 : i32
        %add3A_381 = arith.addi %mul3A_380, %arg1 : i32
        %min3A_382 = arith.minsi %add3A_378, %sub3A_22 : i32
        %mul3A_383 = arith.constant 16 : i32
        %mul3A_384 = arith.muli %min3A_382, %mul3A_383 : i32
        %add3A_385 = arith.addi %add3A_381, %mul3A_384 : i32
        %dma_start3A_386 = arith.constant 0 : i32
        %dma_start3A_387 = arith.constant 0 : i32
        %dma_start3A_388 = arith.constant 0 : i32
        %dma_start3A_389 = tpu.memref_slice %arg5[%dma_start3A_386, %dma_start3A_387, %dma_start3A_388] : memref<3x3x128xi32, #tpu.memory_space<vmem>> -> memref<1x3x128xi32, #tpu.memory_space<vmem>>
        %dma_start3A_390 = tpu.memref_squeeze %dma_start3A_389 : memref<1x3x128xi32, #tpu.memory_space<vmem>> -> memref<3x128xi32, #tpu.memory_space<vmem>>
        %dma_start3A_391 = arith.constant 0 : i32
        %dma_start3A_392 = arith.constant 0 : i32
        %dma_start3A_393 = tpu.memref_slice %arg3[%add3A_385, %dma_start3A_391, %dma_start3A_392] : memref<2500x3x128xi32, #tpu.memory_space<hbm>> -> memref<1x3x128xi32, #tpu.memory_space<hbm>>
        %dma_start3A_394 = tpu.memref_squeeze %dma_start3A_393 : memref<1x3x128xi32, #tpu.memory_space<hbm>> -> memref<3x128xi32, #tpu.memory_space<hbm>>
        %dma_start3A_395 = arith.constant 0 : i32
        %dma_start3A_396 = arith.constant 0 : i32
        %dma_start3A_397 = tpu.memref_slice %arg5[%dma_start3A_386, %dma_start3A_395, %dma_start3A_396] : memref<3x3x128xi32, #tpu.memory_space<vmem>> -> memref<1x3x128xi32, #tpu.memory_space<vmem>>
        %dma_start3A_398 = tpu.memref_squeeze %dma_start3A_397 : memref<1x3x128xi32, #tpu.memory_space<vmem>> -> memref<3x128xi32, #tpu.memory_space<vmem>>
        %dma_start3A_399 = arith.constant 0 : i32
        %dma_start3A_400 = arith.constant 0 : i32
        %dma_start3A_401 = tpu.memref_slice %arg3[%add3A_385, %dma_start3A_399, %dma_start3A_400] : memref<2500x3x128xi32, #tpu.memory_space<hbm>> -> memref<1x3x128xi32, #tpu.memory_space<hbm>>
        %dma_start3A_402 = tpu.memref_squeeze %dma_start3A_401 : memref<1x3x128xi32, #tpu.memory_space<hbm>> -> memref<3x128xi32, #tpu.memory_space<hbm>>
        tpu.enqueue_dma source(%dma_start3A_402 : memref<3x128xi32, #tpu.memory_space<hbm>>) target(%dma_start3A_398 : memref<3x128xi32, #tpu.memory_space<vmem>>) target_semaphore(%arg8 : memref<!tpu.dma_semaphore, #tpu.memory_space<semaphore_mem>>)
      } else {
      }
      %add3A_331 = arith.constant 1 : i32
      %add3A_332 = arith.addi %add3A_309, %add3A_331 : i32
      %lt3A_333 = arith.cmpi slt, %add3A_332, %select_n3A : i32
      %convert_element_type3A_334 = arith.extui %lt3A_333 : i1 to i32
      %cond3A_335 = arith.constant 0 : i32
      %cond3A_336 = arith.cmpi ne, %convert_element_type3A_334, %cond3A_335 : i32
      scf.if %cond3A_336 {
        %dma_wait3A_377 = arith.constant 0 : i32
        %dma_wait3A_378 = arith.constant 2 : i32
        %dma_wait3A_379 = arith.constant 0 : i32
        %dma_wait3A_380 = arith.constant 0 : i32
        %dma_wait3A_381 = tpu.memref_slice %arg5[%dma_wait3A_378, %dma_wait3A_379, %dma_wait3A_380] : memref<3x3x128xi32, #tpu.memory_space<vmem>> -> memref<1x3x128xi32, #tpu.memory_space<vmem>>
        %dma_wait3A_382 = tpu.memref_squeeze %dma_wait3A_381 : memref<1x3x128xi32, #tpu.memory_space<vmem>> -> memref<3x128xi32, #tpu.memory_space<vmem>>
        %dma_wait3A_383 = arith.constant 0 : i32
        %dma_wait3A_384 = arith.constant 0 : i32
        %dma_wait3A_385 = tpu.memref_slice %arg3[%dma_wait3A_377, %dma_wait3A_383, %dma_wait3A_384] : memref<2500x3x128xi32, #tpu.memory_space<hbm>> -> memref<1x3x128xi32, #tpu.memory_space<hbm>>
        %dma_wait3A_386 = tpu.memref_squeeze %dma_wait3A_385 : memref<1x3x128xi32, #tpu.memory_space<hbm>> -> memref<3x128xi32, #tpu.memory_space<hbm>>
        %dma_wait3A_387 = arith.constant 0 : i32
        %dma_wait3A_388 = arith.constant 0 : i32
        %dma_wait3A_389 = tpu.memref_slice %arg5[%dma_wait3A_378, %dma_wait3A_387, %dma_wait3A_388] : memref<3x3x128xi32, #tpu.memory_space<vmem>> -> memref<1x3x128xi32, #tpu.memory_space<vmem>>
        %dma_wait3A_390 = tpu.memref_squeeze %dma_wait3A_389 : memref<1x3x128xi32, #tpu.memory_space<vmem>> -> memref<3x128xi32, #tpu.memory_space<vmem>>
        %dma_wait3A_391 = arith.constant 0 : i32
        %dma_wait3A_392 = arith.constant 0 : i32
        %dma_wait3A_393 = tpu.memref_slice %arg3[%dma_wait3A_377, %dma_wait3A_391, %dma_wait3A_392] : memref<2500x3x128xi32, #tpu.memory_space<hbm>> -> memref<1x3x128xi32, #tpu.memory_space<hbm>>
        %dma_wait3A_394 = tpu.memref_squeeze %dma_wait3A_393 : memref<1x3x128xi32, #tpu.memory_space<hbm>> -> memref<3x128xi32, #tpu.memory_space<hbm>>
        tpu.wait_dma2 semaphore(%arg10 : memref<!tpu.dma_semaphore, #tpu.memory_space<semaphore_mem>>) src(%dma_wait3A_394 : memref<3x128xi32, #tpu.memory_space<hbm>>) dst(%dma_wait3A_390 : memref<3x128xi32, #tpu.memory_space<vmem>>)
        %add3A_395 = arith.constant 1 : i32
        %add3A_396 = arith.addi %add3A_309, %add3A_395 : i32
        %jit3A_397 = arith.constant 3 : i32
        %eq3A = arith.constant 0 : i32
        %eq3A_398 = arith.cmpi eq, %jit3A_397, %eq3A : i32
        %jit3A_399 = arith.constant 1 : i32
        %select_n3A_400 = arith.select %eq3A_398, %jit3A_399, %jit3A_397 : i32
        %rem3A_401 = arith.remsi %add3A_396, %select_n3A_400 : i32
        %ne3A_402 = arith.constant 0 : i32
        %ne3A_403 = arith.cmpi ne, %rem3A_401, %ne3A_402 : i32
        %lt3A_404 = arith.constant 0 : i32
        %lt3A_405 = arith.cmpi slt, %rem3A_401, %lt3A_404 : i32
        %lt3A_406 = arith.constant 0 : i32
        %lt3A_407 = arith.cmpi slt, %select_n3A_400, %lt3A_406 : i32
        %ne3A_408 = arith.xori %lt3A_405, %lt3A_407 : i1
        %and3A_409 = arith.andi %ne3A_408, %ne3A_403 : i1
        %add3A_410 = arith.addi %rem3A_401, %select_n3A_400 : i32
        %select_n3A_411 = arith.select %and3A_409, %add3A_410, %rem3A_401 : i32
        %dma_start3A_412 = arith.constant 0 : i32
        %dma_start3A_413 = arith.constant 1 : i32
        %dma_start3A_414 = arith.constant 0 : i32
        %dma_start3A_415 = arith.constant 0 : i32
        %dma_start3A_416 = tpu.memref_slice %arg6[%dma_start3A_413, %dma_start3A_414, %dma_start3A_415] : memref<2x128x128xf32, #tpu.memory_space<vmem>> -> memref<1x128x128xf32, #tpu.memory_space<vmem>>
        %dma_start3A_417 = tpu.memref_squeeze %dma_start3A_416 : memref<1x128x128xf32, #tpu.memory_space<vmem>> -> memref<128x128xf32, #tpu.memory_space<vmem>>
        %dma_start3A_418 = arith.constant 0 : i32
        %dma_start3A_419 = tpu.memref_slice %arg5[%select_n3A_411, %dma_start3A_412, %dma_start3A_418] : memref<3x3x128xi32, #tpu.memory_space<vmem>> -> memref<1x1x128xi32, #tpu.memory_space<vmem>>
        %dma_start3A_420 = tpu.memref_squeeze %dma_start3A_419 : memref<1x1x128xi32, #tpu.memory_space<vmem>> -> memref<128xi32, #tpu.memory_space<vmem>>
        %dma_start3A_421 = arith.constant 0 : i32
        %dma_start3A_422 = arith.constant 0 : i32
        %dma_start3A_423 = tpu.memref_slice %arg2[%dma_start3A_421, %dma_start3A_422] : memref<10000x128xf32, #tpu.memory_space<hbm>> -> memref<10000x128xf32, #tpu.memory_space<hbm>>
        tpu.enqueue_indirect_dma source(%dma_start3A_423 : memref<10000x128xf32, #tpu.memory_space<hbm>>) target(%dma_start3A_417 : memref<128x128xf32, #tpu.memory_space<vmem>>) offsets(%dma_start3A_420 : memref<128xi32, #tpu.memory_space<vmem>>) semaphore(%arg12 : memref<!tpu.dma_semaphore, #tpu.memory_space<semaphore_mem>>)
      } else {
      }
      %lt3A_337 = arith.cmpi slt, %add3A_309, %select_n3A : i32
      %convert_element_type3A_338 = arith.extui %lt3A_337 : i1 to i32
      %cond3A_339 = arith.constant 0 : i32
      %cond3A_340 = arith.cmpi ne, %convert_element_type3A_338, %cond3A_339 : i32
      scf.if %cond3A_340 {
        %parallel_loop3A = arith.constant 0 : i32
        %parallel_loop3A_377 = arith.constant 128 : i32
        %parallel_loop3A_378 = arith.constant 1 : i32
        %parallel_loop3A_379 = arith.constant 1 : i32
        %parallel_loop3A_380 = arith.constant 2 : i32
        scf.for %parallel_loop3A_394 = %parallel_loop3A to %parallel_loop3A_377 step %parallel_loop3A_378  : i32 {
          %parallel_loop3A_395 = vector.broadcast %parallel_loop3A_394 : i32 to vector<16xi32>
          %parallel_loop3A_396 = arith.constant 0 : i32
          %parallel_loop3A_397 = tpu.memref_slice %arg5[%parallel_loop3A_379, %parallel_loop3A_380, %parallel_loop3A_396] : memref<3x3x128xi32, #tpu.memory_space<vmem>> -> memref<1x1x128xi32, #tpu.memory_space<vmem>>
          %parallel_loop3A_398 = tpu.memref_squeeze %parallel_loop3A_397 : memref<1x1x128xi32, #tpu.memory_space<vmem>> -> memref<128xi32, #tpu.memory_space<vmem>>
          %parallel_loop3A_399 = tpu.vector_load_idx %parallel_loop3A_398[%parallel_loop3A_395] : memref<128xi32, #tpu.memory_space<vmem>>[vector<16xi32>], vector<16xi32>,
          %parallel_loop3A_400 = vector.bitcast %parallel_loop3A_399 : vector<16xi32> to vector<16xf32>
          %parallel_loop3A_401 = arith.constant 0 : i32
          %parallel_loop3A_402 = arith.index_cast %parallel_loop3A_401 : i32 to index
          %parallel_loop3A_403 = arith.index_cast %parallel_loop3A_394 : i32 to index
          %parallel_loop3A_404 = arith.constant 0 : index
          %parallel_loop3A_405 = tpu.vector_load %arg6[%parallel_loop3A_402, %parallel_loop3A_403, %parallel_loop3A_404] {strides = array<i32>} : memref<2x128x128xf32, #tpu.memory_space<vmem>>, vector<16xf32>,
          %parallel_loop3A_406 = arith.mulf %parallel_loop3A_405, %parallel_loop3A_400 : vector<16xf32>
          %parallel_loop3A_407 = arith.constant 0 : i32
          %parallel_loop3A_408 = arith.index_cast %parallel_loop3A_407 : i32 to index
          %parallel_loop3A_409 = arith.index_cast %parallel_loop3A_394 : i32 to index
          %parallel_loop3A_410 = arith.constant 0 : index
          %parallel_loop3A_411 = tpu.vector_load %arg6[%parallel_loop3A_408, %parallel_loop3A_409, %parallel_loop3A_410] {strides = array<i32>} : memref<2x128x128xf32, #tpu.memory_space<vmem>>, vector<16xf32>,
          tpu.vector_store %arg6[%parallel_loop3A_408, %parallel_loop3A_409, %parallel_loop3A_410], %parallel_loop3A_406 {strides = array<i32>} : memref<2x128x128xf32, #tpu.memory_space<vmem>>, vector<16xf32>,
          %parallel_loop3A_412 = arith.constant 0 : i32
          %parallel_loop3A_413 = arith.index_cast %parallel_loop3A_412 : i32 to index
          %parallel_loop3A_414 = arith.index_cast %parallel_loop3A_394 : i32 to index
          %parallel_loop3A_415 = arith.constant 16 : index
          %parallel_loop3A_416 = tpu.vector_load %arg6[%parallel_loop3A_413, %parallel_loop3A_414, %parallel_loop3A_415] {strides = array<i32>} : memref<2x128x128xf32, #tpu.memory_space<vmem>>, vector<16xf32>,
          %parallel_loop3A_417 = arith.mulf %parallel_loop3A_416, %parallel_loop3A_400 : vector<16xf32>
          %parallel_loop3A_418 = arith.constant 0 : i32
          %parallel_loop3A_419 = arith.index_cast %parallel_loop3A_418 : i32 to index
          %parallel_loop3A_420 = arith.index_cast %parallel_loop3A_394 : i32 to index
          %parallel_loop3A_421 = arith.constant 16 : index
          %parallel_loop3A_422 = tpu.vector_load %arg6[%parallel_loop3A_419, %parallel_loop3A_420, %parallel_loop3A_421] {strides = array<i32>} : memref<2x128x128xf32, #tpu.memory_space<vmem>>, vector<16xf32>,
          tpu.vector_store %arg6[%parallel_loop3A_419, %parallel_loop3A_420, %parallel_loop3A_421], %parallel_loop3A_417 {strides = array<i32>} : memref<2x128x128xf32, #tpu.memory_space<vmem>>, vector<16xf32>,
          %parallel_loop3A_423 = arith.constant 0 : i32
          %parallel_loop3A_424 = arith.index_cast %parallel_loop3A_423 : i32 to index
          %parallel_loop3A_425 = arith.index_cast %parallel_loop3A_394 : i32 to index
          %parallel_loop3A_426 = arith.constant 32 : index
          %parallel_loop3A_427 = tpu.vector_load %arg6[%parallel_loop3A_424, %parallel_loop3A_425, %parallel_loop3A_426] {strides = array<i32>} : memref<2x128x128xf32, #tpu.memory_space<vmem>>, vector<16xf32>,
          %parallel_loop3A_428 = arith.mulf %parallel_loop3A_427, %parallel_loop3A_400 : vector<16xf32>
          %parallel_loop3A_429 = arith.constant 0 : i32
          %parallel_loop3A_430 = arith.index_cast %parallel_loop3A_429 : i32 to index
          %parallel_loop3A_431 = arith.index_cast %parallel_loop3A_394 : i32 to index
          %parallel_loop3A_432 = arith.constant 32 : index
          %parallel_loop3A_433 = tpu.vector_load %arg6[%parallel_loop3A_430, %parallel_loop3A_431, %parallel_loop3A_432] {strides = array<i32>} : memref<2x128x128xf32, #tpu.memory_space<vmem>>, vector<16xf32>,
          tpu.vector_store %arg6[%parallel_loop3A_430, %parallel_loop3A_431, %parallel_loop3A_432], %parallel_loop3A_428 {strides = array<i32>} : memref<2x128x128xf32, #tpu.memory_space<vmem>>, vector<16xf32>,
          %parallel_loop3A_434 = arith.constant 0 : i32
          %parallel_loop3A_435 = arith.index_cast %parallel_loop3A_434 : i32 to index
          %parallel_loop3A_436 = arith.index_cast %parallel_loop3A_394 : i32 to index
          %parallel_loop3A_437 = arith.constant 48 : index
          %parallel_loop3A_438 = tpu.vector_load %arg6[%parallel_loop3A_435, %parallel_loop3A_436, %parallel_loop3A_437] {strides = array<i32>} : memref<2x128x128xf32, #tpu.memory_space<vmem>>, vector<16xf32>,
          %parallel_loop3A_439 = arith.mulf %parallel_loop3A_438, %parallel_loop3A_400 : vector<16xf32>
          %parallel_loop3A_440 = arith.constant 0 : i32
          %parallel_loop3A_441 = arith.index_cast %parallel_loop3A_440 : i32 to index
          %parallel_loop3A_442 = arith.index_cast %parallel_loop3A_394 : i32 to index
          %parallel_loop3A_443 = arith.constant 48 : index
          %parallel_loop3A_444 = tpu.vector_load %arg6[%parallel_loop3A_441, %parallel_loop3A_442, %parallel_loop3A_443] {strides = array<i32>} : memref<2x128x128xf32, #tpu.memory_space<vmem>>, vector<16xf32>,
          tpu.vector_store %arg6[%parallel_loop3A_441, %parallel_loop3A_442, %parallel_loop3A_443], %parallel_loop3A_439 {strides = array<i32>} : memref<2x128x128xf32, #tpu.memory_space<vmem>>, vector<16xf32>,
          %parallel_loop3A_445 = arith.constant 0 : i32
          %parallel_loop3A_446 = arith.index_cast %parallel_loop3A_445 : i32 to index
          %parallel_loop3A_447 = arith.index_cast %parallel_loop3A_394 : i32 to index
          %parallel_loop3A_448 = arith.constant 64 : index
          %parallel_loop3A_449 = tpu.vector_load %arg6[%parallel_loop3A_446, %parallel_loop3A_447, %parallel_loop3A_448] {strides = array<i32>} : memref<2x128x128xf32, #tpu.memory_space<vmem>>, vector<16xf32>,
          %parallel_loop3A_450 = arith.mulf %parallel_loop3A_449, %parallel_loop3A_400 : vector<16xf32>
          %parallel_loop3A_451 = arith.constant 0 : i32
          %parallel_loop3A_452 = arith.index_cast %parallel_loop3A_451 : i32 to index
          %parallel_loop3A_453 = arith.index_cast %parallel_loop3A_394 : i32 to index
          %parallel_loop3A_454 = arith.constant 64 : index
          %parallel_loop3A_455 = tpu.vector_load %arg6[%parallel_loop3A_452, %parallel_loop3A_453, %parallel_loop3A_454] {strides = array<i32>} : memref<2x128x128xf32, #tpu.memory_space<vmem>>, vector<16xf32>,
          tpu.vector_store %arg6[%parallel_loop3A_452, %parallel_loop3A_453, %parallel_loop3A_454], %parallel_loop3A_450 {strides = array<i32>} : memref<2x128x128xf32, #tpu.memory_space<vmem>>, vector<16xf32>,
          %parallel_loop3A_456 = arith.constant 0 : i32
          %parallel_loop3A_457 = arith.index_cast %parallel_loop3A_456 : i32 to index
          %parallel_loop3A_458 = arith.index_cast %parallel_loop3A_394 : i32 to index
          %parallel_loop3A_459 = arith.constant 80 : index
          %parallel_loop3A_460 = tpu.vector_load %arg6[%parallel_loop3A_457, %parallel_loop3A_458, %parallel_loop3A_459] {strides = array<i32>} : memref<2x128x128xf32, #tpu.memory_space<vmem>>, vector<16xf32>,
          %parallel_loop3A_461 = arith.mulf %parallel_loop3A_460, %parallel_loop3A_400 : vector<16xf32>
          %parallel_loop3A_462 = arith.constant 0 : i32
          %parallel_loop3A_463 = arith.index_cast %parallel_loop3A_462 : i32 to index
          %parallel_loop3A_464 = arith.index_cast %parallel_loop3A_394 : i32 to index
          %parallel_loop3A_465 = arith.constant 80 : index
          %parallel_loop3A_466 = tpu.vector_load %arg6[%parallel_loop3A_463, %parallel_loop3A_464, %parallel_loop3A_465] {strides = array<i32>} : memref<2x128x128xf32, #tpu.memory_space<vmem>>, vector<16xf32>,
          tpu.vector_store %arg6[%parallel_loop3A_463, %parallel_loop3A_464, %parallel_loop3A_465], %parallel_loop3A_461 {strides = array<i32>} : memref<2x128x128xf32, #tpu.memory_space<vmem>>, vector<16xf32>,
          %parallel_loop3A_467 = arith.constant 0 : i32
          %parallel_loop3A_468 = arith.index_cast %parallel_loop3A_467 : i32 to index
          %parallel_loop3A_469 = arith.index_cast %parallel_loop3A_394 : i32 to index
          %parallel_loop3A_470 = arith.constant 96 : index
          %parallel_loop3A_471 = tpu.vector_load %arg6[%parallel_loop3A_468, %parallel_loop3A_469, %parallel_loop3A_470] {strides = array<i32>} : memref<2x128x128xf32, #tpu.memory_space<vmem>>, vector<16xf32>,
          %parallel_loop3A_472 = arith.mulf %parallel_loop3A_471, %parallel_loop3A_400 : vector<16xf32>
          %parallel_loop3A_473 = arith.constant 0 : i32
          %parallel_loop3A_474 = arith.index_cast %parallel_loop3A_473 : i32 to index
          %parallel_loop3A_475 = arith.index_cast %parallel_loop3A_394 : i32 to index
          %parallel_loop3A_476 = arith.constant 96 : index
          %parallel_loop3A_477 = tpu.vector_load %arg6[%parallel_loop3A_474, %parallel_loop3A_475, %parallel_loop3A_476] {strides = array<i32>} : memref<2x128x128xf32, #tpu.memory_space<vmem>>, vector<16xf32>,
          tpu.vector_store %arg6[%parallel_loop3A_474, %parallel_loop3A_475, %parallel_loop3A_476], %parallel_loop3A_472 {strides = array<i32>} : memref<2x128x128xf32, #tpu.memory_space<vmem>>, vector<16xf32>,
          %parallel_loop3A_478 = arith.constant 0 : i32
          %parallel_loop3A_479 = arith.index_cast %parallel_loop3A_478 : i32 to index
          %parallel_loop3A_480 = arith.index_cast %parallel_loop3A_394 : i32 to index
          %parallel_loop3A_481 = arith.constant 112 : index
          %parallel_loop3A_482 = tpu.vector_load %arg6[%parallel_loop3A_479, %parallel_loop3A_480, %parallel_loop3A_481] {strides = array<i32>} : memref<2x128x128xf32, #tpu.memory_space<vmem>>, vector<16xf32>,
          %parallel_loop3A_483 = arith.mulf %parallel_loop3A_482, %parallel_loop3A_400 : vector<16xf32>
          %parallel_loop3A_484 = arith.constant 0 : i32
          %parallel_loop3A_485 = arith.index_cast %parallel_loop3A_484 : i32 to index
          %parallel_loop3A_486 = arith.index_cast %parallel_loop3A_394 : i32 to index
          %parallel_loop3A_487 = arith.constant 112 : index
          %parallel_loop3A_488 = tpu.vector_load %arg6[%parallel_loop3A_485, %parallel_loop3A_486, %parallel_loop3A_487] {strides = array<i32>} : memref<2x128x128xf32, #tpu.memory_space<vmem>>, vector<16xf32>,
          tpu.vector_store %arg6[%parallel_loop3A_485, %parallel_loop3A_486, %parallel_loop3A_487], %parallel_loop3A_483 {strides = array<i32>} : memref<2x128x128xf32, #tpu.memory_space<vmem>>, vector<16xf32>,
        } {sc.loop_unroll_factor = 4 : i64, sc.parallel_access}
        %dma_start3A_381 = arith.constant 0 : i32
        %dma_start3A_382 = arith.constant 1 : i32
        %dma_start3A_383 = arith.constant 1 : i32
        %dma_start3A_384 = arith.constant 0 : i32
        %dma_start3A_385 = arith.constant 0 : i32
        %dma_start3A_386 = tpu.memref_slice %arg6[%dma_start3A_381, %dma_start3A_384, %dma_start3A_385] : memref<2x128x128xf32, #tpu.memory_space<vmem>> -> memref<1x128x128xf32, #tpu.memory_space<vmem>>
        %dma_start3A_387 = tpu.memref_squeeze %dma_start3A_386 : memref<1x128x128xf32, #tpu.memory_space<vmem>> -> memref<128x128xf32, #tpu.memory_space<vmem>>
        %dma_start3A_388 = arith.constant 0 : i32
        %dma_start3A_389 = tpu.memref_slice %arg5[%dma_start3A_382, %dma_start3A_383, %dma_start3A_388] : memref<3x3x128xi32, #tpu.memory_space<vmem>> -> memref<1x1x128xi32, #tpu.memory_space<vmem>>
        %dma_start3A_390 = tpu.memref_squeeze %dma_start3A_389 : memref<1x1x128xi32, #tpu.memory_space<vmem>> -> memref<128xi32, #tpu.memory_space<vmem>>
        %dma_start3A_391 = arith.constant 0 : i32
        %dma_start3A_392 = arith.constant 0 : i32
        %dma_start3A_393 = tpu.memref_slice %arg7[%dma_start3A_391, %dma_start3A_392] : memref<10000x128xf32, #tpu.memory_space<vmem_shared>> -> memref<10000x128xf32, #tpu.memory_space<vmem_shared>>
        tpu.enqueue_indirect_dma source(%dma_start3A_387 : memref<128x128xf32, #tpu.memory_space<vmem>>) target(%dma_start3A_393 : memref<10000x128xf32, #tpu.memory_space<vmem_shared>>) offsets(%dma_start3A_390 : memref<128xi32, #tpu.memory_space<vmem>>) semaphore(%arg13 : memref<!tpu.dma_semaphore, #tpu.memory_space<semaphore_mem>>) {add = true}
      } else {
      }
      %mul3A_341 = arith.constant 6 : i32
      %mul3A_342 = arith.muli %scan3A_168, %mul3A_341 : i32
      %add3A_343 = arith.constant 5 : i32
      %add3A_344 = arith.addi %mul3A_342, %add3A_343 : i32
      %lt3A_345 = arith.cmpi slt, %add3A_344, %select_n3A : i32
      %convert_element_type3A_346 = arith.extui %lt3A_345 : i1 to i32
      %cond3A_347 = arith.constant 0 : i32
      %cond3A_348 = arith.cmpi ne, %convert_element_type3A_346, %cond3A_347 : i32
      scf.if %cond3A_348 {
        %dma_wait3A_377 = arith.constant 0 : i32
        %dma_wait3A_378 = arith.constant 0 : i32
        %dma_wait3A_379 = arith.constant 1 : i32
        %dma_wait3A_380 = arith.constant 0 : i32
        %dma_wait3A_381 = arith.constant 0 : i32
        %dma_wait3A_382 = tpu.memref_slice %arg6[%dma_wait3A_379, %dma_wait3A_380, %dma_wait3A_381] : memref<2x128x128xf32, #tpu.memory_space<vmem>> -> memref<1x128x128xf32, #tpu.memory_space<vmem>>
        %dma_wait3A_383 = tpu.memref_squeeze %dma_wait3A_382 : memref<1x128x128xf32, #tpu.memory_space<vmem>> -> memref<128x128xf32, #tpu.memory_space<vmem>>
        %dma_wait3A_384 = arith.constant 0 : i32
        %dma_wait3A_385 = tpu.memref_slice %arg5[%dma_wait3A_377, %dma_wait3A_378, %dma_wait3A_384] : memref<3x3x128xi32, #tpu.memory_space<vmem>> -> memref<1x1x128xi32, #tpu.memory_space<vmem>>
        %dma_wait3A_386 = tpu.memref_squeeze %dma_wait3A_385 : memref<1x1x128xi32, #tpu.memory_space<vmem>> -> memref<128xi32, #tpu.memory_space<vmem>>
        %dma_wait3A_387 = arith.constant 0 : i32
        %dma_wait3A_388 = arith.constant 0 : i32
        %dma_wait3A_389 = tpu.memref_slice %arg2[%dma_wait3A_387, %dma_wait3A_388] : memref<10000x128xf32, #tpu.memory_space<hbm>> -> memref<10000x128xf32, #tpu.memory_space<hbm>>
        tpu.wait_indirect_dma semaphore(%arg12 : memref<!tpu.dma_semaphore, #tpu.memory_space<semaphore_mem>>) src(%dma_wait3A_389 : memref<10000x128xf32, #tpu.memory_space<hbm>>) dst(%dma_wait3A_383 : memref<128x128xf32, #tpu.memory_space<vmem>>)
      } else {
      }
      %sub3A_349 = arith.constant 1 : i32
      %sub3A_350 = arith.subi %add3A_344, %sub3A_349 : i32
      %ge3A_351 = arith.constant 0 : i32
      %ge3A_352 = arith.cmpi sge, %sub3A_350, %ge3A_351 : i32
      %sub3A_353 = arith.constant 1 : i32
      %sub3A_354 = arith.subi %add3A_344, %sub3A_353 : i32
      %lt3A_355 = arith.cmpi slt, %sub3A_354, %select_n3A : i32
      %and3A_356 = arith.andi %ge3A_352, %lt3A_355 : i1
      %convert_element_type3A_357 = arith.extui %and3A_356 : i1 to i32
      %cond3A_358 = arith.constant 0 : i32
      %cond3A_359 = arith.cmpi ne, %convert_element_type3A_357, %cond3A_358 : i32
      scf.if %cond3A_359 {
        %dma_wait3A_377 = arith.constant 0 : i32
        %dma_wait3A_378 = arith.constant 0 : i32
        %dma_wait3A_379 = arith.constant 1 : i32
        %dma_wait3A_380 = arith.constant 0 : i32
        %dma_wait3A_381 = arith.constant 0 : i32
        %dma_wait3A_382 = tpu.memref_slice %arg6[%dma_wait3A_377, %dma_wait3A_380, %dma_wait3A_381] : memref<2x128x128xf32, #tpu.memory_space<vmem>> -> memref<1x128x128xf32, #tpu.memory_space<vmem>>
        %dma_wait3A_383 = tpu.memref_squeeze %dma_wait3A_382 : memref<1x128x128xf32, #tpu.memory_space<vmem>> -> memref<128x128xf32, #tpu.memory_space<vmem>>
        %dma_wait3A_384 = arith.constant 0 : i32
        %dma_wait3A_385 = tpu.memref_slice %arg5[%dma_wait3A_378, %dma_wait3A_379, %dma_wait3A_384] : memref<3x3x128xi32, #tpu.memory_space<vmem>> -> memref<1x1x128xi32, #tpu.memory_space<vmem>>
        %dma_wait3A_386 = tpu.memref_squeeze %dma_wait3A_385 : memref<1x1x128xi32, #tpu.memory_space<vmem>> -> memref<128xi32, #tpu.memory_space<vmem>>
        %dma_wait3A_387 = arith.constant 0 : i32
        %dma_wait3A_388 = arith.constant 0 : i32
        %dma_wait3A_389 = tpu.memref_slice %arg7[%dma_wait3A_387, %dma_wait3A_388] : memref<10000x128xf32, #tpu.memory_space<vmem_shared>> -> memref<10000x128xf32, #tpu.memory_space<vmem_shared>>
        tpu.wait_indirect_dma semaphore(%arg13 : memref<!tpu.dma_semaphore, #tpu.memory_space<semaphore_mem>>) src(%dma_wait3A_383 : memref<128x128xf32, #tpu.memory_space<vmem>>) dst(%dma_wait3A_389 : memref<10000x128xf32, #tpu.memory_space<vmem_shared>>)
      } else {
      }
      %add3A_360 = arith.constant 2 : i32
      %add3A_361 = arith.addi %add3A_344, %add3A_360 : i32
      %lt3A_362 = arith.cmpi slt, %add3A_361, %select_n3A : i32
      %convert_element_type3A_363 = arith.extui %lt3A_362 : i1 to i32
      %cond3A_364 = arith.constant 0 : i32
      %cond3A_365 = arith.cmpi ne, %convert_element_type3A_363, %cond3A_364 : i32
      scf.if %cond3A_365 {
        %add3A_377 = arith.constant 2 : i32
        %add3A_378 = arith.addi %add3A_344, %add3A_377 : i32
        %mul3A_379 = arith.constant 1250 : i32
        %mul3A_380 = arith.muli %arg0, %mul3A_379 : i32
        %add3A_381 = arith.addi %mul3A_380, %arg1 : i32
        %min3A_382 = arith.minsi %add3A_378, %sub3A_22 : i32
        %mul3A_383 = arith.constant 16 : i32
        %mul3A_384 = arith.muli %min3A_382, %mul3A_383 : i32
        %add3A_385 = arith.addi %add3A_381, %mul3A_384 : i32
        %dma_start3A_386 = arith.constant 1 : i32
        %dma_start3A_387 = arith.constant 0 : i32
        %dma_start3A_388 = arith.constant 0 : i32
        %dma_start3A_389 = tpu.memref_slice %arg5[%dma_start3A_386, %dma_start3A_387, %dma_start3A_388] : memref<3x3x128xi32, #tpu.memory_space<vmem>> -> memref<1x3x128xi32, #tpu.memory_space<vmem>>
        %dma_start3A_390 = tpu.memref_squeeze %dma_start3A_389 : memref<1x3x128xi32, #tpu.memory_space<vmem>> -> memref<3x128xi32, #tpu.memory_space<vmem>>
        %dma_start3A_391 = arith.constant 0 : i32
        %dma_start3A_392 = arith.constant 0 : i32
        %dma_start3A_393 = tpu.memref_slice %arg3[%add3A_385, %dma_start3A_391, %dma_start3A_392] : memref<2500x3x128xi32, #tpu.memory_space<hbm>> -> memref<1x3x128xi32, #tpu.memory_space<hbm>>
        %dma_start3A_394 = tpu.memref_squeeze %dma_start3A_393 : memref<1x3x128xi32, #tpu.memory_space<hbm>> -> memref<3x128xi32, #tpu.memory_space<hbm>>
        %dma_start3A_395 = arith.constant 0 : i32
        %dma_start3A_396 = arith.constant 0 : i32
        %dma_start3A_397 = tpu.memref_slice %arg5[%dma_start3A_386, %dma_start3A_395, %dma_start3A_396] : memref<3x3x128xi32, #tpu.memory_space<vmem>> -> memref<1x3x128xi32, #tpu.memory_space<vmem>>
        %dma_start3A_398 = tpu.memref_squeeze %dma_start3A_397 : memref<1x3x128xi32, #tpu.memory_space<vmem>> -> memref<3x128xi32, #tpu.memory_space<vmem>>
        %dma_start3A_399 = arith.constant 0 : i32
        %dma_start3A_400 = arith.constant 0 : i32
        %dma_start3A_401 = tpu.memref_slice %arg3[%add3A_385, %dma_start3A_399, %dma_start3A_400] : memref<2500x3x128xi32, #tpu.memory_space<hbm>> -> memref<1x3x128xi32, #tpu.memory_space<hbm>>
        %dma_start3A_402 = tpu.memref_squeeze %dma_start3A_401 : memref<1x3x128xi32, #tpu.memory_space<hbm>> -> memref<3x128xi32, #tpu.memory_space<hbm>>
        tpu.enqueue_dma source(%dma_start3A_402 : memref<3x128xi32, #tpu.memory_space<hbm>>) target(%dma_start3A_398 : memref<3x128xi32, #tpu.memory_space<vmem>>) target_semaphore(%arg9 : memref<!tpu.dma_semaphore, #tpu.memory_space<semaphore_mem>>)
      } else {
      }
      %add3A_366 = arith.constant 1 : i32
      %add3A_367 = arith.addi %add3A_344, %add3A_366 : i32
      %lt3A_368 = arith.cmpi slt, %add3A_367, %select_n3A : i32
      %convert_element_type3A_369 = arith.extui %lt3A_368 : i1 to i32
      %cond3A_370 = arith.constant 0 : i32
      %cond3A_371 = arith.cmpi ne, %convert_element_type3A_369, %cond3A_370 : i32
      scf.if %cond3A_371 {
        %dma_wait3A_377 = arith.constant 0 : i32
        %dma_wait3A_378 = arith.constant 0 : i32
        %dma_wait3A_379 = arith.constant 0 : i32
        %dma_wait3A_380 = arith.constant 0 : i32
        %dma_wait3A_381 = tpu.memref_slice %arg5[%dma_wait3A_378, %dma_wait3A_379, %dma_wait3A_380] : memref<3x3x128xi32, #tpu.memory_space<vmem>> -> memref<1x3x128xi32, #tpu.memory_space<vmem>>
        %dma_wait3A_382 = tpu.memref_squeeze %dma_wait3A_381 : memref<1x3x128xi32, #tpu.memory_space<vmem>> -> memref<3x128xi32, #tpu.memory_space<vmem>>
        %dma_wait3A_383 = arith.constant 0 : i32
        %dma_wait3A_384 = arith.constant 0 : i32
        %dma_wait3A_385 = tpu.memref_slice %arg3[%dma_wait3A_377, %dma_wait3A_383, %dma_wait3A_384] : memref<2500x3x128xi32, #tpu.memory_space<hbm>> -> memref<1x3x128xi32, #tpu.memory_space<hbm>>
        %dma_wait3A_386 = tpu.memref_squeeze %dma_wait3A_385 : memref<1x3x128xi32, #tpu.memory_space<hbm>> -> memref<3x128xi32, #tpu.memory_space<hbm>>
        %dma_wait3A_387 = arith.constant 0 : i32
        %dma_wait3A_388 = arith.constant 0 : i32
        %dma_wait3A_389 = tpu.memref_slice %arg5[%dma_wait3A_378, %dma_wait3A_387, %dma_wait3A_388] : memref<3x3x128xi32, #tpu.memory_space<vmem>> -> memref<1x3x128xi32, #tpu.memory_space<vmem>>
        %dma_wait3A_390 = tpu.memref_squeeze %dma_wait3A_389 : memref<1x3x128xi32, #tpu.memory_space<vmem>> -> memref<3x128xi32, #tpu.memory_space<vmem>>
        %dma_wait3A_391 = arith.constant 0 : i32
        %dma_wait3A_392 = arith.constant 0 : i32
        %dma_wait3A_393 = tpu.memref_slice %arg3[%dma_wait3A_377, %dma_wait3A_391, %dma_wait3A_392] : memref<2500x3x128xi32, #tpu.memory_space<hbm>> -> memref<1x3x128xi32, #tpu.memory_space<hbm>>
        %dma_wait3A_394 = tpu.memref_squeeze %dma_wait3A_393 : memref<1x3x128xi32, #tpu.memory_space<hbm>> -> memref<3x128xi32, #tpu.memory_space<hbm>>
        tpu.wait_dma2 semaphore(%arg8 : memref<!tpu.dma_semaphore, #tpu.memory_space<semaphore_mem>>) src(%dma_wait3A_394 : memref<3x128xi32, #tpu.memory_space<hbm>>) dst(%dma_wait3A_390 : memref<3x128xi32, #tpu.memory_space<vmem>>)
        %add3A_395 = arith.constant 1 : i32
        %add3A_396 = arith.addi %add3A_344, %add3A_395 : i32
        %jit3A_397 = arith.constant 3 : i32
        %eq3A = arith.constant 0 : i32
        %eq3A_398 = arith.cmpi eq, %jit3A_397, %eq3A : i32
        %jit3A_399 = arith.constant 1 : i32
        %select_n3A_400 = arith.select %eq3A_398, %jit3A_399, %jit3A_397 : i32
        %rem3A_401 = arith.remsi %add3A_396, %select_n3A_400 : i32
        %ne3A_402 = arith.constant 0 : i32
        %ne3A_403 = arith.cmpi ne, %rem3A_401, %ne3A_402 : i32
        %lt3A_404 = arith.constant 0 : i32
        %lt3A_405 = arith.cmpi slt, %rem3A_401, %lt3A_404 : i32
        %lt3A_406 = arith.constant 0 : i32
        %lt3A_407 = arith.cmpi slt, %select_n3A_400, %lt3A_406 : i32
        %ne3A_408 = arith.xori %lt3A_405, %lt3A_407 : i1
        %and3A_409 = arith.andi %ne3A_408, %ne3A_403 : i1
        %add3A_410 = arith.addi %rem3A_401, %select_n3A_400 : i32
        %select_n3A_411 = arith.select %and3A_409, %add3A_410, %rem3A_401 : i32
        %dma_start3A_412 = arith.constant 0 : i32
        %dma_start3A_413 = arith.constant 0 : i32
        %dma_start3A_414 = arith.constant 0 : i32
        %dma_start3A_415 = arith.constant 0 : i32
        %dma_start3A_416 = tpu.memref_slice %arg6[%dma_start3A_413, %dma_start3A_414, %dma_start3A_415] : memref<2x128x128xf32, #tpu.memory_space<vmem>> -> memref<1x128x128xf32, #tpu.memory_space<vmem>>
        %dma_start3A_417 = tpu.memref_squeeze %dma_start3A_416 : memref<1x128x128xf32, #tpu.memory_space<vmem>> -> memref<128x128xf32, #tpu.memory_space<vmem>>
        %dma_start3A_418 = arith.constant 0 : i32
        %dma_start3A_419 = tpu.memref_slice %arg5[%select_n3A_411, %dma_start3A_412, %dma_start3A_418] : memref<3x3x128xi32, #tpu.memory_space<vmem>> -> memref<1x1x128xi32, #tpu.memory_space<vmem>>
        %dma_start3A_420 = tpu.memref_squeeze %dma_start3A_419 : memref<1x1x128xi32, #tpu.memory_space<vmem>> -> memref<128xi32, #tpu.memory_space<vmem>>
        %dma_start3A_421 = arith.constant 0 : i32
        %dma_start3A_422 = arith.constant 0 : i32
        %dma_start3A_423 = tpu.memref_slice %arg2[%dma_start3A_421, %dma_start3A_422] : memref<10000x128xf32, #tpu.memory_space<hbm>> -> memref<10000x128xf32, #tpu.memory_space<hbm>>
        tpu.enqueue_indirect_dma source(%dma_start3A_423 : memref<10000x128xf32, #tpu.memory_space<hbm>>) target(%dma_start3A_417 : memref<128x128xf32, #tpu.memory_space<vmem>>) offsets(%dma_start3A_420 : memref<128xi32, #tpu.memory_space<vmem>>) semaphore(%arg11 : memref<!tpu.dma_semaphore, #tpu.memory_space<semaphore_mem>>)
      } else {
      }
      %lt3A_372 = arith.cmpi slt, %add3A_344, %select_n3A : i32
      %convert_element_type3A_373 = arith.extui %lt3A_372 : i1 to i32
      %cond3A_374 = arith.constant 0 : i32
      %cond3A_375 = arith.cmpi ne, %convert_element_type3A_373, %cond3A_374 : i32
      scf.if %cond3A_375 {
        %parallel_loop3A = arith.constant 0 : i32
        %parallel_loop3A_377 = arith.constant 128 : i32
        %parallel_loop3A_378 = arith.constant 1 : i32
        %parallel_loop3A_379 = arith.constant 2 : i32
        %parallel_loop3A_380 = arith.constant 2 : i32
        scf.for %parallel_loop3A_394 = %parallel_loop3A to %parallel_loop3A_377 step %parallel_loop3A_378  : i32 {
          %parallel_loop3A_395 = vector.broadcast %parallel_loop3A_394 : i32 to vector<16xi32>
          %parallel_loop3A_396 = arith.constant 0 : i32
          %parallel_loop3A_397 = tpu.memref_slice %arg5[%parallel_loop3A_379, %parallel_loop3A_380, %parallel_loop3A_396] : memref<3x3x128xi32, #tpu.memory_space<vmem>> -> memref<1x1x128xi32, #tpu.memory_space<vmem>>
          %parallel_loop3A_398 = tpu.memref_squeeze %parallel_loop3A_397 : memref<1x1x128xi32, #tpu.memory_space<vmem>> -> memref<128xi32, #tpu.memory_space<vmem>>
          %parallel_loop3A_399 = tpu.vector_load_idx %parallel_loop3A_398[%parallel_loop3A_395] : memref<128xi32, #tpu.memory_space<vmem>>[vector<16xi32>], vector<16xi32>,
          %parallel_loop3A_400 = vector.bitcast %parallel_loop3A_399 : vector<16xi32> to vector<16xf32>
          %parallel_loop3A_401 = arith.constant 1 : i32
          %parallel_loop3A_402 = arith.index_cast %parallel_loop3A_401 : i32 to index
          %parallel_loop3A_403 = arith.index_cast %parallel_loop3A_394 : i32 to index
          %parallel_loop3A_404 = arith.constant 0 : index
          %parallel_loop3A_405 = tpu.vector_load %arg6[%parallel_loop3A_402, %parallel_loop3A_403, %parallel_loop3A_404] {strides = array<i32>} : memref<2x128x128xf32, #tpu.memory_space<vmem>>, vector<16xf32>,
          %parallel_loop3A_406 = arith.mulf %parallel_loop3A_405, %parallel_loop3A_400 : vector<16xf32>
          %parallel_loop3A_407 = arith.constant 1 : i32
          %parallel_loop3A_408 = arith.index_cast %parallel_loop3A_407 : i32 to index
          %parallel_loop3A_409 = arith.index_cast %parallel_loop3A_394 : i32 to index
          %parallel_loop3A_410 = arith.constant 0 : index
          %parallel_loop3A_411 = tpu.vector_load %arg6[%parallel_loop3A_408, %parallel_loop3A_409, %parallel_loop3A_410] {strides = array<i32>} : memref<2x128x128xf32, #tpu.memory_space<vmem>>, vector<16xf32>,
          tpu.vector_store %arg6[%parallel_loop3A_408, %parallel_loop3A_409, %parallel_loop3A_410], %parallel_loop3A_406 {strides = array<i32>} : memref<2x128x128xf32, #tpu.memory_space<vmem>>, vector<16xf32>,
          %parallel_loop3A_412 = arith.constant 1 : i32
          %parallel_loop3A_413 = arith.index_cast %parallel_loop3A_412 : i32 to index
          %parallel_loop3A_414 = arith.index_cast %parallel_loop3A_394 : i32 to index
          %parallel_loop3A_415 = arith.constant 16 : index
          %parallel_loop3A_416 = tpu.vector_load %arg6[%parallel_loop3A_413, %parallel_loop3A_414, %parallel_loop3A_415] {strides = array<i32>} : memref<2x128x128xf32, #tpu.memory_space<vmem>>, vector<16xf32>,
          %parallel_loop3A_417 = arith.mulf %parallel_loop3A_416, %parallel_loop3A_400 : vector<16xf32>
          %parallel_loop3A_418 = arith.constant 1 : i32
          %parallel_loop3A_419 = arith.index_cast %parallel_loop3A_418 : i32 to index
          %parallel_loop3A_420 = arith.index_cast %parallel_loop3A_394 : i32 to index
          %parallel_loop3A_421 = arith.constant 16 : index
          %parallel_loop3A_422 = tpu.vector_load %arg6[%parallel_loop3A_419, %parallel_loop3A_420, %parallel_loop3A_421] {strides = array<i32>} : memref<2x128x128xf32, #tpu.memory_space<vmem>>, vector<16xf32>,
          tpu.vector_store %arg6[%parallel_loop3A_419, %parallel_loop3A_420, %parallel_loop3A_421], %parallel_loop3A_417 {strides = array<i32>} : memref<2x128x128xf32, #tpu.memory_space<vmem>>, vector<16xf32>,
          %parallel_loop3A_423 = arith.constant 1 : i32
          %parallel_loop3A_424 = arith.index_cast %parallel_loop3A_423 : i32 to index
          %parallel_loop3A_425 = arith.index_cast %parallel_loop3A_394 : i32 to index
          %parallel_loop3A_426 = arith.constant 32 : index
          %parallel_loop3A_427 = tpu.vector_load %arg6[%parallel_loop3A_424, %parallel_loop3A_425, %parallel_loop3A_426] {strides = array<i32>} : memref<2x128x128xf32, #tpu.memory_space<vmem>>, vector<16xf32>,
          %parallel_loop3A_428 = arith.mulf %parallel_loop3A_427, %parallel_loop3A_400 : vector<16xf32>
          %parallel_loop3A_429 = arith.constant 1 : i32
          %parallel_loop3A_430 = arith.index_cast %parallel_loop3A_429 : i32 to index
          %parallel_loop3A_431 = arith.index_cast %parallel_loop3A_394 : i32 to index
          %parallel_loop3A_432 = arith.constant 32 : index
          %parallel_loop3A_433 = tpu.vector_load %arg6[%parallel_loop3A_430, %parallel_loop3A_431, %parallel_loop3A_432] {strides = array<i32>} : memref<2x128x128xf32, #tpu.memory_space<vmem>>, vector<16xf32>,
          tpu.vector_store %arg6[%parallel_loop3A_430, %parallel_loop3A_431, %parallel_loop3A_432], %parallel_loop3A_428 {strides = array<i32>} : memref<2x128x128xf32, #tpu.memory_space<vmem>>, vector<16xf32>,
          %parallel_loop3A_434 = arith.constant 1 : i32
          %parallel_loop3A_435 = arith.index_cast %parallel_loop3A_434 : i32 to index
          %parallel_loop3A_436 = arith.index_cast %parallel_loop3A_394 : i32 to index
          %parallel_loop3A_437 = arith.constant 48 : index
          %parallel_loop3A_438 = tpu.vector_load %arg6[%parallel_loop3A_435, %parallel_loop3A_436, %parallel_loop3A_437] {strides = array<i32>} : memref<2x128x128xf32, #tpu.memory_space<vmem>>, vector<16xf32>,
          %parallel_loop3A_439 = arith.mulf %parallel_loop3A_438, %parallel_loop3A_400 : vector<16xf32>
          %parallel_loop3A_440 = arith.constant 1 : i32
          %parallel_loop3A_441 = arith.index_cast %parallel_loop3A_440 : i32 to index
          %parallel_loop3A_442 = arith.index_cast %parallel_loop3A_394 : i32 to index
          %parallel_loop3A_443 = arith.constant 48 : index
          %parallel_loop3A_444 = tpu.vector_load %arg6[%parallel_loop3A_441, %parallel_loop3A_442, %parallel_loop3A_443] {strides = array<i32>} : memref<2x128x128xf32, #tpu.memory_space<vmem>>, vector<16xf32>,
          tpu.vector_store %arg6[%parallel_loop3A_441, %parallel_loop3A_442, %parallel_loop3A_443], %parallel_loop3A_439 {strides = array<i32>} : memref<2x128x128xf32, #tpu.memory_space<vmem>>, vector<16xf32>,
          %parallel_loop3A_445 = arith.constant 1 : i32
          %parallel_loop3A_446 = arith.index_cast %parallel_loop3A_445 : i32 to index
          %parallel_loop3A_447 = arith.index_cast %parallel_loop3A_394 : i32 to index
          %parallel_loop3A_448 = arith.constant 64 : index
          %parallel_loop3A_449 = tpu.vector_load %arg6[%parallel_loop3A_446, %parallel_loop3A_447, %parallel_loop3A_448] {strides = array<i32>} : memref<2x128x128xf32, #tpu.memory_space<vmem>>, vector<16xf32>,
          %parallel_loop3A_450 = arith.mulf %parallel_loop3A_449, %parallel_loop3A_400 : vector<16xf32>
          %parallel_loop3A_451 = arith.constant 1 : i32
          %parallel_loop3A_452 = arith.index_cast %parallel_loop3A_451 : i32 to index
          %parallel_loop3A_453 = arith.index_cast %parallel_loop3A_394 : i32 to index
          %parallel_loop3A_454 = arith.constant 64 : index
          %parallel_loop3A_455 = tpu.vector_load %arg6[%parallel_loop3A_452, %parallel_loop3A_453, %parallel_loop3A_454] {strides = array<i32>} : memref<2x128x128xf32, #tpu.memory_space<vmem>>, vector<16xf32>,
          tpu.vector_store %arg6[%parallel_loop3A_452, %parallel_loop3A_453, %parallel_loop3A_454], %parallel_loop3A_450 {strides = array<i32>} : memref<2x128x128xf32, #tpu.memory_space<vmem>>, vector<16xf32>,
          %parallel_loop3A_456 = arith.constant 1 : i32
          %parallel_loop3A_457 = arith.index_cast %parallel_loop3A_456 : i32 to index
          %parallel_loop3A_458 = arith.index_cast %parallel_loop3A_394 : i32 to index
          %parallel_loop3A_459 = arith.constant 80 : index
          %parallel_loop3A_460 = tpu.vector_load %arg6[%parallel_loop3A_457, %parallel_loop3A_458, %parallel_loop3A_459] {strides = array<i32>} : memref<2x128x128xf32, #tpu.memory_space<vmem>>, vector<16xf32>,
          %parallel_loop3A_461 = arith.mulf %parallel_loop3A_460, %parallel_loop3A_400 : vector<16xf32>
          %parallel_loop3A_462 = arith.constant 1 : i32
          %parallel_loop3A_463 = arith.index_cast %parallel_loop3A_462 : i32 to index
          %parallel_loop3A_464 = arith.index_cast %parallel_loop3A_394 : i32 to index
          %parallel_loop3A_465 = arith.constant 80 : index
          %parallel_loop3A_466 = tpu.vector_load %arg6[%parallel_loop3A_463, %parallel_loop3A_464, %parallel_loop3A_465] {strides = array<i32>} : memref<2x128x128xf32, #tpu.memory_space<vmem>>, vector<16xf32>,
          tpu.vector_store %arg6[%parallel_loop3A_463, %parallel_loop3A_464, %parallel_loop3A_465], %parallel_loop3A_461 {strides = array<i32>} : memref<2x128x128xf32, #tpu.memory_space<vmem>>, vector<16xf32>,
          %parallel_loop3A_467 = arith.constant 1 : i32
          %parallel_loop3A_468 = arith.index_cast %parallel_loop3A_467 : i32 to index
          %parallel_loop3A_469 = arith.index_cast %parallel_loop3A_394 : i32 to index
          %parallel_loop3A_470 = arith.constant 96 : index
          %parallel_loop3A_471 = tpu.vector_load %arg6[%parallel_loop3A_468, %parallel_loop3A_469, %parallel_loop3A_470] {strides = array<i32>} : memref<2x128x128xf32, #tpu.memory_space<vmem>>, vector<16xf32>,
          %parallel_loop3A_472 = arith.mulf %parallel_loop3A_471, %parallel_loop3A_400 : vector<16xf32>
          %parallel_loop3A_473 = arith.constant 1 : i32
          %parallel_loop3A_474 = arith.index_cast %parallel_loop3A_473 : i32 to index
          %parallel_loop3A_475 = arith.index_cast %parallel_loop3A_394 : i32 to index
          %parallel_loop3A_476 = arith.constant 96 : index
          %parallel_loop3A_477 = tpu.vector_load %arg6[%parallel_loop3A_474, %parallel_loop3A_475, %parallel_loop3A_476] {strides = array<i32>} : memref<2x128x128xf32, #tpu.memory_space<vmem>>, vector<16xf32>,
          tpu.vector_store %arg6[%parallel_loop3A_474, %parallel_loop3A_475, %parallel_loop3A_476], %parallel_loop3A_472 {strides = array<i32>} : memref<2x128x128xf32, #tpu.memory_space<vmem>>, vector<16xf32>,
          %parallel_loop3A_478 = arith.constant 1 : i32
          %parallel_loop3A_479 = arith.index_cast %parallel_loop3A_478 : i32 to index
          %parallel_loop3A_480 = arith.index_cast %parallel_loop3A_394 : i32 to index
          %parallel_loop3A_481 = arith.constant 112 : index
          %parallel_loop3A_482 = tpu.vector_load %arg6[%parallel_loop3A_479, %parallel_loop3A_480, %parallel_loop3A_481] {strides = array<i32>} : memref<2x128x128xf32, #tpu.memory_space<vmem>>, vector<16xf32>,
          %parallel_loop3A_483 = arith.mulf %parallel_loop3A_482, %parallel_loop3A_400 : vector<16xf32>
          %parallel_loop3A_484 = arith.constant 1 : i32
          %parallel_loop3A_485 = arith.index_cast %parallel_loop3A_484 : i32 to index
          %parallel_loop3A_486 = arith.index_cast %parallel_loop3A_394 : i32 to index
          %parallel_loop3A_487 = arith.constant 112 : index
          %parallel_loop3A_488 = tpu.vector_load %arg6[%parallel_loop3A_485, %parallel_loop3A_486, %parallel_loop3A_487] {strides = array<i32>} : memref<2x128x128xf32, #tpu.memory_space<vmem>>, vector<16xf32>,
          tpu.vector_store %arg6[%parallel_loop3A_485, %parallel_loop3A_486, %parallel_loop3A_487], %parallel_loop3A_483 {strides = array<i32>} : memref<2x128x128xf32, #tpu.memory_space<vmem>>, vector<16xf32>,
        } {sc.loop_unroll_factor = 4 : i64, sc.parallel_access}
        %dma_start3A_381 = arith.constant 1 : i32
        %dma_start3A_382 = arith.constant 2 : i32
        %dma_start3A_383 = arith.constant 1 : i32
        %dma_start3A_384 = arith.constant 0 : i32
        %dma_start3A_385 = arith.constant 0 : i32
        %dma_start3A_386 = tpu.memref_slice %arg6[%dma_start3A_381, %dma_start3A_384, %dma_start3A_385] : memref<2x128x128xf32, #tpu.memory_space<vmem>> -> memref<1x128x128xf32, #tpu.memory_space<vmem>>
        %dma_start3A_387 = tpu.memref_squeeze %dma_start3A_386 : memref<1x128x128xf32, #tpu.memory_space<vmem>> -> memref<128x128xf32, #tpu.memory_space<vmem>>
        %dma_start3A_388 = arith.constant 0 : i32
        %dma_start3A_389 = tpu.memref_slice %arg5[%dma_start3A_382, %dma_start3A_383, %dma_start3A_388] : memref<3x3x128xi32, #tpu.memory_space<vmem>> -> memref<1x1x128xi32, #tpu.memory_space<vmem>>
        %dma_start3A_390 = tpu.memref_squeeze %dma_start3A_389 : memref<1x1x128xi32, #tpu.memory_space<vmem>> -> memref<128xi32, #tpu.memory_space<vmem>>
        %dma_start3A_391 = arith.constant 0 : i32
        %dma_start3A_392 = arith.constant 0 : i32
        %dma_start3A_393 = tpu.memref_slice %arg7[%dma_start3A_391, %dma_start3A_392] : memref<10000x128xf32, #tpu.memory_space<vmem_shared>> -> memref<10000x128xf32, #tpu.memory_space<vmem_shared>>
        tpu.enqueue_indirect_dma source(%dma_start3A_387 : memref<128x128xf32, #tpu.memory_space<vmem>>) target(%dma_start3A_393 : memref<10000x128xf32, #tpu.memory_space<vmem_shared>>) offsets(%dma_start3A_390 : memref<128xi32, #tpu.memory_space<vmem>>) semaphore(%arg14 : memref<!tpu.dma_semaphore, #tpu.memory_space<semaphore_mem>>) {add = true}
      } else {
      }
      %scan3A_376 = arith.constant 0 : i32
      scf.yield %scan3A_376 : i32
    }
    %scan3A_154 = arith.constant 14 : i32
    %barrier3A_155 = arith.constant 0 : index
    tpu.barrier barrier_id(%barrier3A_155)
    %while3A_156 = arith.constant 0 : i32
    %while3A_157 = arith.constant 0 : i32
    %while3A_158 = arith.subi %select_n3A_106, %while3A_156 : i32
    %while3A_159 = arith.addi %while3A_156, %while3A_158 : i32
    %while3A_160 = arith.constant 1 : i32
    %while3A_161 = arith.divsi %while3A_158, %while3A_160 : i32
    %while3A_162 = arith.muli %while3A_161, %while3A_160 : i32
    %while3A_163 = arith.addi %while3A_156, %while3A_162 : i32
    %while3A_164 = arith.constant 1 : i32
    %while3A_165 = scf.for %while3A_168 = %while3A_156 to %while3A_163 step %while3A_164 iter_args(%while3A_169 = %while3A_157) -> (i32)  : i32 {
      %mul3A_170 = arith.constant 16 : i32
      %mul3A_171 = arith.muli %while3A_168, %mul3A_170 : i32
      %add3A_172 = arith.addi %arg1, %mul3A_171 : i32
      %mul3A_173 = arith.constant 80 : i32
      %mul3A_174 = arith.muli %add3A_172, %mul3A_173 : i32
      "tpu.region"() ({
        %run_scoped3A = tpu.sem_alloc : memref<!tpu.dma_semaphore, #tpu.memory_space<semaphore_mem>>
        %dma_start3A_176 = arith.constant 0 : i32
        %dma_start3A_177 = tpu.memref_slice %arg4[%arg0, %mul3A_174, %dma_start3A_176] : memref<2x10000x128xf32, #tpu.memory_space<hbm>> -> memref<1x80x128xf32, #tpu.memory_space<hbm>>
        %dma_start3A_178 = tpu.memref_squeeze %dma_start3A_177 : memref<1x80x128xf32, #tpu.memory_space<hbm>> -> memref<80x128xf32, #tpu.memory_space<hbm>>
        %dma_start3A_179 = arith.constant 0 : i32
        %dma_start3A_180 = tpu.memref_slice %arg7[%mul3A_174, %dma_start3A_179] : memref<10000x128xf32, #tpu.memory_space<vmem_shared>> -> memref<80x128xf32, #tpu.memory_space<vmem_shared>>
        tpu.enqueue_dma source(%dma_start3A_180 : memref<80x128xf32, #tpu.memory_space<vmem_shared>>) target(%dma_start3A_178 : memref<80x128xf32, #tpu.memory_space<hbm>>) target_semaphore(%run_scoped3A : memref<!tpu.dma_semaphore, #tpu.memory_space<semaphore_mem>>)
        %dma_wait3A_181 = arith.constant 0 : i32
        %dma_wait3A_182 = tpu.memref_slice %arg4[%arg0, %mul3A_174, %dma_wait3A_181] : memref<2x10000x128xf32, #tpu.memory_space<hbm>> -> memref<1x80x128xf32, #tpu.memory_space<hbm>>
        %dma_wait3A_183 = tpu.memref_squeeze %dma_wait3A_182 : memref<1x80x128xf32, #tpu.memory_space<hbm>> -> memref<80x128xf32, #tpu.memory_space<hbm>>
        %dma_wait3A_184 = arith.constant 0 : i32
        %dma_wait3A_185 = tpu.memref_slice %arg7[%mul3A_174, %dma_wait3A_184] : memref<10000x128xf32, #tpu.memory_space<vmem_shared>> -> memref<80x128xf32, #tpu.memory_space<vmem_shared>>
        tpu.wait_dma2 semaphore(%run_scoped3A : memref<!tpu.dma_semaphore, #tpu.memory_space<semaphore_mem>>) src(%dma_wait3A_185 : memref<80x128xf32, #tpu.memory_space<vmem_shared>>) dst(%dma_wait3A_183 : memref<80x128xf32, #tpu.memory_space<hbm>>)
        tpu.yield
      }) : () -> ()
      %while3A_175 = arith.constant 0 : i32
      scf.yield %while3A_175 : i32
    }
    %while3A_166 = arith.constant 1 : i32
    %while3A_167 = scf.for %while3A_168 = %while3A_163 to %while3A_159 step %while3A_166 iter_args(%while3A_169 = %while3A_165) -> (i32)  : i32 {
      %mul3A_170 = arith.constant 16 : i32
      %mul3A_171 = arith.muli %while3A_168, %mul3A_170 : i32
      %add3A_172 = arith.addi %arg1, %mul3A_171 : i32
      %mul3A_173 = arith.constant 80 : i32
      %mul3A_174 = arith.muli %add3A_172, %mul3A_173 : i32
      "tpu.region"() ({
        %run_scoped3A = tpu.sem_alloc : memref<!tpu.dma_semaphore, #tpu.memory_space<semaphore_mem>>
        %dma_start3A_176 = arith.constant 0 : i32
        %dma_start3A_177 = tpu.memref_slice %arg4[%arg0, %mul3A_174, %dma_start3A_176] : memref<2x10000x128xf32, #tpu.memory_space<hbm>> -> memref<1x80x128xf32, #tpu.memory_space<hbm>>
        %dma_start3A_178 = tpu.memref_squeeze %dma_start3A_177 : memref<1x80x128xf32, #tpu.memory_space<hbm>> -> memref<80x128xf32, #tpu.memory_space<hbm>>
        %dma_start3A_179 = arith.constant 0 : i32
        %dma_start3A_180 = tpu.memref_slice %arg7[%mul3A_174, %dma_start3A_179] : memref<10000x128xf32, #tpu.memory_space<vmem_shared>> -> memref<80x128xf32, #tpu.memory_space<vmem_shared>>
        tpu.enqueue_dma source(%dma_start3A_180 : memref<80x128xf32, #tpu.memory_space<vmem_shared>>) target(%dma_start3A_178 : memref<80x128xf32, #tpu.memory_space<hbm>>) target_semaphore(%run_scoped3A : memref<!tpu.dma_semaphore, #tpu.memory_space<semaphore_mem>>)
        %dma_wait3A_181 = arith.constant 0 : i32
        %dma_wait3A_182 = tpu.memref_slice %arg4[%arg0, %mul3A_174, %dma_wait3A_181] : memref<2x10000x128xf32, #tpu.memory_space<hbm>> -> memref<1x80x128xf32, #tpu.memory_space<hbm>>
        %dma_wait3A_183 = tpu.memref_squeeze %dma_wait3A_182 : memref<1x80x128xf32, #tpu.memory_space<hbm>> -> memref<80x128xf32, #tpu.memory_space<hbm>>
        %dma_wait3A_184 = arith.constant 0 : i32
        %dma_wait3A_185 = tpu.memref_slice %arg7[%mul3A_174, %dma_wait3A_184] : memref<10000x128xf32, #tpu.memory_space<vmem_shared>> -> memref<80x128xf32, #tpu.memory_space<vmem_shared>>
        tpu.wait_dma2 semaphore(%run_scoped3A : memref<!tpu.dma_semaphore, #tpu.memory_space<semaphore_mem>>) src(%dma_wait3A_185 : memref<80x128xf32, #tpu.memory_space<vmem_shared>>) dst(%dma_wait3A_183 : memref<80x128xf32, #tpu.memory_space<hbm>>)
        tpu.yield
      }) : () -> ()
      %while3A_175 = arith.constant 0 : i32
      scf.yield %while3A_175 : i32
    }
    return
  }
}

module attributes {stable_mosaic.version = 14 : i64} {
  func.func @_mm_body(%arg0: i32, %arg1: memref<2x1000x128xf32, #tpu.memory_space<vmem>>, %arg2: memref<128x128xf32, #tpu.memory_space<vmem>>, %arg3: memref<1000x128xf32, #tpu.memory_space<vmem>>) attributes {dimension_semantics = [#tpu.dimension_semantics<arbitrary>], iteration_bounds = array<i64: 10>, scalar_prefetch = 0 : i64, scratch_operands = 0 : i64, tpu.core_type = #tpu.core_type<tc>, window_params = [{transform_indices = @transform_0, window_bounds = array<i64: 2, 1000, 128>}, {pipeline_mode = #tpu.pipeline_mode<synchronous>, transform_indices = @transform_1, window_bounds = array<i64: 128, 128>}, {transform_indices = @transform_2, window_bounds = array<i64: 1000, 128>}]} {
    %get3A = arith.constant 0 : index
    %get3A_0 = arith.constant 0 : index
    %get3A_1 = arith.constant 0 : index
    %get3A_2 = vector.load %arg1[%get3A, %get3A_0, %get3A_1] : memref<2x1000x128xf32, #tpu.memory_space<vmem>>, vector<1x1000x128xf32>
    %get3A_3 = vector.shape_cast %get3A_2 : vector<1x1000x128xf32> to vector<1000x128xf32>
    %get3A_4 = arith.constant 1 : index
    %get3A_5 = arith.constant 0 : index
    %get3A_6 = arith.constant 0 : index
    %get3A_7 = vector.load %arg1[%get3A_4, %get3A_5, %get3A_6] : memref<2x1000x128xf32, #tpu.memory_space<vmem>>, vector<1x1000x128xf32>
    %get3A_8 = vector.shape_cast %get3A_7 : vector<1x1000x128xf32> to vector<1000x128xf32>
    %add3A = arith.addf %get3A_3, %get3A_8 : vector<1000x128xf32>
    %get3A_9 = arith.constant 0 : index
    %get3A_10 = arith.constant 0 : index
    %get3A_11 = vector.load %arg2[%get3A_9, %get3A_10] : memref<128x128xf32, #tpu.memory_space<vmem>>, vector<128x128xf32>
    %dot_general3A = arith.constant dense<0.000000e+00> : vector<1000x128xf32>
    %dot_general3A_12 = tpu.matmul %add3A, %get3A_11, %dot_general3A {dimension_numbers = #tpu.dot_dimension_numbers<[1], [0], [0], [1], [0, 0, 1, 1], [], []>, transpose_lhs_hint = false} : vector<1000x128xf32>, vector<128x128xf32>, vector<1000x128xf32> -> vector<1000x128xf32>
    %swap3A = arith.constant 0 : index
    %swap3A_13 = arith.constant 0 : index
    %swap3A_14 = vector.load %arg3[%swap3A, %swap3A_13] : memref<1000x128xf32, #tpu.memory_space<vmem>>, vector<1000x128xf32>
    tpu.vector_store %arg3[%swap3A, %swap3A_13], %dot_general3A_12 {strides = array<i32>} : memref<1000x128xf32, #tpu.memory_space<vmem>>, vector<1000x128xf32>,
    return
  }
  func.func @transform_0(%arg0: i32) -> (i32, i32, i32) {
    %c0_i32 = arith.constant 0 : i32
    %c0_i32_0 = arith.constant 0 : i32
    %c0_i32_1 = arith.constant 0 : i32
    return %c0_i32, %arg0, %c0_i32_0 : i32, i32, i32
  }
  func.func @transform_1(%arg0: i32) -> (i32, i32) {
    %c0_i32 = arith.constant 0 : i32
    %c0_i32_0 = arith.constant 0 : i32
    %c0_i32_1 = arith.constant 0 : i32
    return %c0_i32, %c0_i32_0 : i32, i32
  }
  func.func @transform_2(%arg0: i32) -> (i32, i32) {
    %c0_i32 = arith.constant 0 : i32
    %c0_i32_0 = arith.constant 0 : i32
    return %arg0, %c0_i32 : i32, i32
  }
}

</mosaic_0001>

<sc_bundles>
// kernel: kernel.4.cloned.1.call-start
scs
__scs_entry_jumppad:
0x0: {  	(pc) =	sbr.rel $0x88, $3  }
0x1: {  	(tag) =	ssettag $0x0;
	lr =	simm.s32 $0x1  }
0x2: {  	[smem:$0x3F9D] =	sst lr;
	_ =	strace $0xD0000000  }
0x3: {  	_ = 	snop  }
0x4: {  	_ = 	snop  }
0x5: {  	_ = 	snop  }
0x6: {  	_ = 	snop  }
0x7: {  	_ = 	snop  }
__scs_overlays_trampoline_lowered:
0x8: {  	[smem:$0x3FAC] =	sst s0  }
0x9: {  	[smem:$0x3FAD] =	sst s1  }
0xa: {  	[smem:$0x3FAE] =	sst s2  }
0xb: {  	[smem:$0x3FAF] =	sst s3  }
0xc: {  	[smem:$0x3FB0] =	sst s4  }
0xd: {  	[smem:$0x3FB1] =	sst s5  }
0xe: {  	[smem:$0x3FB2] =	sst s6  }
0xf: {  	[smem:$0x3FB3] =	sst s7  }
0x10: {  	[smem:$0x3FB4] =	sst s8  }
0x11: {  	[smem:$0x3FB5] =	sst s9;
	s0 =	simm.s32 @!p0 $0x0  }
0x12: {  	s1 =	sld [smem:$0x3F9B];
	s0 =	simm.s32 @p0 $0x1  }
0x13: {  	[smem:$0x3FB6] =	sst s0;
	s0 =	simm.s32 @!p1 $0x0  }
0x14: {  	s2 =	sld [smem:$0x3F9A];
	s0 =	simm.s32 @p1 $0x1  }
0x15: {  	[smem:$0x3FB7] =	sst s0;
	s0 =	simm.s32 @!p2 $0x0  }
0x16: {  	s3 =	sld [smem:$0x3FDB];
	s0 =	simm.s32 @p2 $0x1  }
0x17: {  	s4 =	simm.s32 $0x1BF5;
	[smem:$0x3FB9] =	sst s0  }
0x18: {  	s0 =	sld [smem:$0x3F9C];
	_ =	swait.ge [sflag:s4], $0x0  }
0x19: {  	s7 =	sld [smem:$0x3F9D]  }
0x1a: {  	s8 =	sadd.s32 $0xFFFFE003, lr  }
0x1b: {  	s9 =	sadd.s32 $0xFFFFFEF7, lr;
	s5 =	simm.s32 $0xFFFFFFFF;
	p2 =	slt.u32 s8, $0xFFFFF086  }
0x1c: {  	p1 =	slt.u32 s9, $0xF7A;
	s5 =	simm.s32 @!p2 $0x0  }
0x1d: {  	s5 =	simm.s32 @p1 $0x1;
	p0 =	seq.s32 s7, s2  }
0x1e: {  	s7 =	smul.u32 @!p0 $0xF7A, s2;
	p2 =	seq.s32 @!p0 s5, $0x0  }
0x1f: {  	s9 =	smul.u32 $0xF7A, s1;
	s8 =	simm.s32 @!p0 $0x1BF5;
	p2 =	por !p2, p0  }
0x20: {  	[sflag:s8] =	ssyncset.s32 @!p0 $0xFFFFF086;
	s6 =	sadd.s32 @!p0 s3, s7;
	s7 =	simm.s32 @!p0 $0x108  }
0x21: {  	s3 =	sadd.s32 s3, s9;
	s6 =	sadd.s32 @!p0 $0x88, s6;
	s7 =	simm.s32 @p2 $0x1082  }
0x22: {  	[simem:s7], [sflag:s8] =	dma.local @!p0 [hbm:s6], $0xF7A  }
0x23: {  	s9 =	sor.u32 $0xD0000000, s2;
	s6 =	simm.s32 $0x108;
	_ =	swait.ge @!p0 [sflag:s8], $0x0  }
0x24: {  	s3 =	sadd.s32 $0x88, s3;
	s6 =	simm.s32 @!p1 $0x1082;
	[sflag:s4] =	ssyncset.s32 $0xFFFFF086  }
0x25: {  	[simem:s6], [sflag:s4] =	dma.local [hbm:s3], $0xF7A  }
0x26: {  	[smem:$0x3F9D] =	sst s1;
	(tag) =	ssettag s2;
	_ =	strace s9  }
0x27: {  	s1 =	sld [smem:$0x3FAD]  }
0x28: {  	s2 =	sld [smem:$0x3FAE]  }
0x29: {  	s4 =	sld [smem:$0x3FB0]  }
0x2a: {  	p0 =	seq.s32 s5, $0x0;
	s5 =	sld [smem:$0x3FB1]  }
0x2b: {  	s6 =	sld [smem:$0x3FB2]  }
0x2c: {  	s7 =	sld [smem:$0x3FB3]  }
0x2d: {  	s3 =	simm.s32 $0x108;
	s8 =	sld [smem:$0x3FB4]  }
0x2e: {  	s3 =	simm.s32 @!p0 $0x1082;
	s9 =	sld [smem:$0x3FB5]  }
0x2f: {  	lr =	sadd.s32 s0, s3;
	s0 =	sld [smem:$0x3FAC]  }
0x30: {  	s3 =	sld [smem:$0x3FAF]  }
0x31: {  	[smem:$0x3FB8] =	sst s10  }
0x32: {  	s10 =	sld [smem:$0x3FB6];
	_ =	sdelay $0x3  }
0x33: {  	p0 =	seq.s32 s10, $0x1;
	s10 =	sld [smem:$0x3FB8];
	_ =	sdelay $0x3  }
0x34: {  	[smem:$0x3FB8] =	sst s10  }
0x35: {  	s10 =	sld [smem:$0x3FB7];
	_ =	sdelay $0x3  }
0x36: {  	p1 =	seq.s32 s10, $0x1;
	s10 =	sld [smem:$0x3FB8];
	_ =	sdelay $0x3  }
0x37: {  	[smem:$0x3FB8] =	sst s10  }
0x38: {  	s10 =	sld [smem:$0x3FB9]  }
0x39: {  	_ = 	snop;
	(pc) =	sbr.ind lr, $3  }
0x3a: {  	_ = 	snop  }
0x3b: {  	_ = 	snop  }
0x3c: {  	p2 =	seq.s32 s10, $0x1;
	s10 =	sld [smem:$0x3FB8]  }
0x3d: {  	_ =	shalt  }
0x3e: {  	_ =	shalt  }
0x3f: {  	_ =	shalt  }
0x40: {  	_ =	shalt  }
0x41: {  	_ =	shalt  }
0x42: {  	_ =	shalt  }
0x43: {  	_ =	shalt  }
0x44: {  	_ =	shalt  }
0x45: {  	_ =	shalt  }
0x46: {  	_ =	shalt  }
0x47: {  	_ =	shalt  }
0x48: {  	_ =	shalt  }
0x49: {  	_ =	shalt  }
0x4a: {  	_ =	shalt  }
0x4b: {  	_ =	shalt  }
0x4c: {  	_ =	shalt  }
0x4d: {  	_ =	shalt  }
0x4e: {  	_ =	shalt  }
0x4f: {  	_ =	shalt  }
0x50: {  	_ =	shalt  }
0x51: {  	_ =	shalt  }
0x52: {  	_ =	shalt  }
0x53: {  	_ =	shalt  }
0x54: {  	_ =	shalt  }
0x55: {  	_ =	shalt  }
0x56: {  	_ =	shalt  }
0x57: {  	_ =	shalt  }
0x58: {  	_ =	shalt  }
0x59: {  	_ =	shalt  }
0x5a: {  	_ =	shalt  }
0x5b: {  	_ =	shalt  }
0x5c: {  	_ =	shalt  }
0x5d: {  	_ =	shalt  }
0x5e: {  	_ =	shalt  }
0x5f: {  	_ =	shalt  }
0x60: {  	_ =	shalt  }
0x61: {  	_ =	shalt  }
0x62: {  	_ =	shalt  }
0x63: {  	_ =	shalt  }
0x64: {  	_ =	shalt  }
0x65: {  	_ =	shalt  }
0x66: {  	_ =	shalt  }
0x67: {  	_ =	shalt  }
0x68: {  	_ =	shalt  }
0x69: {  	_ =	shalt  }
0x6a: {  	_ =	shalt  }
0x6b: {  	_ =	shalt  }
0x6c: {  	_ =	shalt  }
0x6d: {  	_ =	shalt  }
0x6e: {  	_ =	shalt  }
0x6f: {  	_ =	shalt  }
0x70: {  	_ =	shalt  }
0x71: {  	_ =	shalt  }
0x72: {  	_ =	shalt  }
0x73: {  	_ =	shalt  }
0x74: {  	_ =	shalt  }
0x75: {  	_ =	shalt  }
0x76: {  	_ =	shalt  }
0x77: {  	_ =	shalt  }
0x78: {  	_ =	shalt  }
0x79: {  	_ =	shalt  }
0x7a: {  	_ =	shalt  }
0x7b: {  	_ =	shalt  }
0x7c: {  	_ =	shalt  }
0x7d: {  	_ =	shalt  }
0x7e: {  	_ =	shalt  }
0x7f: {  	_ =	shalt  }
0x80: {  	_ =	shalt  }
0x81: {  	_ =	shalt  }
0x82: {  	_ =	shalt  }
0x83: {  	_ =	shalt  }
0x84: {  	_ =	shalt  }
0x85: {  	_ =	shalt  }
0x86: {  	_ =	shalt  }
0x87: {  	_ =	shalt  }
.Lfunc_end0:
.L_simem_size_0:
called_computation_lowered:
.L_overlay_start_0:
0x88: {  	s2 =	sld [smem:$0x3FD9]  }
0x89: {  	s3 =	sld [smem:$0x3FFE];
	_ =	sdelay $0x1  }
0x8a: {  	s1 =	srdreg.scid  }
0x8b: {  	s0 =	sand.u32 $0x1, s1  }
0x8c: {  	s17 =	sshll.u32 s0, $0xA;
	s2 =	sadd.s32 s3, s2  }
0x8d: {  	s2 =	sadd.s32 s2, s17  }
0x8e: {  	[smem:$0x3FC4] =	sst s2  }
0x8f: {  	_ = 	snop  }
0x90: {  	s2 =	sld [smem:$0x3FC9]  }
0x91: {  	s18 =	sld [smem:$0x3FD0];
	(tm) =	ssettm $0x1  }
0x92: {  	s4 =	sld [smem:$0x3FFB];
	_ =	sdelay $0x3  }
0x93: {  	_ =	strace s4  }
0x94: {  	s4 =	sld [smem:$0x3FFC];
	_ =	sdelay $0x3  }
0x95: {  	_ =	strace s4  }
0x96: {  	s4 =	sld [smem:$0x3FFD];
	_ =	sdelay $0x3  }
0x97: {  	_ =	strace s4  }
0x98: {  	_ =	strace $0x8FFFFFFF  }
0x99: {  	s19 =	sld [smem:$0x3FDB];
	_ =	sdelay $0x1  }
0x9a: {  	s5 =	simm.s32 $_scs_section_size  }
0x9b: {  	s6 =	simm.s32 $_size__tile_overlayer_lowered;
	s7 =	simm.s32 $_tile_overlayer_lowered  }
0x9c: {  	s22 =	simm.s32 $0x1BFF;
	s21 =	sshll.u32 s7, $0x1;
	s4 =	sadd.s32 s5, s19  }
0x9d: {  	s8 =	simm.s32 $0x0;
	s20 =	sshll.u32 s6, $0x1;
	s6 =	sadd.s32 s21, s4  }
0x9e: {  	[timem:s8], [sflag:s22] =	dma.local [hbm:s6], s20  }
0x9f: {  	_ =	swait.ge [sflag:s22], s20  }
0xa0: {  	s5 =	ssub.s32 $0x0, s20;
	[sflag:s22] =	ssyncset.done $0x0  }
0xa1: {  	[sflag:s22] =	ssyncadd.s32 s5;
	_ =	sdelay $0x1  }
0xa2: {  	s23 =	simm.s32 $0x1B8B  }
0xa3: {  	_ =	swait.ge [sflag:s23], $0x1  }
0xa4: {  	[sflag:s23] =	ssyncset.done $0x0  }
0xa5: {  	s25 =	simm.s32 $0x1B8E;
	s24 =	sld [smem:$0x3FFE];
	[sflag:s23] =	ssyncadd.s32 $0xFFFFFFFF  }
0xa6: {  	s26 =	simm.s32 $execute0_lowered;
	[smem:$0x3FD2] =	sst s25  }
0xa7: {  	s6 =	sshll.u32 s26, $0x1;
	_ =	strace $0x80000046;
	[dreg:$0x1] =	wrdreg $0xFFFFFFFF  }
0xa8: {  	s28 =	simm.s32 $_size_execute0_lowered;
	s4 =	sadd.s32 s4, s6;
	[dreg:$0x0] =	wrdreg $0x0  }
0xa9: {  	s6 =	sshll.u32 s28, $0x1;
	[dreg:$0x2] =	wrdreg s4  }
0xaa: {  	[dreg:$0x3] =	wrdreg s6  }
0xab: {  	[dreg:$0x4] =	wrdreg $0xC0  }
0xac: {  	_ =	task [dreg:s8], $0x5FFFF  }
0xad: {  	[dreg:$0x1] =	wrdreg $0xFFFFFFFF  }
0xae: {  	[dreg:$0x0] =	wrdreg $0x60  }
0xaf: {  	[dreg:$0x2] =	wrdreg s2  }
0xb0: {  	[dreg:$0x3] =	wrdreg s18  }
0xb1: {  	[dreg:$0x4] =	wrdreg s24  }
0xb2: {  	[dreg:$0x5] =	wrdreg $0x86000  }
0xb3: {  	[dreg:$0x6] =	wrdreg $0x9  }
0xb4: {  	_ =	task.clear_ibuf [dreg:s8], $0x7FFFF;
	_ =	strace $0x90000046  }
0xb5: {  	s29 =	simm.s32 $0x9;
	_ =	strace $0x80000048  }
0xb6: {  	_ =	swait.ge [sflag:s29], $0x1  }
0xb7: {  	[sflag:s29] =	ssyncadd.s32 $0xFFFFFFFF  }
0xb8: {  	_ =	strace $0x90000048  }
0xb9: {  	_ =	sfence  }
0xba: {  	s30 =	sld [smem:$0x0];
	_ =	sdelay $0x2  }
0xbb: {  	s31 =	sshll.u32 s1, $0xD;
	s1 =	sshrl.u32 s1, $0x2  }
0xbc: {  	s3 =	sand.u32 $0x4000, s31;
	s1 =	sadd.s32 s1, s30  }
0xbd: {  	s0 =	sor.u32 s3, s0;
	s1 =	sshll.u32 s1, $0x11  }
0xbe: {  	s0 =	sor.u32 s1, s0  }
0xbf: {  	s0 =	sadd.s32 $0x8F2B, s0  }
0xc0: {  	[sflag:s0] =	ssyncadd.remote.s32 $0x1  }
0xc1: {  	_ =	sfence.sel $0xFFFF  }
0xc2: {  	[dreg:$0x0] =	wrdreg $0xFFFFFFFF;
	(pc) =	sbr.abs _section_cstart, $3  }
0xc3: {  	[dreg:$0x1] =	wrdreg $0xFFFFFFFF  }
0xc4: {  	_ =	task.clear_ibuf [dreg:s8], $0x2FFFF;
	_ =	strace $0x9FFFFFFF  }
0xc5: {  	(tm) =	ssettm $0x7FFFFFFF  }
tec
execute0_lowered:
.L_overlay_start_1:
0x0: {  	(tag) =	ssettag $0x1  }
0x1: {  	s0 =	rddreg [dreg:$0x0]  }
0x2: {  	s1 =	rddreg [dreg:$0x1]  }
0x3: {  	s5 =	rddreg [dreg:$0x2]  }
0x4: {  	s2 =	srdreg.scid;
	s3 =	rddreg [dreg:$0x3]  }
0x5: {  	s25 =	stileid.u32;
	s4 =	simm.s32 $0x0;
	s14 =	simm.s32 $0x600  }
0x6: {  	s15 =	simm.s32 $0x8;
	s16 =	simm.s32 $0x1;
	s17 =	simm.s32 $0x80  }
0x7: {  	s18 =	simm.s32 $0x100;
	s19 =	simm.s32 $0x300;
	s20 =	simm.s32 $0x280  }
0x8: {  	s21 =	simm.s32 $0x4600;
	s22 =	simm.s32 $0x500;
	s8 =	smul.u32 $0x2800, s25  }
0x9: {  	s23 =	simm.s32 $0x480;
	s6 =	sand.u32 $0x1, s2;
	s30 =	smul.u32 $0xA000, s25  }
0xa: {  	s24 =	simm.s32 $0x0;
	[smem:$0x7FF] =	sst s4;
	s7 =	smul.u32 $0x138800, s6  }
0xb: {  	s29 =	ssub.s32 $0x4F1, s25;
	s9 =	smul.u32 $0x4E2, s6;
	s6 =	ssub.s32 $0x2, s6  }
0xc: {  	s31 =	ssub.s32 $0x8C, s25;
	_ =	strace $0x80000047;
	s26 =	sshrl.u32 s6, $0x1  }
0xd: {  	s7 =	sadd.s32 s8, s7;
	s9 =	sadd.s32 s25, s9;
	s10 =	ssub.s32 s6, s26  }
0xe: {  	s6 =	sshrl.u32 s29, $0x4;
	s8 =	sshrl.u32 s31, $0x4;
	s7 =	sshrl.u32 s7, $0x3  }
0xf: {  	s28 =	sshll.u32 s9, $0x6;
	s9 =	smax.u32 s10, $0x1;
	s10 =	sadd.s32 $0xFFFFFFFF, s6  }
0x10: {  	s12 =	sadd.s32 s7, s5;
	s5 =	sadd.s32 s1, s28;
	s1 =	sshrl.u32 s30, $0x2  }
0x11: {  	v0 =	vimm.f32 $0.0e+00;
	s7 =	sadd.s32 $0x400, s5;
	s11 =	sadd.s32 s1, s3;
	s12 =	sadd.s32 $0xC00, s12  }
.LBB2_1:
0x12: {  	[tilespmem:s4], [sflag:$0x1] =	stream.linear.gather [hbm4b:s5+s4], $0x180, $0x38;
	[tilespmem:$0x1BE80] =	vst v63  }
0x13: {  	s1 =	simm.s32 $0x200  }
0x14: {  	[tilespmem:s1], [sflag:$0x2] =	stream.linear.gather [hbm4b:s7+s4], $0x180, $0x38;
	[tilespmem:$0x1BE80] =	vst v63  }
0x15: {  	s25 =	simm.s32 $0x200;
	s1 =	simm.s32 $0x0  }
.LBB2_2:
0x16: {  	p0 =	sne.s32 s25, $0x9E00;
	[tilespmem:s1+$0x670] =	vst v0  }
0x17: {  	[tilespmem:s1+$0x600] =	vst v0  }
0x18: {  	[tilespmem:s1+$0x610] =	vst v0  }
.Ltmp0:
0x19: {  	[tilespmem:s1+$0x620] =	vst v0;
	(pc) =	sbr.rel @p0 .LBB2_2-.Ltmp0, $4  }
0x1a: {  	[tilespmem:s1+$0x630] =	vst v0  }
0x1b: {  	[tilespmem:s1+$0x640] =	vst v0  }
0x1c: {  	[tilespmem:s1+$0x650] =	vst v0  }
0x1d: {  	[tilespmem:s1+$0x660] =	vst v0;
	s1 =	sshra.s32 s25, $0x2;
	s25 =	sadd.s32 $0x200, s25  }
0x1e: {  	[tilespmem:s1+$0x670] =	vst v0  }
0x1f: {  	[tilespmem:s1+$0x600] =	vst v0  }
0x20: {  	[tilespmem:s1+$0x610] =	vst v0  }
0x21: {  	[tilespmem:s1+$0x620] =	vst v0  }
0x22: {  	[tilespmem:s1+$0x630] =	vst v0  }
0x23: {  	[tilespmem:s1+$0x640] =	vst v0;
	p0 =	sne.s32 s8, $0x1  }
.Ltmp1:
0x24: {  	[tilespmem:s1+$0x650] =	vst v0;
	(pc) =	sbr.rel @!p0 .LBB2_5-.Ltmp1, $4  }
0x25: {  	[tilespmem:s1+$0x660] =	vst v0  }
0x26: {  	[spmem:s11] =	stream.linear.scatter [tilespmem:s14], [sflag:$0x8], $0x2800, $0x38;
	[tilespmem:$0x1BE80] =	vst v63  }
0x27: {  	_ =	swait.ge [sflag:s15], $0x2800  }
0x28: {  	s1 =	sadd.s32 $0xFFFFFFFF, s8;
	s13 =	smov.u32 s11;
	[sflag:s15] =	ssyncset.done $0x0  }
.LBB2_4:
0x29: {  	p1 =	sne.s32 s1, $0x1;
	[sflag:s15] =	ssyncadd.s32 $0xFFFFD800;
	s13 =	sadd.s32 $0x28000, s13  }
.Ltmp2:
0x2a: {  	s1 =	sadd.s32 $0xFFFFFFFF, s1;
	(pc) =	sbr.rel @p1 .LBB2_4-.Ltmp2, $4  }
0x2b: {  	_ = 	snop  }
0x2c: {  	[spmem:s13] =	stream.linear.scatter [tilespmem:s14], [sflag:$0x8], $0x2800, $0x38;
	[tilespmem:$0x1BE80] =	vst v63  }
0x2d: {  	_ =	swait.ge [sflag:s15], $0x2800  }
0x2e: {  	[sflag:s15] =	ssyncset.done $0x0  }
.LBB2_5:
0x2f: {  	[sflag:s15] =	ssyncadd.s32 $0xFFFFD800  }
0x30: {  	_ =	swait.ge [sflag:s16], $0x180  }
.Ltmp3:
0x31: {  	[sflag:s16] =	ssyncset.done $0x0;
	(pc) =	sbr.rel .LBB2_6-.Ltmp3, $4  }
0x32: {  	s25 =	simm.s32 $0x0;
	[sflag:s16] =	ssyncadd.s32 $0xFFFFFE80  }
0x33: {  	[tilespmem:s14], [sflag:$0x4] =	stream.indirect.gather [hbm4b:s0+s17], $0x80, s25, s17, $0xb8;
	[tilespmem:$0x1BE80] =	vst v63  }
0x34: {  	[bflag:$0x0] =	sbarrier.arrive $0xFFFF  }
0x35: {  	s26 =	simm.s32 $0x0  }
.LBB2_30:
0x36: {  	s26 =	sadd.s32 $0x1, s26  }
0x37: {  	p1 =	sne.s32 s26, $0xE  }
.Ltmp4:
0x38: {  	_ = 	snop;
	(pc) =	sbr.rel @!p1 .LBB2_31-.Ltmp4, $1  }
0x39: {  	_ =	sdelay $0x3  }
.LBB2_6:
0x3a: {  	s28 =	smul.u32 $0x6, s26;
	_ =	sdelay $0x1  }
0x3b: {  	p3 =	sge.u32 s28, s6  }
0x3c: {  	s1 =	simm.s32 @!p3 $0x4  }
0x3d: {  	_ =	swait.ge @!p3 [sflag:s1], $0x4000  }
0x3e: {  	p2 =	seq.s32 s26, $0x0;
	[sflag:s1] =	ssyncset.done @!p3 $0x0  }
0x3f: {  	[sflag:s1] =	ssyncadd.s32 @!p3 $0xFFFFC000;
	s1 =	simm.s32 @!p2 $0x7  }
0x40: {  	s13 =	sadd.s32 $0x2, s28;
	_ =	swait.ge @!p2 [sflag:s1], $0x4000  }
0x41: {  	p1 =	sge.u32 s13, s6;
	[sflag:s1] =	ssyncset.done @!p2 $0x0  }
0x42: {  	p4 =	sge.u32 s28, s10;
	[sflag:s1] =	ssyncadd.s32 @!p2 $0xFFFFC000;
	s1 =	sshll.u32 @!p1 s13, $0xA  }
0x43: {  	s29 =	simm.s32 @!p1 $0x400;
	s13 =	simm.s32 @!p1 $0x0;
	s1 =	sadd.s32 @!p1 s1, s5  }
0x44: {  	[tilespmem:s29], [sflag:$0x3] =	stream.linear.gather @!p1 [hbm4b:s1+s13], $0x180, $0x38;
	[tilespmem:$0x1BE80] =	vst v63  }
0x45: {  	s1 =	simm.s32 @!p4 $0x2  }
.Ltmp5:
0x46: {  	_ =	swait.ge @!p4 [sflag:s1], $0x180;
	(pc) =	sbr.rel @p3 .LBB2_10-.Ltmp5, $4  }
0x47: {  	s30 =	simm.s32 @!p4 $0x4600;
	[sflag:s1] =	ssyncset.done @!p4 $0x0  }
0x48: {  	s13 =	simm.s32 @!p4 $0x200;
	[sflag:s1] =	ssyncadd.s32 @!p4 $0xFFFFFE80;
	s1 =	simm.s32 @!p4 $0x80  }
0x49: {  	[tilespmem:s30], [sflag:$0x5] =	stream.indirect.gather @!p4 [hbm4b:s0+s1], $0x80, s13, s1, $0xb8;
	[tilespmem:$0x1BE80] =	vst v63  }
0x4a: {  	s30 =	simm.s32 $0x700  }
0x4b: {  	v1 =	vmov s25;
	s1 =	simm.s32 $0x2  }
0x4c: {  	v1 =	vand.u32 $0xFFFFFFFC, v1;
	v2 =	vmov s1  }
0x4d: {  	v1 =	vbroadcast v1, $0x0;
	v2 =	vand.u32 $0xFFFFFFFE, v2  }
0x4e: {  	v2 =	vbroadcast v2, $0x0  }
0x4f: {  	v4 =	vld [tilespmem:s30+$0x70]  }
0x50: {  	v5 =	vld [tilespmem:s30+$0xFFFFFF00]  }
0x51: {  	s13 =	simm.s32 $0x1;
	v6 =	vld [tilespmem:s30+$0xFFFFFF10]  }
0x52: {  	v7 =	vld [tilespmem:s30+$0xFFFFFF20];
	v3 =	vmov s13  }
0x53: {  	v3 =	vand.u32 $0xFFFFFFFD, v3;
	v1 =	vld.idx.msk [tilespmem:v1+s18+$0x0], $0xffff  }
0x54: {  	v3 =	vbroadcast v3, $0x0;
	v2 =	vld.idx.msk [tilespmem:v2+s18+$0x0], $0xffff  }
0x55: {  	v8 =	vld [tilespmem:s30+$0xFFFFFF30]  }
0x56: {  	v9 =	vld [tilespmem:s30+$0xFFFFFF40]  }
0x57: {  	v10 =	vld [tilespmem:s30+$0xFFFFFF50]  }
0x58: {  	v11 =	vld [tilespmem:s30+$0xFFFFFF60];
	v5 =	vmul.f32 v1, v5  }
0x59: {  	v13 =	vld [tilespmem:s30+$0x40];
	v4 =	vmul.f32 v2, v4  }
0x5a: {  	v3 =	vld.idx.msk [tilespmem:v3+s18+$0x0], $0xffff;
	[tilespmem:s30+$0xFFFFFF00] =	vst v5;
	v5 =	vmul.f32 v1, v6  }
0x5b: {  	v6 =	vld [tilespmem:s30+$0xFFFFFF70];
	[tilespmem:s30+$0x70] =	vst v4;
	v4 =	vmul.f32 v1, v7  }
0x5c: {  	v7 =	vld [tilespmem:s30+$0xFFFFFF80];
	[tilespmem:s30+$0xFFFFFF10] =	vst v5;
	v5 =	vmul.f32 v1, v8  }
0x5d: {  	v8 =	vld [tilespmem:s30+$0xFFFFFF90];
	[tilespmem:s30+$0xFFFFFF20] =	vst v4;
	v4 =	vmul.f32 v1, v9  }
0x5e: {  	v9 =	vld [tilespmem:s30+$0xFFFFFFA0];
	[tilespmem:s30+$0xFFFFFF30] =	vst v5;
	v5 =	vmul.f32 v1, v10  }
0x5f: {  	v10 =	vld [tilespmem:s30+$0xFFFFFFB0];
	[tilespmem:s30+$0xFFFFFF40] =	vst v4;
	v4 =	vmul.f32 v1, v11  }
0x60: {  	v11 =	vld [tilespmem:s30+$0xFFFFFFC0];
	v6 =	vmul.f32 v1, v6;
	[tilespmem:s30+$0xFFFFFF50] =	vst v5  }
0x61: {  	v5 =	vmul.f32 v3, v7;
	v7 =	vld [tilespmem:s30+$0xFFFFFFD0];
	[tilespmem:s30+$0xFFFFFF60] =	vst v4  }
0x62: {  	s2 =	simm.s32 $0x3;
	v4 =	vld [tilespmem:s30+$0xFFFFFFE0];
	v8 =	vmul.f32 v3, v8;
	[tilespmem:s30+$0xFFFFFF70] =	vst v6  }
0x63: {  	v12 =	vmov s2;
	v6 =	vld [tilespmem:s30+$0xFFFFFFF0];
	[tilespmem:s30+$0xFFFFFF80] =	vst v5;
	v5 =	vmul.f32 v3, v9  }
0x64: {  	v9 =	vld [tilespmem:s30+$0x0];
	[tilespmem:s30+$0xFFFFFF90] =	vst v8;
	v8 =	vmul.f32 v3, v10  }
0x65: {  	v10 =	vld [tilespmem:s30+$0x10];
	[tilespmem:s30+$0xFFFFFFA0] =	vst v5;
	v5 =	vmul.f32 v3, v11  }
0x66: {  	[tilespmem:s30+$0xFFFFFFB0] =	vst v8;
	v7 =	vmul.f32 v3, v7;
	v8 =	vld [tilespmem:s30+$0x20]  }
0x67: {  	v11 =	vld [tilespmem:s30+$0x30];
	[tilespmem:s30+$0xFFFFFFC0] =	vst v5;
	v4 =	vmul.f32 v3, v4  }
0x68: {  	v1 =	vld.idx.msk [tilespmem:v12+s18+$0x0], $0xffff;
	v3 =	vmul.f32 v3, v6;
	[tilespmem:s30+$0xFFFFFFD0] =	vst v7  }
0x69: {  	v5 =	vmul.f32 v2, v9;
	[tilespmem:s30+$0xFFFFFFE0] =	vst v4;
	v4 =	vld [tilespmem:s30+$0x50]  }
0x6a: {  	s13 =	simm.s32 $0x4;
	[tilespmem:s30+$0xFFFFFFF0] =	vst v3;
	v6 =	vmul.f32 v2, v10;
	v3 =	vld [tilespmem:s30+$0x60]  }
0x6b: {  	s2 =	simm.s32 $0x7;
	v7 =	vmov s13;
	[tilespmem:s30+$0x0] =	vst v5;
	v9 =	vmul.f32 v2, v8;
	v8 =	vld [tilespmem:s30+$0x80]  }
0x6c: {  	s13 =	simm.s32 $0x5;
	v12 =	vand.u32 $0xFFFFFFFC, v7;
	v7 =	vld [tilespmem:s30+$0x90];
	v5 =	vmov s2;
	v10 =	vmul.f32 v2, v11;
	[tilespmem:s30+$0x10] =	vst v6  }
0x6d: {  	s31 =	simm.s32 $0x700;
	s1 =	simm.s32 $0x8;
	v11 =	vmul.f32 v2, v13;
	v6 =	vbroadcast v12, $0x0;
	v12 =	vmov s13;
	s13 =	simm.s32 $0x6;
	[tilespmem:s30+$0x20] =	vst v9;
	v9 =	vld [tilespmem:s30+$0xA0]  }
.LBB2_8:
0x6e: {  	p2 =	slt.u32 s1, $0x7C;
	v12 =	vand.u32 $0xFFFFFFFD, v12;
	v13 =	vmov s13;
	[tilespmem:s30+$0x30] =	vst v10;
	v4 =	vmul.f32 v2, v4;
	v10 =	vld [tilespmem:s30+$0xB0]  }
0x6f: {  	v12 =	vbroadcast v12, $0x0;
	v13 =	vand.u32 $0xFFFFFFFE, v13;
	[tilespmem:s30+$0x40] =	vst v11;
	v2 =	vmul.f32 v2, v3;
	v3 =	vld [tilespmem:s30+$0xC0]  }
0x70: {  	v11 =	vbroadcast v13, $0x0;
	[tilespmem:s30+$0x50] =	vst v4;
	v4 =	vmul.f32 v1, v8;
	v8 =	vld [tilespmem:s30+$0xD0]  }
0x71: {  	[tilespmem:s30+$0x60] =	vst v2;
	v2 =	vmul.f32 v1, v7;
	v7 =	vld [tilespmem:s30+$0xE0]  }
0x72: {  	[tilespmem:s30+$0x80] =	vst v4;
	v4 =	vmul.f32 v1, v9;
	v9 =	vld [tilespmem:s30+$0xF0]  }
0x73: {  	v5 =	vld.idx.msk [tilespmem:v5+s18+$0x0], $0xffff;
	[tilespmem:s30+$0x90] =	vst v2;
	v2 =	vmul.f32 v1, v10  }
0x74: {  	v6 =	vld.idx.msk [tilespmem:v6+s18+$0x0], $0xffff;
	[tilespmem:s30+$0xA0] =	vst v4;
	v3 =	vmul.f32 v1, v3  }
0x75: {  	v4 =	vld.idx.msk [tilespmem:v12+s18+$0x0], $0xffff;
	[tilespmem:s30+$0xB0] =	vst v2;
	v8 =	vmul.f32 v1, v8  }
0x76: {  	s30 =	sadd.s32 $0x200, s30;
	v2 =	vld.idx.msk [tilespmem:v11+s18+$0x0], $0xffff;
	[tilespmem:s31+$0xC0] =	vst v3;
	v3 =	vmul.f32 v1, v7  }
0x77: {  	v7 =	vld [tilespmem:s30+$0x70];
	[tilespmem:s31+$0xD0] =	vst v8;
	v9 =	vmul.f32 v1, v9  }
0x78: {  	v8 =	vld [tilespmem:s30+$0xFFFFFF00];
	[tilespmem:s31+$0xE0] =	vst v3  }
0x79: {  	v1 =	vmov v5;
	v3 =	vld [tilespmem:s30+$0xFFFFFF10];
	[tilespmem:s31+$0xF0] =	vst v9;
	s31 =	smov.u32 s30  }
0x7a: {  	v5 =	vld [tilespmem:s30+$0xFFFFFF20]  }
0x7b: {  	v9 =	vld [tilespmem:s30+$0xFFFFFF30]  }
0x7c: {  	v10 =	vld [tilespmem:s30+$0xFFFFFF40];
	v7 =	vmul.f32 v2, v7  }
0x7d: {  	v8 =	vmul.f32 v6, v8;
	v11 =	vld [tilespmem:s30+$0xFFFFFF50]  }
0x7e: {  	v3 =	vmul.f32 v6, v3;
	v12 =	vld [tilespmem:s30+$0xFFFFFF60];
	[tilespmem:s30+$0x70] =	vst v7  }
0x7f: {  	[tilespmem:s30+$0xFFFFFF00] =	vst v8;
	v5 =	vmul.f32 v6, v5;
	v7 =	vld [tilespmem:s30+$0xFFFFFF70]  }
0x80: {  	[tilespmem:s30+$0xFFFFFF10] =	vst v3;
	v3 =	vmul.f32 v6, v9;
	v8 =	vld [tilespmem:s30+$0xFFFFFF80]  }
0x81: {  	[tilespmem:s30+$0xFFFFFF20] =	vst v5;
	v5 =	vmul.f32 v6, v10;
	v9 =	vld [tilespmem:s30+$0xFFFFFF90]  }
0x82: {  	[tilespmem:s30+$0xFFFFFF30] =	vst v3;
	v3 =	vmul.f32 v6, v11;
	v10 =	vld [tilespmem:s30+$0xFFFFFFA0]  }
0x83: {  	[tilespmem:s30+$0xFFFFFF40] =	vst v5;
	v5 =	vmul.f32 v6, v12;
	v11 =	vld [tilespmem:s30+$0xFFFFFFB0]  }
0x84: {  	[tilespmem:s30+$0xFFFFFF50] =	vst v3;
	v3 =	vmul.f32 v6, v7;
	v6 =	vld [tilespmem:s30+$0xFFFFFFC0]  }
0x85: {  	[tilespmem:s30+$0xFFFFFF60] =	vst v5;
	v5 =	vmul.f32 v4, v8;
	v7 =	vld [tilespmem:s30+$0xFFFFFFD0]  }
0x86: {  	[tilespmem:s30+$0xFFFFFF70] =	vst v3;
	v3 =	vmul.f32 v4, v9;
	v8 =	vld [tilespmem:s30+$0xFFFFFFE0]  }
0x87: {  	[tilespmem:s30+$0xFFFFFF80] =	vst v5;
	v5 =	vmul.f32 v4, v10;
	v9 =	vld [tilespmem:s30+$0xFFFFFFF0]  }
0x88: {  	[tilespmem:s30+$0xFFFFFF90] =	vst v3;
	v3 =	vmul.f32 v4, v11;
	v10 =	vld [tilespmem:s30+$0x0]  }
0x89: {  	[tilespmem:s30+$0xFFFFFFA0] =	vst v5;
	v5 =	vmul.f32 v4, v6;
	v6 =	vld [tilespmem:s30+$0x10]  }
0x8a: {  	[tilespmem:s30+$0xFFFFFFB0] =	vst v3;
	v3 =	vmul.f32 v4, v7;
	v7 =	vld [tilespmem:s30+$0x20]  }
0x8b: {  	[tilespmem:s30+$0xFFFFFFC0] =	vst v5;
	v5 =	vmul.f32 v4, v8;
	v11 =	vld [tilespmem:s30+$0x30]  }
0x8c: {  	[tilespmem:s30+$0xFFFFFFD0] =	vst v3;
	v3 =	vmul.f32 v4, v9;
	v9 =	vld [tilespmem:s30+$0x40]  }
.Ltmp6:
0x8d: {  	[tilespmem:s30+$0xFFFFFFE0] =	vst v5;
	v5 =	vmul.f32 v2, v10;
	v4 =	vld [tilespmem:s30+$0x50];
	(pc) =	sbr.rel @p2 .LBB2_8-.Ltmp6, $4  }
0x8e: {  	[tilespmem:s30+$0xFFFFFFF0] =	vst v3;
	v6 =	vmul.f32 v2, v6;
	v3 =	vld [tilespmem:s30+$0x60]  }
0x8f: {  	s13 =	sadd.s32 $0x3, s1;
	v10 =	vmov s1;
	[tilespmem:s30+$0x0] =	vst v5;
	v13 =	vmul.f32 v2, v7;
	v8 =	vld [tilespmem:s30+$0x80]  }
0x90: {  	s2 =	sadd.s32 $0x1, s1;
	v12 =	vand.u32 $0xFFFFFFFC, v10;
	v5 =	vmov s13;
	[tilespmem:s30+$0x10] =	vst v6;
	v10 =	vmul.f32 v2, v11;
	v7 =	vld [tilespmem:s30+$0x90]  }
0x91: {  	s13 =	sadd.s32 $0x2, s1;
	s1 =	sadd.s32 $0x4, s1;
	v6 =	vbroadcast v12, $0x0;
	v12 =	vmov s2;
	[tilespmem:s30+$0x20] =	vst v13;
	v11 =	vmul.f32 v2, v9;
	v9 =	vld [tilespmem:s30+$0xA0]  }
0x92: {  	v13 =	vld [tilespmem:s30+$0xB0]  }
0x93: {  	v15 =	vld [tilespmem:s30+$0xC0]  }
0x94: {  	v16 =	vld [tilespmem:s30+$0xD0]  }
0x95: {  	v17 =	vld [tilespmem:s30+$0xE0]  }
0x96: {  	v29 =	vld [tilespmem:s30+$0xF0];
	[tilespmem:s30+$0x30] =	vst v10;
	v4 =	vmul.f32 v2, v4  }
0x97: {  	v5 =	vld.idx.msk [tilespmem:v5+s18+$0x0], $0xffff;
	[tilespmem:s30+$0x40] =	vst v11;
	v2 =	vmul.f32 v2, v3  }
0x98: {  	s1 =	sadd.s32 $0x200, s30;
	v3 =	vld.idx.msk [tilespmem:v6+s18+$0x0], $0xffff;
	v8 =	vmul.f32 v1, v8;
	[tilespmem:s30+$0x50] =	vst v4  }
0x99: {  	v14 =	vmov s13;
	v34 =	vld [tilespmem:s1+$0x70];
	v30 =	vmul.f32 v1, v7;
	[tilespmem:s30+$0x60] =	vst v2  }
0x9a: {  	v14 =	vand.u32 $0xFFFFFFFE, v14;
	v35 =	vld [tilespmem:s1+$0xFFFFFF00];
	[tilespmem:s30+$0x80] =	vst v8;
	v2 =	vmul.f32 v1, v9  }
0x9b: {  	v37 =	vld [tilespmem:s1+$0xFFFFFF10];
	v14 =	vbroadcast v14, $0x0;
	[tilespmem:s30+$0x90] =	vst v30;
	v33 =	vmul.f32 v1, v13  }
0x9c: {  	v38 =	vld [tilespmem:s1+$0xFFFFFF20];
	[tilespmem:s30+$0xA0] =	vst v2;
	v2 =	vmul.f32 v1, v15  }
0x9d: {  	v12 =	vand.u32 $0xFFFFFFFD, v12;
	v39 =	vld [tilespmem:s1+$0xFFFFFF30];
	v36 =	vmul.f32 v1, v16;
	[tilespmem:s30+$0xB0] =	vst v33  }
0x9e: {  	v12 =	vbroadcast v12, $0x0;
	v41 =	vld [tilespmem:s1+$0xFFFFFF50];
	[tilespmem:s31+$0xC0] =	vst v2;
	v2 =	vmul.f32 v1, v17  }
0x9f: {  	v43 =	vld [tilespmem:s1+$0xFFFFFF60];
	[tilespmem:s31+$0xD0] =	vst v36;
	v1 =	vmul.f32 v1, v29  }
0xa0: {  	v42 =	vmul.f32 v3, v37;
	[tilespmem:s31+$0xE0] =	vst v2;
	v2 =	vld [tilespmem:s1+$0xFFFFFF40]  }
0xa1: {  	v32 =	vld.idx.msk [tilespmem:v14+s18+$0x0], $0xffff;
	[tilespmem:s31+$0xF0] =	vst v1;
	v1 =	vmul.f32 v3, v35  }
0xa2: {  	v44 =	vld [tilespmem:s1+$0xFFFFFF70];
	v4 =	vmul.f32 v3, v39;
	[tilespmem:s1+$0xFFFFFF10] =	vst v42  }
0xa3: {  	v45 =	vld [tilespmem:s1+$0xFFFFFF80];
	[tilespmem:s1+$0xFFFFFF00] =	vst v1;
	v1 =	vmul.f32 v3, v38  }
0xa4: {  	v46 =	vmul.f32 v3, v41;
	v31 =	vld.idx.msk [tilespmem:v12+s18+$0x0], $0xffff;
	[tilespmem:s1+$0xFFFFFF30] =	vst v4  }
0xa5: {  	[tilespmem:s1+$0xFFFFFF20] =	vst v1;
	v1 =	vmul.f32 v3, v2;
	v2 =	vld [tilespmem:s1+$0xFFFFFF90]  }
0xa6: {  	v47 =	vld [tilespmem:s1+$0xFFFFFFA0];
	[tilespmem:s1+$0xFFFFFF50] =	vst v46;
	v40 =	vmul.f32 v32, v34  }
0xa7: {  	v48 =	vld [tilespmem:s1+$0xFFFFFFB0];
	[tilespmem:s1+$0xFFFFFF40] =	vst v1;
	v1 =	vmul.f32 v3, v43  }
0xa8: {  	v49 =	vld [tilespmem:s1+$0xFFFFFFC0];
	[tilespmem:s1+$0x70] =	vst v40;
	v3 =	vmul.f32 v3, v44  }
0xa9: {  	v50 =	vld [tilespmem:s1+$0xFFFFFFD0];
	[tilespmem:s1+$0xFFFFFF60] =	vst v1;
	v1 =	vmul.f32 v31, v45  }
0xaa: {  	[tilespmem:s1+$0xFFFFFF70] =	vst v3;
	v3 =	vld [tilespmem:s1+$0xFFFFFFE0];
	v2 =	vmul.f32 v31, v2  }
0xab: {  	v51 =	vld [tilespmem:s1+$0xFFFFFFF0];
	[tilespmem:s1+$0xFFFFFF80] =	vst v1;
	v1 =	vmul.f32 v31, v47  }
0xac: {  	v52 =	vld [tilespmem:s1+$0x0];
	[tilespmem:s1+$0xFFFFFF90] =	vst v2;
	v2 =	vmul.f32 v31, v48  }
0xad: {  	v53 =	vld [tilespmem:s1+$0x10];
	[tilespmem:s1+$0xFFFFFFA0] =	vst v1;
	v1 =	vmul.f32 v31, v49  }
0xae: {  	v54 =	vld [tilespmem:s1+$0x20];
	[tilespmem:s1+$0xFFFFFFB0] =	vst v2;
	v2 =	vmul.f32 v31, v50  }
0xaf: {  	[tilespmem:s1+$0xFFFFFFC0] =	vst v1;
	v1 =	vmul.f32 v31, v3;
	v3 =	vld [tilespmem:s1+$0x30]  }
0xb0: {  	v55 =	vld [tilespmem:s1+$0x40];
	[tilespmem:s1+$0xFFFFFFD0] =	vst v2;
	v2 =	vmul.f32 v31, v51  }
0xb1: {  	v56 =	vld [tilespmem:s1+$0x50];
	[tilespmem:s1+$0xFFFFFFE0] =	vst v1;
	v1 =	vmul.f32 v32, v52  }
0xb2: {  	v57 =	vld [tilespmem:s1+$0x60];
	[tilespmem:s1+$0xFFFFFFF0] =	vst v2;
	v2 =	vmul.f32 v32, v53  }
0xb3: {  	v58 =	vld [tilespmem:s1+$0x80];
	[tilespmem:s1+$0x0] =	vst v1;
	v1 =	vmul.f32 v32, v54  }
0xb4: {  	[tilespmem:s1+$0x10] =	vst v2;
	v2 =	vmul.f32 v32, v3;
	v3 =	vld [tilespmem:s1+$0x90]  }
0xb5: {  	v59 =	vld [tilespmem:s1+$0xA0];
	[tilespmem:s1+$0x20] =	vst v1;
	v1 =	vmul.f32 v32, v55  }
0xb6: {  	v60 =	vld [tilespmem:s1+$0xB0];
	[tilespmem:s1+$0x30] =	vst v2;
	v2 =	vmul.f32 v32, v56  }
0xb7: {  	v61 =	vld [tilespmem:s1+$0xC0];
	[tilespmem:s1+$0x40] =	vst v1;
	v1 =	vmul.f32 v32, v57  }
0xb8: {  	v62 =	vld [tilespmem:s1+$0xD0];
	[tilespmem:s1+$0x50] =	vst v2;
	v2 =	vmul.f32 v5, v58  }
0xb9: {  	[tilespmem:s1+$0x60] =	vst v1;
	v1 =	vmul.f32 v5, v3;
	v3 =	vld [tilespmem:s1+$0xE0]  }
0xba: {  	v63 =	vld [tilespmem:s1+$0xF0];
	[tilespmem:s1+$0x80] =	vst v2;
	v2 =	vmul.f32 v5, v59  }
0xbb: {  	[tilespmem:s1+$0x90] =	vst v1;
	v1 =	vmul.f32 v5, v60  }
0xbc: {  	[tilespmem:s1+$0xA0] =	vst v2;
	v2 =	vmul.f32 v5, v61  }
0xbd: {  	[tilespmem:s1+$0xB0] =	vst v1;
	v1 =	vmul.f32 v5, v62  }
0xbe: {  	[tilespmem:s1+$0xC0] =	vst v2;
	v2 =	vmul.f32 v5, v3  }
0xbf: {  	[tilespmem:s1+$0xD0] =	vst v1;
	v1 =	vmul.f32 v5, v63  }
0xc0: {  	[tilespmem:s1+$0xE0] =	vst v2  }
0xc1: {  	[tilespmem:s1+$0xF0] =	vst v1  }
0xc2: {  	[spmem:s3] =	stream.indirect.scatter.add.f32 [tilespmem:s14], [sflag:$0x6], $0x80, s17, s17, $0xb8;
	[tilespmem:$0x1BE80] =	vst v63  }
.LBB2_10:
0xc3: {  	s1 =	simm.s32 @!p4 $0x5  }
0xc4: {  	_ =	swait.ge @!p4 [sflag:s1], $0x4000  }
0xc5: {  	[sflag:s1] =	ssyncset.done @!p4 $0x0  }
0xc6: {  	s2 =	sadd.s32 $0x3, s28;
	[sflag:s1] =	ssyncadd.s32 @!p4 $0xFFFFC000;
	s1 =	simm.s32 @!p3 $0x6  }
0xc7: {  	p2 =	sge.u32 s2, s6;
	_ =	swait.ge @!p3 [sflag:s1], $0x4000  }
0xc8: {  	s2 =	sshll.u32 @!p2 s2, $0xA;
	[sflag:s1] =	ssyncset.done @!p3 $0x0  }
0xc9: {  	s30 =	simm.s32 @!p2 $0x0;
	[sflag:s1] =	ssyncadd.s32 @!p3 $0xFFFFC000;
	s1 =	sadd.s32 @!p2 s2, s5  }
0xca: {  	[tilespmem:s30], [sflag:$0x1] =	stream.linear.gather @!p2 [hbm4b:s1+s30], $0x180, $0x38;
	[tilespmem:$0x1BE80] =	vst v63  }
.Ltmp7:
0xcb: {  	s1 =	simm.s32 @!p1 $0x3;
	(pc) =	sbr.rel @p4 .LBB2_14-.Ltmp7, $4  }
0xcc: {  	_ =	swait.ge @!p1 [sflag:s1], $0x180  }
0xcd: {  	[sflag:s1] =	ssyncset.done @!p1 $0x0  }
0xce: {  	s2 =	simm.s32 @!p1 $0x600;
	[sflag:s1] =	ssyncadd.s32 @!p1 $0xFFFFFE80;
	s1 =	simm.s32 @!p1 $0x80  }
0xcf: {  	[tilespmem:s2], [sflag:$0x4] =	stream.indirect.gather @!p1 [hbm4b:s0+s1], $0x80, s29, s1, $0xb8;
	[tilespmem:$0x1BE80] =	vst v63  }
0xd0: {  	s1 =	simm.s32 $0x0  }
0xd1: {  	s13 =	simm.s32 $0x2;
	v1 =	vmov s1  }
0xd2: {  	v2 =	vmov s13;
	v1 =	vand.u32 $0xFFFFFFFC, v1  }
0xd3: {  	v2 =	vand.u32 $0xFFFFFFFE, v2;
	v1 =	vbroadcast v1, $0x0  }
0xd4: {  	s29 =	simm.s32 $0x47F0;
	v2 =	vbroadcast v2, $0x0  }
0xd5: {  	v4 =	vld [tilespmem:s29+$0xFFFFFF80]  }
0xd6: {  	v5 =	vld [tilespmem:s29+$0xFFFFFE10]  }
0xd7: {  	s2 =	simm.s32 $0x1;
	v6 =	vld [tilespmem:s29+$0xFFFFFE20]  }
0xd8: {  	v3 =	vmov s2;
	v7 =	vld [tilespmem:s29+$0xFFFFFE30]  }
0xd9: {  	v3 =	vand.u32 $0xFFFFFFFD, v3;
	v1 =	vld.idx.msk [tilespmem:v1+s19+$0x0], $0xffff  }
0xda: {  	v3 =	vbroadcast v3, $0x0;
	v2 =	vld.idx.msk [tilespmem:v2+s19+$0x0], $0xffff  }
0xdb: {  	v8 =	vld [tilespmem:s29+$0xFFFFFE40]  }
0xdc: {  	v9 =	vld [tilespmem:s29+$0xFFFFFE50]  }
0xdd: {  	v10 =	vld [tilespmem:s29+$0xFFFFFE60]  }
0xde: {  	v11 =	vld [tilespmem:s29+$0xFFFFFE70];
	v5 =	vmul.f32 v1, v5  }
0xdf: {  	v13 =	vld [tilespmem:s29+$0xFFFFFF50];
	v4 =	vmul.f32 v2, v4  }
0xe0: {  	v3 =	vld.idx.msk [tilespmem:v3+s19+$0x0], $0xffff;
	[tilespmem:s29+$0xFFFFFE10] =	vst v5;
	v5 =	vmul.f32 v1, v6  }
0xe1: {  	v6 =	vld [tilespmem:s29+$0xFFFFFE80];
	[tilespmem:s29+$0xFFFFFF80] =	vst v4;
	v4 =	vmul.f32 v1, v7  }
0xe2: {  	v7 =	vld [tilespmem:s29+$0xFFFFFE90];
	[tilespmem:s29+$0xFFFFFE20] =	vst v5;
	v5 =	vmul.f32 v1, v8  }
0xe3: {  	v8 =	vld [tilespmem:s29+$0xFFFFFEA0];
	[tilespmem:s29+$0xFFFFFE30] =	vst v4;
	v4 =	vmul.f32 v1, v9  }
0xe4: {  	v9 =	vld [tilespmem:s29+$0xFFFFFEB0];
	[tilespmem:s29+$0xFFFFFE40] =	vst v5;
	v5 =	vmul.f32 v1, v10  }
0xe5: {  	v10 =	vld [tilespmem:s29+$0xFFFFFEC0];
	[tilespmem:s29+$0xFFFFFE50] =	vst v4;
	v4 =	vmul.f32 v1, v11  }
0xe6: {  	v11 =	vld [tilespmem:s29+$0xFFFFFED0];
	v6 =	vmul.f32 v1, v6;
	[tilespmem:s29+$0xFFFFFE60] =	vst v5  }
0xe7: {  	v5 =	vmul.f32 v3, v7;
	v7 =	vld [tilespmem:s29+$0xFFFFFEE0];
	[tilespmem:s29+$0xFFFFFE70] =	vst v4  }
0xe8: {  	s13 =	simm.s32 $0x3;
	v4 =	vld [tilespmem:s29+$0xFFFFFEF0];
	v8 =	vmul.f32 v3, v8;
	[tilespmem:s29+$0xFFFFFE80] =	vst v6  }
0xe9: {  	v12 =	vmov s13;
	v6 =	vld [tilespmem:s29+$0xFFFFFF00];
	[tilespmem:s29+$0xFFFFFE90] =	vst v5;
	v5 =	vmul.f32 v3, v9  }
0xea: {  	v9 =	vld [tilespmem:s29+$0xFFFFFF10];
	[tilespmem:s29+$0xFFFFFEA0] =	vst v8;
	v8 =	vmul.f32 v3, v10  }
0xeb: {  	v10 =	vld [tilespmem:s29+$0xFFFFFF20];
	[tilespmem:s29+$0xFFFFFEB0] =	vst v5;
	v5 =	vmul.f32 v3, v11  }
0xec: {  	[tilespmem:s29+$0xFFFFFEC0] =	vst v8;
	v7 =	vmul.f32 v3, v7;
	v8 =	vld [tilespmem:s29+$0xFFFFFF30]  }
0xed: {  	v11 =	vld [tilespmem:s29+$0xFFFFFF40];
	v4 =	vmul.f32 v3, v4;
	[tilespmem:s29+$0xFFFFFED0] =	vst v5  }
0xee: {  	v1 =	vld.idx.msk [tilespmem:v12+s19+$0x0], $0xffff;
	v3 =	vmul.f32 v3, v6;
	[tilespmem:s29+$0xFFFFFEE0] =	vst v7  }
0xef: {  	[tilespmem:s29+$0xFFFFFEF0] =	vst v4;
	v5 =	vmul.f32 v2, v9;
	v4 =	vld [tilespmem:s29+$0xFFFFFF60]  }
0xf0: {  	s2 =	simm.s32 $0x4;
	[tilespmem:s29+$0xFFFFFF00] =	vst v3;
	v6 =	vmul.f32 v2, v10;
	v3 =	vld [tilespmem:s29+$0xFFFFFF70]  }
0xf1: {  	s13 =	simm.s32 $0x7;
	v7 =	vmov s2;
	[tilespmem:s29+$0xFFFFFF10] =	vst v5;
	v9 =	vmul.f32 v2, v8;
	v8 =	vld [tilespmem:s29+$0xFFFFFF90]  }
0xf2: {  	s2 =	simm.s32 $0x5;
	v12 =	vand.u32 $0xFFFFFFFC, v7;
	v7 =	vld [tilespmem:s29+$0xFFFFFFA0];
	v5 =	vmov s13;
	v10 =	vmul.f32 v2, v11;
	[tilespmem:s29+$0xFFFFFF20] =	vst v6  }
0xf3: {  	s31 =	simm.s32 $0x47F0;
	s1 =	simm.s32 $0x8;
	s13 =	simm.s32 $0x6;
	v11 =	vmul.f32 v2, v13;
	v6 =	vbroadcast v12, $0x0;
	v12 =	vmov s2;
	[tilespmem:s29+$0xFFFFFF30] =	vst v9;
	v9 =	vld [tilespmem:s29+$0xFFFFFFB0]  }
.LBB2_12:
0xf4: {  	p3 =	slt.u32 s1, $0x7C;
	v12 =	vand.u32 $0xFFFFFFFD, v12;
	v13 =	vmov s13;
	[tilespmem:s29+$0xFFFFFF40] =	vst v10;
	v4 =	vmul.f32 v2, v4;
	v10 =	vld [tilespmem:s29+$0xFFFFFFC0]  }
0xf5: {  	v12 =	vbroadcast v12, $0x0;
	v13 =	vand.u32 $0xFFFFFFFE, v13;
	[tilespmem:s29+$0xFFFFFF50] =	vst v11;
	v2 =	vmul.f32 v2, v3;
	v3 =	vld [tilespmem:s29+$0xFFFFFFD0]  }
0xf6: {  	v11 =	vbroadcast v13, $0x0;
	[tilespmem:s29+$0xFFFFFF60] =	vst v4;
	v4 =	vmul.f32 v1, v8;
	v8 =	vld [tilespmem:s29+$0xFFFFFFE0]  }
0xf7: {  	[tilespmem:s29+$0xFFFFFF70] =	vst v2;
	v2 =	vmul.f32 v1, v7;
	v7 =	vld [tilespmem:s29+$0xFFFFFFF0]  }
0xf8: {  	[tilespmem:s29+$0xFFFFFF90] =	vst v4;
	v4 =	vmul.f32 v1, v9;
	v9 =	vld [tilespmem:s29+$0x0]  }
0xf9: {  	v5 =	vld.idx.msk [tilespmem:v5+s19+$0x0], $0xffff;
	[tilespmem:s29+$0xFFFFFFA0] =	vst v2;
	v2 =	vmul.f32 v1, v10  }
0xfa: {  	v6 =	vld.idx.msk [tilespmem:v6+s19+$0x0], $0xffff;
	[tilespmem:s29+$0xFFFFFFB0] =	vst v4;
	v3 =	vmul.f32 v1, v3  }
0xfb: {  	v4 =	vld.idx.msk [tilespmem:v12+s19+$0x0], $0xffff;
	[tilespmem:s29+$0xFFFFFFC0] =	vst v2;
	v8 =	vmul.f32 v1, v8  }
0xfc: {  	s29 =	sadd.s32 $0x200, s29;
	v2 =	vld.idx.msk [tilespmem:v11+s19+$0x0], $0xffff;
	[tilespmem:s31+$0xFFFFFFD0] =	vst v3;
	v3 =	vmul.f32 v1, v7  }
0xfd: {  	v7 =	vld [tilespmem:s29+$0xFFFFFF80];
	[tilespmem:s31+$0xFFFFFFE0] =	vst v8;
	v9 =	vmul.f32 v1, v9  }
0xfe: {  	v8 =	vld [tilespmem:s29+$0xFFFFFE10];
	[tilespmem:s31+$0xFFFFFFF0] =	vst v3  }
0xff: {  	v1 =	vmov v5;
	v3 =	vld [tilespmem:s29+$0xFFFFFE20];
	[tilespmem:s31+$0x0] =	vst v9;
	s31 =	smov.u32 s29  }
0x100: {  	v5 =	vld [tilespmem:s29+$0xFFFFFE30]  }
0x101: {  	v9 =	vld [tilespmem:s29+$0xFFFFFE40]  }
0x102: {  	v10 =	vld [tilespmem:s29+$0xFFFFFE50];
	v7 =	vmul.f32 v2, v7  }
0x103: {  	v8 =	vmul.f32 v6, v8;
	v11 =	vld [tilespmem:s29+$0xFFFFFE60]  }
0x104: {  	v3 =	vmul.f32 v6, v3;
	v12 =	vld [tilespmem:s29+$0xFFFFFE70];
	[tilespmem:s29+$0xFFFFFF80] =	vst v7  }
0x105: {  	[tilespmem:s29+$0xFFFFFE10] =	vst v8;
	v5 =	vmul.f32 v6, v5;
	v7 =	vld [tilespmem:s29+$0xFFFFFE80]  }
0x106: {  	[tilespmem:s29+$0xFFFFFE20] =	vst v3;
	v3 =	vmul.f32 v6, v9;
	v8 =	vld [tilespmem:s29+$0xFFFFFE90]  }
0x107: {  	[tilespmem:s29+$0xFFFFFE30] =	vst v5;
	v5 =	vmul.f32 v6, v10;
	v9 =	vld [tilespmem:s29+$0xFFFFFEA0]  }
0x108: {  	[tilespmem:s29+$0xFFFFFE40] =	vst v3;
	v3 =	vmul.f32 v6, v11;
	v10 =	vld [tilespmem:s29+$0xFFFFFEB0]  }
0x109: {  	[tilespmem:s29+$0xFFFFFE50] =	vst v5;
	v5 =	vmul.f32 v6, v12;
	v11 =	vld [tilespmem:s29+$0xFFFFFEC0]  }
0x10a: {  	[tilespmem:s29+$0xFFFFFE60] =	vst v3;
	v3 =	vmul.f32 v6, v7;
	v6 =	vld [tilespmem:s29+$0xFFFFFED0]  }
0x10b: {  	[tilespmem:s29+$0xFFFFFE70] =	vst v5;
	v5 =	vmul.f32 v4, v8;
	v7 =	vld [tilespmem:s29+$0xFFFFFEE0]  }
0x10c: {  	[tilespmem:s29+$0xFFFFFE80] =	vst v3;
	v3 =	vmul.f32 v4, v9;
	v8 =	vld [tilespmem:s29+$0xFFFFFEF0]  }
0x10d: {  	[tilespmem:s29+$0xFFFFFE90] =	vst v5;
	v5 =	vmul.f32 v4, v10;
	v9 =	vld [tilespmem:s29+$0xFFFFFF00]  }
0x10e: {  	[tilespmem:s29+$0xFFFFFEA0] =	vst v3;
	v3 =	vmul.f32 v4, v11;
	v10 =	vld [tilespmem:s29+$0xFFFFFF10]  }
0x10f: {  	[tilespmem:s29+$0xFFFFFEB0] =	vst v5;
	v5 =	vmul.f32 v4, v6;
	v6 =	vld [tilespmem:s29+$0xFFFFFF20]  }
0x110: {  	[tilespmem:s29+$0xFFFFFEC0] =	vst v3;
	v3 =	vmul.f32 v4, v7;
	v7 =	vld [tilespmem:s29+$0xFFFFFF30]  }
0x111: {  	[tilespmem:s29+$0xFFFFFED0] =	vst v5;
	v5 =	vmul.f32 v4, v8;
	v11 =	vld [tilespmem:s29+$0xFFFFFF40]  }
0x112: {  	[tilespmem:s29+$0xFFFFFEE0] =	vst v3;
	v3 =	vmul.f32 v4, v9;
	v9 =	vld [tilespmem:s29+$0xFFFFFF50]  }
.Ltmp8:
0x113: {  	[tilespmem:s29+$0xFFFFFEF0] =	vst v5;
	v5 =	vmul.f32 v2, v10;
	v4 =	vld [tilespmem:s29+$0xFFFFFF60];
	(pc) =	sbr.rel @p3 .LBB2_12-.Ltmp8, $4  }
0x114: {  	[tilespmem:s29+$0xFFFFFF00] =	vst v3;
	v6 =	vmul.f32 v2, v6;
	v3 =	vld [tilespmem:s29+$0xFFFFFF70]  }
0x115: {  	s2 =	sadd.s32 $0x3, s1;
	v10 =	vmov s1;
	[tilespmem:s29+$0xFFFFFF10] =	vst v5;
	v13 =	vmul.f32 v2, v7;
	v8 =	vld [tilespmem:s29+$0xFFFFFF90]  }
0x116: {  	s13 =	sadd.s32 $0x1, s1;
	v12 =	vand.u32 $0xFFFFFFFC, v10;
	v5 =	vmov s2;
	[tilespmem:s29+$0xFFFFFF20] =	vst v6;
	v10 =	vmul.f32 v2, v11;
	v7 =	vld [tilespmem:s29+$0xFFFFFFA0]  }
0x117: {  	v6 =	vbroadcast v12, $0x0;
	v12 =	vmov s13;
	s13 =	sadd.s32 $0x2, s1;
	s1 =	sadd.s32 $0x4, s1;
	[tilespmem:s29+$0xFFFFFF30] =	vst v13;
	v11 =	vmul.f32 v2, v9;
	v9 =	vld [tilespmem:s29+$0xFFFFFFB0]  }
0x118: {  	v13 =	vld [tilespmem:s29+$0xFFFFFFC0]  }
0x119: {  	v15 =	vld [tilespmem:s29+$0xFFFFFFD0]  }
0x11a: {  	v16 =	vld [tilespmem:s29+$0xFFFFFFE0]  }
0x11b: {  	v17 =	vld [tilespmem:s29+$0xFFFFFFF0]  }
0x11c: {  	v29 =	vld [tilespmem:s29+$0x0];
	[tilespmem:s29+$0xFFFFFF40] =	vst v10;
	v4 =	vmul.f32 v2, v4  }
0x11d: {  	v5 =	vld.idx.msk [tilespmem:v5+s19+$0x0], $0xffff;
	[tilespmem:s29+$0xFFFFFF50] =	vst v11;
	v2 =	vmul.f32 v2, v3  }
0x11e: {  	s1 =	sadd.s32 $0x200, s29;
	v3 =	vld.idx.msk [tilespmem:v6+s19+$0x0], $0xffff;
	v8 =	vmul.f32 v1, v8;
	[tilespmem:s29+$0xFFFFFF60] =	vst v4  }
0x11f: {  	v14 =	vmov s13;
	v34 =	vld [tilespmem:s1+$0xFFFFFF80];
	v30 =	vmul.f32 v1, v7;
	[tilespmem:s29+$0xFFFFFF70] =	vst v2  }
0x120: {  	v14 =	vand.u32 $0xFFFFFFFE, v14;
	v35 =	vld [tilespmem:s1+$0xFFFFFE10];
	[tilespmem:s29+$0xFFFFFF90] =	vst v8;
	v2 =	vmul.f32 v1, v9  }
0x121: {  	v37 =	vld [tilespmem:s1+$0xFFFFFE20];
	v14 =	vbroadcast v14, $0x0;
	[tilespmem:s29+$0xFFFFFFA0] =	vst v30;
	v33 =	vmul.f32 v1, v13  }
0x122: {  	v38 =	vld [tilespmem:s1+$0xFFFFFE30];
	[tilespmem:s29+$0xFFFFFFB0] =	vst v2;
	v2 =	vmul.f32 v1, v15  }
0x123: {  	v12 =	vand.u32 $0xFFFFFFFD, v12;
	v39 =	vld [tilespmem:s1+$0xFFFFFE40];
	v36 =	vmul.f32 v1, v16;
	[tilespmem:s29+$0xFFFFFFC0] =	vst v33  }
0x124: {  	v12 =	vbroadcast v12, $0x0;
	v41 =	vld [tilespmem:s1+$0xFFFFFE60];
	[tilespmem:s31+$0xFFFFFFD0] =	vst v2;
	v2 =	vmul.f32 v1, v17  }
0x125: {  	v43 =	vld [tilespmem:s1+$0xFFFFFE70];
	[tilespmem:s31+$0xFFFFFFE0] =	vst v36;
	v1 =	vmul.f32 v1, v29  }
0x126: {  	v42 =	vmul.f32 v3, v37;
	[tilespmem:s31+$0xFFFFFFF0] =	vst v2;
	v2 =	vld [tilespmem:s1+$0xFFFFFE50]  }
0x127: {  	v32 =	vld.idx.msk [tilespmem:v14+s19+$0x0], $0xffff;
	[tilespmem:s31+$0x0] =	vst v1;
	v1 =	vmul.f32 v3, v35  }
0x128: {  	v44 =	vld [tilespmem:s1+$0xFFFFFE80];
	v4 =	vmul.f32 v3, v39;
	[tilespmem:s1+$0xFFFFFE20] =	vst v42  }
0x129: {  	v45 =	vld [tilespmem:s1+$0xFFFFFE90];
	[tilespmem:s1+$0xFFFFFE10] =	vst v1;
	v1 =	vmul.f32 v3, v38  }
0x12a: {  	v46 =	vmul.f32 v3, v41;
	v31 =	vld.idx.msk [tilespmem:v12+s19+$0x0], $0xffff;
	[tilespmem:s1+$0xFFFFFE40] =	vst v4  }
0x12b: {  	[tilespmem:s1+$0xFFFFFE30] =	vst v1;
	v1 =	vmul.f32 v3, v2;
	v2 =	vld [tilespmem:s1+$0xFFFFFEA0]  }
0x12c: {  	v47 =	vld [tilespmem:s1+$0xFFFFFEB0];
	[tilespmem:s1+$0xFFFFFE60] =	vst v46;
	v40 =	vmul.f32 v32, v34  }
0x12d: {  	v48 =	vld [tilespmem:s1+$0xFFFFFEC0];
	[tilespmem:s1+$0xFFFFFE50] =	vst v1;
	v1 =	vmul.f32 v3, v43  }
0x12e: {  	v49 =	vld [tilespmem:s1+$0xFFFFFED0];
	[tilespmem:s1+$0xFFFFFF80] =	vst v40;
	v3 =	vmul.f32 v3, v44  }
0x12f: {  	v50 =	vld [tilespmem:s1+$0xFFFFFEE0];
	[tilespmem:s1+$0xFFFFFE70] =	vst v1;
	v1 =	vmul.f32 v31, v45  }
0x130: {  	[tilespmem:s1+$0xFFFFFE80] =	vst v3;
	v3 =	vld [tilespmem:s1+$0xFFFFFEF0];
	v2 =	vmul.f32 v31, v2  }
0x131: {  	v51 =	vld [tilespmem:s1+$0xFFFFFF00];
	[tilespmem:s1+$0xFFFFFE90] =	vst v1;
	v1 =	vmul.f32 v31, v47  }
0x132: {  	v52 =	vld [tilespmem:s1+$0xFFFFFF10];
	[tilespmem:s1+$0xFFFFFEA0] =	vst v2;
	v2 =	vmul.f32 v31, v48  }
0x133: {  	v53 =	vld [tilespmem:s1+$0xFFFFFF20];
	[tilespmem:s1+$0xFFFFFEB0] =	vst v1;
	v1 =	vmul.f32 v31, v49  }
0x134: {  	v54 =	vld [tilespmem:s1+$0xFFFFFF30];
	[tilespmem:s1+$0xFFFFFEC0] =	vst v2;
	v2 =	vmul.f32 v31, v50  }
0x135: {  	[tilespmem:s1+$0xFFFFFED0] =	vst v1;
	v1 =	vmul.f32 v31, v3;
	v3 =	vld [tilespmem:s1+$0xFFFFFF40]  }
0x136: {  	v55 =	vld [tilespmem:s1+$0xFFFFFF50];
	[tilespmem:s1+$0xFFFFFEE0] =	vst v2;
	v2 =	vmul.f32 v31, v51  }
0x137: {  	v56 =	vld [tilespmem:s1+$0xFFFFFF60];
	[tilespmem:s1+$0xFFFFFEF0] =	vst v1;
	v1 =	vmul.f32 v32, v52  }
0x138: {  	v57 =	vld [tilespmem:s1+$0xFFFFFF70];
	[tilespmem:s1+$0xFFFFFF00] =	vst v2;
	v2 =	vmul.f32 v32, v53  }
0x139: {  	v58 =	vld [tilespmem:s1+$0xFFFFFF90];
	[tilespmem:s1+$0xFFFFFF10] =	vst v1;
	v1 =	vmul.f32 v32, v54  }
0x13a: {  	[tilespmem:s1+$0xFFFFFF20] =	vst v2;
	v2 =	vmul.f32 v32, v3;
	v3 =	vld [tilespmem:s1+$0xFFFFFFA0]  }
0x13b: {  	v59 =	vld [tilespmem:s1+$0xFFFFFFB0];
	[tilespmem:s1+$0xFFFFFF30] =	vst v1;
	v1 =	vmul.f32 v32, v55  }
0x13c: {  	v60 =	vld [tilespmem:s1+$0xFFFFFFC0];
	[tilespmem:s1+$0xFFFFFF40] =	vst v2;
	v2 =	vmul.f32 v32, v56  }
0x13d: {  	v61 =	vld [tilespmem:s1+$0xFFFFFFD0];
	[tilespmem:s1+$0xFFFFFF50] =	vst v1;
	v1 =	vmul.f32 v32, v57  }
0x13e: {  	v62 =	vld [tilespmem:s1+$0xFFFFFFE0];
	[tilespmem:s1+$0xFFFFFF60] =	vst v2;
	v2 =	vmul.f32 v5, v58  }
0x13f: {  	[tilespmem:s1+$0xFFFFFF70] =	vst v1;
	v1 =	vmul.f32 v5, v3;
	v3 =	vld [tilespmem:s1+$0xFFFFFFF0]  }
0x140: {  	v63 =	vld [tilespmem:s1+$0x0];
	[tilespmem:s1+$0xFFFFFF90] =	vst v2;
	v2 =	vmul.f32 v5, v59  }
0x141: {  	[tilespmem:s1+$0xFFFFFFA0] =	vst v1;
	v1 =	vmul.f32 v5, v60  }
0x142: {  	[tilespmem:s1+$0xFFFFFFB0] =	vst v2;
	v2 =	vmul.f32 v5, v61  }
0x143: {  	[tilespmem:s1+$0xFFFFFFC0] =	vst v1;
	v1 =	vmul.f32 v5, v62  }
0x144: {  	[tilespmem:s1+$0xFFFFFFD0] =	vst v2;
	v2 =	vmul.f32 v5, v3  }
0x145: {  	[tilespmem:s1+$0xFFFFFFE0] =	vst v1;
	v1 =	vmul.f32 v5, v63  }
0x146: {  	[tilespmem:s1+$0xFFFFFFF0] =	vst v2  }
0x147: {  	[tilespmem:s1+$0x0] =	vst v1  }
0x148: {  	[spmem:s3] =	stream.indirect.scatter.add.f32 [tilespmem:s21], [sflag:$0x7], $0x80, s20, s17, $0xb8;
	[tilespmem:$0x1BE80] =	vst v63  }
.LBB2_14:
0x149: {  	s1 =	simm.s32 @!p1 $0x4  }
0x14a: {  	_ =	swait.ge @!p1 [sflag:s1], $0x4000  }
0x14b: {  	[sflag:s1] =	ssyncset.done @!p1 $0x0  }
0x14c: {  	[sflag:s1] =	ssyncadd.s32 @!p1 $0xFFFFC000;
	s1 =	simm.s32 @!p4 $0x7  }
0x14d: {  	s2 =	sadd.s32 $0x4, s28;
	_ =	swait.ge @!p4 [sflag:s1], $0x4000  }
0x14e: {  	p3 =	sge.u32 s2, s6;
	[sflag:s1] =	ssyncset.done @!p4 $0x0  }
0x14f: {  	[sflag:s1] =	ssyncadd.s32 @!p4 $0xFFFFC000;
	s1 =	sshll.u32 @!p3 s2, $0xA  }
0x150: {  	s29 =	simm.s32 @!p3 $0x200;
	s2 =	simm.s32 @!p3 $0x0;
	s1 =	sadd.s32 @!p3 s1, s5  }
0x151: {  	[tilespmem:s29], [sflag:$0x2] =	stream.linear.gather @!p3 [hbm4b:s1+s2], $0x180, $0x38;
	[tilespmem:$0x1BE80] =	vst v63  }
.Ltmp9:
0x152: {  	s1 =	simm.s32 @!p2 $0x1;
	(pc) =	sbr.rel @p1 .LBB2_18-.Ltmp9, $4  }
0x153: {  	_ =	swait.ge @!p2 [sflag:s1], $0x180  }
0x154: {  	[sflag:s1] =	ssyncset.done @!p2 $0x0  }
0x155: {  	s2 =	simm.s32 @!p2 $0x4600;
	[sflag:s1] =	ssyncadd.s32 @!p2 $0xFFFFFE80;
	s1 =	simm.s32 @!p2 $0x80  }
0x156: {  	[tilespmem:s2], [sflag:$0x5] =	stream.indirect.gather @!p2 [hbm4b:s0+s1], $0x80, s30, s1, $0xb8;
	[tilespmem:$0x1BE80] =	vst v63  }
0x157: {  	s1 =	simm.s32 $0x0  }
0x158: {  	s13 =	simm.s32 $0x2;
	v1 =	vmov s1  }
0x159: {  	v2 =	vmov s13;
	v1 =	vand.u32 $0xFFFFFFFC, v1  }
0x15a: {  	v2 =	vand.u32 $0xFFFFFFFE, v2;
	v1 =	vbroadcast v1, $0x0  }
0x15b: {  	s30 =	simm.s32 $0x700;
	v2 =	vbroadcast v2, $0x0  }
0x15c: {  	v4 =	vld [tilespmem:s30+$0x70]  }
0x15d: {  	v5 =	vld [tilespmem:s30+$0xFFFFFF00]  }
0x15e: {  	s2 =	simm.s32 $0x1;
	v6 =	vld [tilespmem:s30+$0xFFFFFF10]  }
0x15f: {  	v3 =	vmov s2;
	v7 =	vld [tilespmem:s30+$0xFFFFFF20]  }
0x160: {  	v3 =	vand.u32 $0xFFFFFFFD, v3;
	v1 =	vld.idx.msk [tilespmem:v1+s22+$0x0], $0xffff  }
0x161: {  	v3 =	vbroadcast v3, $0x0;
	v2 =	vld.idx.msk [tilespmem:v2+s22+$0x0], $0xffff  }
0x162: {  	v8 =	vld [tilespmem:s30+$0xFFFFFF30]  }
0x163: {  	v9 =	vld [tilespmem:s30+$0xFFFFFF40]  }
0x164: {  	v10 =	vld [tilespmem:s30+$0xFFFFFF50]  }
0x165: {  	v11 =	vld [tilespmem:s30+$0xFFFFFF60];
	v5 =	vmul.f32 v1, v5  }
0x166: {  	v13 =	vld [tilespmem:s30+$0x40];
	v4 =	vmul.f32 v2, v4  }
0x167: {  	v3 =	vld.idx.msk [tilespmem:v3+s22+$0x0], $0xffff;
	[tilespmem:s30+$0xFFFFFF00] =	vst v5;
	v5 =	vmul.f32 v1, v6  }
0x168: {  	v6 =	vld [tilespmem:s30+$0xFFFFFF70];
	[tilespmem:s30+$0x70] =	vst v4;
	v4 =	vmul.f32 v1, v7  }
0x169: {  	v7 =	vld [tilespmem:s30+$0xFFFFFF80];
	[tilespmem:s30+$0xFFFFFF10] =	vst v5;
	v5 =	vmul.f32 v1, v8  }
0x16a: {  	v8 =	vld [tilespmem:s30+$0xFFFFFF90];
	[tilespmem:s30+$0xFFFFFF20] =	vst v4;
	v4 =	vmul.f32 v1, v9  }
0x16b: {  	v9 =	vld [tilespmem:s30+$0xFFFFFFA0];
	[tilespmem:s30+$0xFFFFFF30] =	vst v5;
	v5 =	vmul.f32 v1, v10  }
0x16c: {  	v10 =	vld [tilespmem:s30+$0xFFFFFFB0];
	[tilespmem:s30+$0xFFFFFF40] =	vst v4;
	v4 =	vmul.f32 v1, v11  }
0x16d: {  	v11 =	vld [tilespmem:s30+$0xFFFFFFC0];
	v6 =	vmul.f32 v1, v6;
	[tilespmem:s30+$0xFFFFFF50] =	vst v5  }
0x16e: {  	v5 =	vmul.f32 v3, v7;
	v7 =	vld [tilespmem:s30+$0xFFFFFFD0];
	[tilespmem:s30+$0xFFFFFF60] =	vst v4  }
0x16f: {  	s13 =	simm.s32 $0x3;
	v4 =	vld [tilespmem:s30+$0xFFFFFFE0];
	v8 =	vmul.f32 v3, v8;
	[tilespmem:s30+$0xFFFFFF70] =	vst v6  }
0x170: {  	v12 =	vmov s13;
	v6 =	vld [tilespmem:s30+$0xFFFFFFF0];
	[tilespmem:s30+$0xFFFFFF80] =	vst v5;
	v5 =	vmul.f32 v3, v9  }
0x171: {  	v9 =	vld [tilespmem:s30+$0x0];
	[tilespmem:s30+$0xFFFFFF90] =	vst v8;
	v8 =	vmul.f32 v3, v10  }
0x172: {  	v10 =	vld [tilespmem:s30+$0x10];
	[tilespmem:s30+$0xFFFFFFA0] =	vst v5;
	v5 =	vmul.f32 v3, v11  }
0x173: {  	[tilespmem:s30+$0xFFFFFFB0] =	vst v8;
	v7 =	vmul.f32 v3, v7;
	v8 =	vld [tilespmem:s30+$0x20]  }
0x174: {  	v11 =	vld [tilespmem:s30+$0x30];
	v4 =	vmul.f32 v3, v4;
	[tilespmem:s30+$0xFFFFFFC0] =	vst v5  }
0x175: {  	v1 =	vld.idx.msk [tilespmem:v12+s22+$0x0], $0xffff;
	v3 =	vmul.f32 v3, v6;
	[tilespmem:s30+$0xFFFFFFD0] =	vst v7  }
0x176: {  	[tilespmem:s30+$0xFFFFFFE0] =	vst v4;
	v5 =	vmul.f32 v2, v9;
	v4 =	vld [tilespmem:s30+$0x50]  }
0x177: {  	s2 =	simm.s32 $0x4;
	[tilespmem:s30+$0xFFFFFFF0] =	vst v3;
	v6 =	vmul.f32 v2, v10;
	v3 =	vld [tilespmem:s30+$0x60]  }
0x178: {  	s13 =	simm.s32 $0x7;
	v7 =	vmov s2;
	[tilespmem:s30+$0x0] =	vst v5;
	v9 =	vmul.f32 v2, v8;
	v8 =	vld [tilespmem:s30+$0x80]  }
0x179: {  	s2 =	simm.s32 $0x5;
	v12 =	vand.u32 $0xFFFFFFFC, v7;
	v7 =	vld [tilespmem:s30+$0x90];
	v5 =	vmov s13;
	v10 =	vmul.f32 v2, v11;
	[tilespmem:s30+$0x10] =	vst v6  }
0x17a: {  	s31 =	simm.s32 $0x700;
	s1 =	simm.s32 $0x8;
	s13 =	simm.s32 $0x6;
	v11 =	vmul.f32 v2, v13;
	v6 =	vbroadcast v12, $0x0;
	v12 =	vmov s2;
	[tilespmem:s30+$0x20] =	vst v9;
	v9 =	vld [tilespmem:s30+$0xA0]  }
.LBB2_16:
0x17b: {  	p4 =	slt.u32 s1, $0x7C;
	v12 =	vand.u32 $0xFFFFFFFD, v12;
	v13 =	vmov s13;
	[tilespmem:s30+$0x30] =	vst v10;
	v4 =	vmul.f32 v2, v4;
	v10 =	vld [tilespmem:s30+$0xB0]  }
0x17c: {  	v12 =	vbroadcast v12, $0x0;
	v13 =	vand.u32 $0xFFFFFFFE, v13;
	[tilespmem:s30+$0x40] =	vst v11;
	v2 =	vmul.f32 v2, v3;
	v3 =	vld [tilespmem:s30+$0xC0]  }
0x17d: {  	v11 =	vbroadcast v13, $0x0;
	[tilespmem:s30+$0x50] =	vst v4;
	v4 =	vmul.f32 v1, v8;
	v8 =	vld [tilespmem:s30+$0xD0]  }
0x17e: {  	[tilespmem:s30+$0x60] =	vst v2;
	v2 =	vmul.f32 v1, v7;
	v7 =	vld [tilespmem:s30+$0xE0]  }
0x17f: {  	[tilespmem:s30+$0x80] =	vst v4;
	v4 =	vmul.f32 v1, v9;
	v9 =	vld [tilespmem:s30+$0xF0]  }
0x180: {  	v5 =	vld.idx.msk [tilespmem:v5+s22+$0x0], $0xffff;
	[tilespmem:s30+$0x90] =	vst v2;
	v2 =	vmul.f32 v1, v10  }
0x181: {  	v6 =	vld.idx.msk [tilespmem:v6+s22+$0x0], $0xffff;
	[tilespmem:s30+$0xA0] =	vst v4;
	v3 =	vmul.f32 v1, v3  }
0x182: {  	v4 =	vld.idx.msk [tilespmem:v12+s22+$0x0], $0xffff;
	[tilespmem:s30+$0xB0] =	vst v2;
	v8 =	vmul.f32 v1, v8  }
0x183: {  	s30 =	sadd.s32 $0x200, s30;
	v2 =	vld.idx.msk [tilespmem:v11+s22+$0x0], $0xffff;
	[tilespmem:s31+$0xC0] =	vst v3;
	v3 =	vmul.f32 v1, v7  }
0x184: {  	v7 =	vld [tilespmem:s30+$0x70];
	[tilespmem:s31+$0xD0] =	vst v8;
	v9 =	vmul.f32 v1, v9  }
0x185: {  	v8 =	vld [tilespmem:s30+$0xFFFFFF00];
	[tilespmem:s31+$0xE0] =	vst v3  }
0x186: {  	v1 =	vmov v5;
	v3 =	vld [tilespmem:s30+$0xFFFFFF10];
	[tilespmem:s31+$0xF0] =	vst v9;
	s31 =	smov.u32 s30  }
0x187: {  	v5 =	vld [tilespmem:s30+$0xFFFFFF20]  }
0x188: {  	v9 =	vld [tilespmem:s30+$0xFFFFFF30]  }
0x189: {  	v10 =	vld [tilespmem:s30+$0xFFFFFF40];
	v7 =	vmul.f32 v2, v7  }
0x18a: {  	v8 =	vmul.f32 v6, v8;
	v11 =	vld [tilespmem:s30+$0xFFFFFF50]  }
0x18b: {  	v3 =	vmul.f32 v6, v3;
	v12 =	vld [tilespmem:s30+$0xFFFFFF60];
	[tilespmem:s30+$0x70] =	vst v7  }
0x18c: {  	[tilespmem:s30+$0xFFFFFF00] =	vst v8;
	v5 =	vmul.f32 v6, v5;
	v7 =	vld [tilespmem:s30+$0xFFFFFF70]  }
0x18d: {  	[tilespmem:s30+$0xFFFFFF10] =	vst v3;
	v3 =	vmul.f32 v6, v9;
	v8 =	vld [tilespmem:s30+$0xFFFFFF80]  }
0x18e: {  	[tilespmem:s30+$0xFFFFFF20] =	vst v5;
	v5 =	vmul.f32 v6, v10;
	v9 =	vld [tilespmem:s30+$0xFFFFFF90]  }
0x18f: {  	[tilespmem:s30+$0xFFFFFF30] =	vst v3;
	v3 =	vmul.f32 v6, v11;
	v10 =	vld [tilespmem:s30+$0xFFFFFFA0]  }
0x190: {  	[tilespmem:s30+$0xFFFFFF40] =	vst v5;
	v5 =	vmul.f32 v6, v12;
	v11 =	vld [tilespmem:s30+$0xFFFFFFB0]  }
0x191: {  	[tilespmem:s30+$0xFFFFFF50] =	vst v3;
	v3 =	vmul.f32 v6, v7;
	v6 =	vld [tilespmem:s30+$0xFFFFFFC0]  }
0x192: {  	[tilespmem:s30+$0xFFFFFF60] =	vst v5;
	v5 =	vmul.f32 v4, v8;
	v7 =	vld [tilespmem:s30+$0xFFFFFFD0]  }
0x193: {  	[tilespmem:s30+$0xFFFFFF70] =	vst v3;
	v3 =	vmul.f32 v4, v9;
	v8 =	vld [tilespmem:s30+$0xFFFFFFE0]  }
0x194: {  	[tilespmem:s30+$0xFFFFFF80] =	vst v5;
	v5 =	vmul.f32 v4, v10;
	v9 =	vld [tilespmem:s30+$0xFFFFFFF0]  }
0x195: {  	[tilespmem:s30+$0xFFFFFF90] =	vst v3;
	v3 =	vmul.f32 v4, v11;
	v10 =	vld [tilespmem:s30+$0x0]  }
0x196: {  	[tilespmem:s30+$0xFFFFFFA0] =	vst v5;
	v5 =	vmul.f32 v4, v6;
	v6 =	vld [tilespmem:s30+$0x10]  }
0x197: {  	[tilespmem:s30+$0xFFFFFFB0] =	vst v3;
	v3 =	vmul.f32 v4, v7;
	v7 =	vld [tilespmem:s30+$0x20]  }
0x198: {  	[tilespmem:s30+$0xFFFFFFC0] =	vst v5;
	v5 =	vmul.f32 v4, v8;
	v11 =	vld [tilespmem:s30+$0x30]  }
0x199: {  	[tilespmem:s30+$0xFFFFFFD0] =	vst v3;
	v3 =	vmul.f32 v4, v9;
	v9 =	vld [tilespmem:s30+$0x40]  }
.Ltmp10:
0x19a: {  	[tilespmem:s30+$0xFFFFFFE0] =	vst v5;
	v5 =	vmul.f32 v2, v10;
	v4 =	vld [tilespmem:s30+$0x50];
	(pc) =	sbr.rel @p4 .LBB2_16-.Ltmp10, $4  }
0x19b: {  	[tilespmem:s30+$0xFFFFFFF0] =	vst v3;
	v6 =	vmul.f32 v2, v6;
	v3 =	vld [tilespmem:s30+$0x60]  }
0x19c: {  	s2 =	sadd.s32 $0x3, s1;
	v10 =	vmov s1;
	[tilespmem:s30+$0x0] =	vst v5;
	v13 =	vmul.f32 v2, v7;
	v8 =	vld [tilespmem:s30+$0x80]  }
0x19d: {  	s13 =	sadd.s32 $0x1, s1;
	v12 =	vand.u32 $0xFFFFFFFC, v10;
	v5 =	vmov s2;
	[tilespmem:s30+$0x10] =	vst v6;
	v10 =	vmul.f32 v2, v11;
	v7 =	vld [tilespmem:s30+$0x90]  }
0x19e: {  	v6 =	vbroadcast v12, $0x0;
	v12 =	vmov s13;
	s13 =	sadd.s32 $0x2, s1;
	s1 =	sadd.s32 $0x4, s1;
	[tilespmem:s30+$0x20] =	vst v13;
	v11 =	vmul.f32 v2, v9;
	v9 =	vld [tilespmem:s30+$0xA0]  }
0x19f: {  	v13 =	vld [tilespmem:s30+$0xB0]  }
0x1a0: {  	v15 =	vld [tilespmem:s30+$0xC0]  }
0x1a1: {  	v16 =	vld [tilespmem:s30+$0xD0]  }
0x1a2: {  	v17 =	vld [tilespmem:s30+$0xE0]  }
0x1a3: {  	v29 =	vld [tilespmem:s30+$0xF0];
	[tilespmem:s30+$0x30] =	vst v10;
	v4 =	vmul.f32 v2, v4  }
0x1a4: {  	v5 =	vld.idx.msk [tilespmem:v5+s22+$0x0], $0xffff;
	[tilespmem:s30+$0x40] =	vst v11;
	v2 =	vmul.f32 v2, v3  }
0x1a5: {  	s1 =	sadd.s32 $0x200, s30;
	v3 =	vld.idx.msk [tilespmem:v6+s22+$0x0], $0xffff;
	v8 =	vmul.f32 v1, v8;
	[tilespmem:s30+$0x50] =	vst v4  }
0x1a6: {  	v14 =	vmov s13;
	v34 =	vld [tilespmem:s1+$0x70];
	v30 =	vmul.f32 v1, v7;
	[tilespmem:s30+$0x60] =	vst v2  }
0x1a7: {  	v14 =	vand.u32 $0xFFFFFFFE, v14;
	v35 =	vld [tilespmem:s1+$0xFFFFFF00];
	[tilespmem:s30+$0x80] =	vst v8;
	v2 =	vmul.f32 v1, v9  }
0x1a8: {  	v37 =	vld [tilespmem:s1+$0xFFFFFF10];
	v14 =	vbroadcast v14, $0x0;
	[tilespmem:s30+$0x90] =	vst v30;
	v33 =	vmul.f32 v1, v13  }
0x1a9: {  	v38 =	vld [tilespmem:s1+$0xFFFFFF20];
	[tilespmem:s30+$0xA0] =	vst v2;
	v2 =	vmul.f32 v1, v15  }
0x1aa: {  	v12 =	vand.u32 $0xFFFFFFFD, v12;
	v39 =	vld [tilespmem:s1+$0xFFFFFF30];
	v36 =	vmul.f32 v1, v16;
	[tilespmem:s30+$0xB0] =	vst v33  }
0x1ab: {  	v12 =	vbroadcast v12, $0x0;
	v41 =	vld [tilespmem:s1+$0xFFFFFF50];
	[tilespmem:s31+$0xC0] =	vst v2;
	v2 =	vmul.f32 v1, v17  }
0x1ac: {  	v43 =	vld [tilespmem:s1+$0xFFFFFF60];
	[tilespmem:s31+$0xD0] =	vst v36;
	v1 =	vmul.f32 v1, v29  }
0x1ad: {  	v42 =	vmul.f32 v3, v37;
	[tilespmem:s31+$0xE0] =	vst v2;
	v2 =	vld [tilespmem:s1+$0xFFFFFF40]  }
0x1ae: {  	v32 =	vld.idx.msk [tilespmem:v14+s22+$0x0], $0xffff;
	[tilespmem:s31+$0xF0] =	vst v1;
	v1 =	vmul.f32 v3, v35  }
0x1af: {  	v44 =	vld [tilespmem:s1+$0xFFFFFF70];
	v4 =	vmul.f32 v3, v39;
	[tilespmem:s1+$0xFFFFFF10] =	vst v42  }
0x1b0: {  	v45 =	vld [tilespmem:s1+$0xFFFFFF80];
	[tilespmem:s1+$0xFFFFFF00] =	vst v1;
	v1 =	vmul.f32 v3, v38  }
0x1b1: {  	v46 =	vmul.f32 v3, v41;
	v31 =	vld.idx.msk [tilespmem:v12+s22+$0x0], $0xffff;
	[tilespmem:s1+$0xFFFFFF30] =	vst v4  }
0x1b2: {  	[tilespmem:s1+$0xFFFFFF20] =	vst v1;
	v1 =	vmul.f32 v3, v2;
	v2 =	vld [tilespmem:s1+$0xFFFFFF90]  }
0x1b3: {  	v47 =	vld [tilespmem:s1+$0xFFFFFFA0];
	[tilespmem:s1+$0xFFFFFF50] =	vst v46;
	v40 =	vmul.f32 v32, v34  }
0x1b4: {  	v48 =	vld [tilespmem:s1+$0xFFFFFFB0];
	[tilespmem:s1+$0xFFFFFF40] =	vst v1;
	v1 =	vmul.f32 v3, v43  }
0x1b5: {  	v49 =	vld [tilespmem:s1+$0xFFFFFFC0];
	[tilespmem:s1+$0x70] =	vst v40;
	v3 =	vmul.f32 v3, v44  }
0x1b6: {  	v50 =	vld [tilespmem:s1+$0xFFFFFFD0];
	[tilespmem:s1+$0xFFFFFF60] =	vst v1;
	v1 =	vmul.f32 v31, v45  }
0x1b7: {  	[tilespmem:s1+$0xFFFFFF70] =	vst v3;
	v3 =	vld [tilespmem:s1+$0xFFFFFFE0];
	v2 =	vmul.f32 v31, v2  }
0x1b8: {  	v51 =	vld [tilespmem:s1+$0xFFFFFFF0];
	[tilespmem:s1+$0xFFFFFF80] =	vst v1;
	v1 =	vmul.f32 v31, v47  }
0x1b9: {  	v52 =	vld [tilespmem:s1+$0x0];
	[tilespmem:s1+$0xFFFFFF90] =	vst v2;
	v2 =	vmul.f32 v31, v48  }
0x1ba: {  	v53 =	vld [tilespmem:s1+$0x10];
	[tilespmem:s1+$0xFFFFFFA0] =	vst v1;
	v1 =	vmul.f32 v31, v49  }
0x1bb: {  	v54 =	vld [tilespmem:s1+$0x20];
	[tilespmem:s1+$0xFFFFFFB0] =	vst v2;
	v2 =	vmul.f32 v31, v50  }
0x1bc: {  	[tilespmem:s1+$0xFFFFFFC0] =	vst v1;
	v1 =	vmul.f32 v31, v3;
	v3 =	vld [tilespmem:s1+$0x30]  }
0x1bd: {  	v55 =	vld [tilespmem:s1+$0x40];
	[tilespmem:s1+$0xFFFFFFD0] =	vst v2;
	v2 =	vmul.f32 v31, v51  }
0x1be: {  	v56 =	vld [tilespmem:s1+$0x50];
	[tilespmem:s1+$0xFFFFFFE0] =	vst v1;
	v1 =	vmul.f32 v32, v52  }
0x1bf: {  	v57 =	vld [tilespmem:s1+$0x60];
	[tilespmem:s1+$0xFFFFFFF0] =	vst v2;
	v2 =	vmul.f32 v32, v53  }
0x1c0: {  	v58 =	vld [tilespmem:s1+$0x80];
	[tilespmem:s1+$0x0] =	vst v1;
	v1 =	vmul.f32 v32, v54  }
0x1c1: {  	[tilespmem:s1+$0x10] =	vst v2;
	v2 =	vmul.f32 v32, v3;
	v3 =	vld [tilespmem:s1+$0x90]  }
0x1c2: {  	v59 =	vld [tilespmem:s1+$0xA0];
	[tilespmem:s1+$0x20] =	vst v1;
	v1 =	vmul.f32 v32, v55  }
0x1c3: {  	v60 =	vld [tilespmem:s1+$0xB0];
	[tilespmem:s1+$0x30] =	vst v2;
	v2 =	vmul.f32 v32, v56  }
0x1c4: {  	v61 =	vld [tilespmem:s1+$0xC0];
	[tilespmem:s1+$0x40] =	vst v1;
	v1 =	vmul.f32 v32, v57  }
0x1c5: {  	v62 =	vld [tilespmem:s1+$0xD0];
	[tilespmem:s1+$0x50] =	vst v2;
	v2 =	vmul.f32 v5, v58  }
0x1c6: {  	[tilespmem:s1+$0x60] =	vst v1;
	v1 =	vmul.f32 v5, v3;
	v3 =	vld [tilespmem:s1+$0xE0]  }
0x1c7: {  	v63 =	vld [tilespmem:s1+$0xF0];
	[tilespmem:s1+$0x80] =	vst v2;
	v2 =	vmul.f32 v5, v59  }
0x1c8: {  	[tilespmem:s1+$0x90] =	vst v1;
	v1 =	vmul.f32 v5, v60  }
0x1c9: {  	[tilespmem:s1+$0xA0] =	vst v2;
	v2 =	vmul.f32 v5, v61  }
0x1ca: {  	[tilespmem:s1+$0xB0] =	vst v1;
	v1 =	vmul.f32 v5, v62  }
0x1cb: {  	[tilespmem:s1+$0xC0] =	vst v2;
	v2 =	vmul.f32 v5, v3  }
0x1cc: {  	[tilespmem:s1+$0xD0] =	vst v1;
	v1 =	vmul.f32 v5, v63  }
0x1cd: {  	[tilespmem:s1+$0xE0] =	vst v2  }
0x1ce: {  	[tilespmem:s1+$0xF0] =	vst v1  }
0x1cf: {  	[spmem:s3] =	stream.indirect.scatter.add.f32 [tilespmem:s14], [sflag:$0x6], $0x80, s23, s17, $0xb8;
	[tilespmem:$0x1BE80] =	vst v63  }
.LBB2_18:
0x1d0: {  	s1 =	simm.s32 @!p2 $0x5  }
0x1d1: {  	_ =	swait.ge @!p2 [sflag:s1], $0x4000  }
0x1d2: {  	[sflag:s1] =	ssyncset.done @!p2 $0x0  }
0x1d3: {  	[sflag:s1] =	ssyncadd.s32 @!p2 $0xFFFFC000;
	s1 =	simm.s32 @!p1 $0x6  }
0x1d4: {  	s2 =	sadd.s32 $0x5, s28;
	_ =	swait.ge @!p1 [sflag:s1], $0x4000  }
0x1d5: {  	p4 =	sge.u32 s2, s6;
	[sflag:s1] =	ssyncset.done @!p1 $0x0  }
0x1d6: {  	[sflag:s1] =	ssyncadd.s32 @!p1 $0xFFFFC000;
	s1 =	sshll.u32 @!p4 s2, $0xA  }
0x1d7: {  	s30 =	simm.s32 @!p4 $0x400;
	s2 =	simm.s32 @!p4 $0x0;
	s1 =	sadd.s32 @!p4 s1, s5  }
0x1d8: {  	[tilespmem:s30], [sflag:$0x3] =	stream.linear.gather @!p4 [hbm4b:s1+s2], $0x180, $0x38;
	[tilespmem:$0x1BE80] =	vst v63  }
.Ltmp11:
0x1d9: {  	s1 =	simm.s32 @!p3 $0x2;
	(pc) =	sbr.rel @p2 .LBB2_22-.Ltmp11, $4  }
0x1da: {  	_ =	swait.ge @!p3 [sflag:s1], $0x180  }
0x1db: {  	[sflag:s1] =	ssyncset.done @!p3 $0x0  }
0x1dc: {  	s2 =	simm.s32 @!p3 $0x600;
	[sflag:s1] =	ssyncadd.s32 @!p3 $0xFFFFFE80;
	s1 =	simm.s32 @!p3 $0x80  }
0x1dd: {  	[tilespmem:s2], [sflag:$0x4] =	stream.indirect.gather @!p3 [hbm4b:s0+s1], $0x80, s29, s1, $0xb8;
	[tilespmem:$0x1BE80] =	vst v63  }
0x1de: {  	s1 =	simm.s32 $0x0  }
0x1df: {  	s13 =	simm.s32 $0x2;
	v1 =	vmov s1  }
0x1e0: {  	v2 =	vmov s13;
	v1 =	vand.u32 $0xFFFFFFFC, v1  }
0x1e1: {  	v2 =	vand.u32 $0xFFFFFFFE, v2;
	v1 =	vbroadcast v1, $0x0  }
0x1e2: {  	s29 =	simm.s32 $0x47F0;
	v2 =	vbroadcast v2, $0x0  }
0x1e3: {  	v4 =	vld [tilespmem:s29+$0xFFFFFF80]  }
0x1e4: {  	v5 =	vld [tilespmem:s29+$0xFFFFFE10]  }
0x1e5: {  	s2 =	simm.s32 $0x1;
	v6 =	vld [tilespmem:s29+$0xFFFFFE20]  }
0x1e6: {  	v3 =	vmov s2;
	v7 =	vld [tilespmem:s29+$0xFFFFFE30]  }
0x1e7: {  	v3 =	vand.u32 $0xFFFFFFFD, v3;
	v1 =	vld.idx.msk [tilespmem:v1+s18+$0x0], $0xffff  }
0x1e8: {  	v3 =	vbroadcast v3, $0x0;
	v2 =	vld.idx.msk [tilespmem:v2+s18+$0x0], $0xffff  }
0x1e9: {  	v8 =	vld [tilespmem:s29+$0xFFFFFE40]  }
0x1ea: {  	v9 =	vld [tilespmem:s29+$0xFFFFFE50]  }
0x1eb: {  	v10 =	vld [tilespmem:s29+$0xFFFFFE60]  }
0x1ec: {  	v11 =	vld [tilespmem:s29+$0xFFFFFE70];
	v5 =	vmul.f32 v1, v5  }
0x1ed: {  	v13 =	vld [tilespmem:s29+$0xFFFFFF50];
	v4 =	vmul.f32 v2, v4  }
0x1ee: {  	v3 =	vld.idx.msk [tilespmem:v3+s18+$0x0], $0xffff;
	[tilespmem:s29+$0xFFFFFE10] =	vst v5;
	v5 =	vmul.f32 v1, v6  }
0x1ef: {  	v6 =	vld [tilespmem:s29+$0xFFFFFE80];
	[tilespmem:s29+$0xFFFFFF80] =	vst v4;
	v4 =	vmul.f32 v1, v7  }
0x1f0: {  	v7 =	vld [tilespmem:s29+$0xFFFFFE90];
	[tilespmem:s29+$0xFFFFFE20] =	vst v5;
	v5 =	vmul.f32 v1, v8  }
0x1f1: {  	v8 =	vld [tilespmem:s29+$0xFFFFFEA0];
	[tilespmem:s29+$0xFFFFFE30] =	vst v4;
	v4 =	vmul.f32 v1, v9  }
0x1f2: {  	v9 =	vld [tilespmem:s29+$0xFFFFFEB0];
	[tilespmem:s29+$0xFFFFFE40] =	vst v5;
	v5 =	vmul.f32 v1, v10  }
0x1f3: {  	v10 =	vld [tilespmem:s29+$0xFFFFFEC0];
	[tilespmem:s29+$0xFFFFFE50] =	vst v4;
	v4 =	vmul.f32 v1, v11  }
0x1f4: {  	v11 =	vld [tilespmem:s29+$0xFFFFFED0];
	v6 =	vmul.f32 v1, v6;
	[tilespmem:s29+$0xFFFFFE60] =	vst v5  }
0x1f5: {  	v5 =	vmul.f32 v3, v7;
	v7 =	vld [tilespmem:s29+$0xFFFFFEE0];
	[tilespmem:s29+$0xFFFFFE70] =	vst v4  }
0x1f6: {  	s13 =	simm.s32 $0x3;
	v4 =	vld [tilespmem:s29+$0xFFFFFEF0];
	v8 =	vmul.f32 v3, v8;
	[tilespmem:s29+$0xFFFFFE80] =	vst v6  }
0x1f7: {  	v12 =	vmov s13;
	v6 =	vld [tilespmem:s29+$0xFFFFFF00];
	[tilespmem:s29+$0xFFFFFE90] =	vst v5;
	v5 =	vmul.f32 v3, v9  }
0x1f8: {  	v9 =	vld [tilespmem:s29+$0xFFFFFF10];
	[tilespmem:s29+$0xFFFFFEA0] =	vst v8;
	v8 =	vmul.f32 v3, v10  }
0x1f9: {  	v10 =	vld [tilespmem:s29+$0xFFFFFF20];
	[tilespmem:s29+$0xFFFFFEB0] =	vst v5;
	v5 =	vmul.f32 v3, v11  }
0x1fa: {  	[tilespmem:s29+$0xFFFFFEC0] =	vst v8;
	v7 =	vmul.f32 v3, v7;
	v8 =	vld [tilespmem:s29+$0xFFFFFF30]  }
0x1fb: {  	v11 =	vld [tilespmem:s29+$0xFFFFFF40];
	v4 =	vmul.f32 v3, v4;
	[tilespmem:s29+$0xFFFFFED0] =	vst v5  }
0x1fc: {  	v1 =	vld.idx.msk [tilespmem:v12+s18+$0x0], $0xffff;
	v3 =	vmul.f32 v3, v6;
	[tilespmem:s29+$0xFFFFFEE0] =	vst v7  }
0x1fd: {  	[tilespmem:s29+$0xFFFFFEF0] =	vst v4;
	v5 =	vmul.f32 v2, v9;
	v4 =	vld [tilespmem:s29+$0xFFFFFF60]  }
0x1fe: {  	s2 =	simm.s32 $0x4;
	[tilespmem:s29+$0xFFFFFF00] =	vst v3;
	v6 =	vmul.f32 v2, v10;
	v3 =	vld [tilespmem:s29+$0xFFFFFF70]  }
0x1ff: {  	s13 =	simm.s32 $0x7;
	v7 =	vmov s2;
	[tilespmem:s29+$0xFFFFFF10] =	vst v5;
	v9 =	vmul.f32 v2, v8;
	v8 =	vld [tilespmem:s29+$0xFFFFFF90]  }
0x200: {  	s2 =	simm.s32 $0x5;
	v12 =	vand.u32 $0xFFFFFFFC, v7;
	v7 =	vld [tilespmem:s29+$0xFFFFFFA0];
	v5 =	vmov s13;
	v10 =	vmul.f32 v2, v11;
	[tilespmem:s29+$0xFFFFFF20] =	vst v6  }
0x201: {  	s31 =	simm.s32 $0x47F0;
	s1 =	simm.s32 $0x8;
	s13 =	simm.s32 $0x6;
	v11 =	vmul.f32 v2, v13;
	v6 =	vbroadcast v12, $0x0;
	v12 =	vmov s2;
	[tilespmem:s29+$0xFFFFFF30] =	vst v9;
	v9 =	vld [tilespmem:s29+$0xFFFFFFB0]  }
.LBB2_20:
0x202: {  	p1 =	slt.u32 s1, $0x7C;
	v12 =	vand.u32 $0xFFFFFFFD, v12;
	v13 =	vmov s13;
	[tilespmem:s29+$0xFFFFFF40] =	vst v10;
	v4 =	vmul.f32 v2, v4;
	v10 =	vld [tilespmem:s29+$0xFFFFFFC0]  }
0x203: {  	v12 =	vbroadcast v12, $0x0;
	v13 =	vand.u32 $0xFFFFFFFE, v13;
	[tilespmem:s29+$0xFFFFFF50] =	vst v11;
	v2 =	vmul.f32 v2, v3;
	v3 =	vld [tilespmem:s29+$0xFFFFFFD0]  }
0x204: {  	v11 =	vbroadcast v13, $0x0;
	[tilespmem:s29+$0xFFFFFF60] =	vst v4;
	v4 =	vmul.f32 v1, v8;
	v8 =	vld [tilespmem:s29+$0xFFFFFFE0]  }
0x205: {  	[tilespmem:s29+$0xFFFFFF70] =	vst v2;
	v2 =	vmul.f32 v1, v7;
	v7 =	vld [tilespmem:s29+$0xFFFFFFF0]  }
0x206: {  	[tilespmem:s29+$0xFFFFFF90] =	vst v4;
	v4 =	vmul.f32 v1, v9;
	v9 =	vld [tilespmem:s29+$0x0]  }
0x207: {  	v5 =	vld.idx.msk [tilespmem:v5+s18+$0x0], $0xffff;
	[tilespmem:s29+$0xFFFFFFA0] =	vst v2;
	v2 =	vmul.f32 v1, v10  }
0x208: {  	v6 =	vld.idx.msk [tilespmem:v6+s18+$0x0], $0xffff;
	[tilespmem:s29+$0xFFFFFFB0] =	vst v4;
	v3 =	vmul.f32 v1, v3  }
0x209: {  	v4 =	vld.idx.msk [tilespmem:v12+s18+$0x0], $0xffff;
	[tilespmem:s29+$0xFFFFFFC0] =	vst v2;
	v8 =	vmul.f32 v1, v8  }
0x20a: {  	s29 =	sadd.s32 $0x200, s29;
	v2 =	vld.idx.msk [tilespmem:v11+s18+$0x0], $0xffff;
	[tilespmem:s31+$0xFFFFFFD0] =	vst v3;
	v3 =	vmul.f32 v1, v7  }
0x20b: {  	v7 =	vld [tilespmem:s29+$0xFFFFFF80];
	[tilespmem:s31+$0xFFFFFFE0] =	vst v8;
	v9 =	vmul.f32 v1, v9  }
0x20c: {  	v8 =	vld [tilespmem:s29+$0xFFFFFE10];
	[tilespmem:s31+$0xFFFFFFF0] =	vst v3  }
0x20d: {  	v1 =	vmov v5;
	v3 =	vld [tilespmem:s29+$0xFFFFFE20];
	[tilespmem:s31+$0x0] =	vst v9;
	s31 =	smov.u32 s29  }
0x20e: {  	v5 =	vld [tilespmem:s29+$0xFFFFFE30]  }
0x20f: {  	v9 =	vld [tilespmem:s29+$0xFFFFFE40]  }
0x210: {  	v10 =	vld [tilespmem:s29+$0xFFFFFE50];
	v7 =	vmul.f32 v2, v7  }
0x211: {  	v8 =	vmul.f32 v6, v8;
	v11 =	vld [tilespmem:s29+$0xFFFFFE60]  }
0x212: {  	v3 =	vmul.f32 v6, v3;
	v12 =	vld [tilespmem:s29+$0xFFFFFE70];
	[tilespmem:s29+$0xFFFFFF80] =	vst v7  }
0x213: {  	[tilespmem:s29+$0xFFFFFE10] =	vst v8;
	v5 =	vmul.f32 v6, v5;
	v7 =	vld [tilespmem:s29+$0xFFFFFE80]  }
0x214: {  	[tilespmem:s29+$0xFFFFFE20] =	vst v3;
	v3 =	vmul.f32 v6, v9;
	v8 =	vld [tilespmem:s29+$0xFFFFFE90]  }
0x215: {  	[tilespmem:s29+$0xFFFFFE30] =	vst v5;
	v5 =	vmul.f32 v6, v10;
	v9 =	vld [tilespmem:s29+$0xFFFFFEA0]  }
0x216: {  	[tilespmem:s29+$0xFFFFFE40] =	vst v3;
	v3 =	vmul.f32 v6, v11;
	v10 =	vld [tilespmem:s29+$0xFFFFFEB0]  }
0x217: {  	[tilespmem:s29+$0xFFFFFE50] =	vst v5;
	v5 =	vmul.f32 v6, v12;
	v11 =	vld [tilespmem:s29+$0xFFFFFEC0]  }
0x218: {  	[tilespmem:s29+$0xFFFFFE60] =	vst v3;
	v3 =	vmul.f32 v6, v7;
	v6 =	vld [tilespmem:s29+$0xFFFFFED0]  }
0x219: {  	[tilespmem:s29+$0xFFFFFE70] =	vst v5;
	v5 =	vmul.f32 v4, v8;
	v7 =	vld [tilespmem:s29+$0xFFFFFEE0]  }
0x21a: {  	[tilespmem:s29+$0xFFFFFE80] =	vst v3;
	v3 =	vmul.f32 v4, v9;
	v8 =	vld [tilespmem:s29+$0xFFFFFEF0]  }
0x21b: {  	[tilespmem:s29+$0xFFFFFE90] =	vst v5;
	v5 =	vmul.f32 v4, v10;
	v9 =	vld [tilespmem:s29+$0xFFFFFF00]  }
0x21c: {  	[tilespmem:s29+$0xFFFFFEA0] =	vst v3;
	v3 =	vmul.f32 v4, v11;
	v10 =	vld [tilespmem:s29+$0xFFFFFF10]  }
0x21d: {  	[tilespmem:s29+$0xFFFFFEB0] =	vst v5;
	v5 =	vmul.f32 v4, v6;
	v6 =	vld [tilespmem:s29+$0xFFFFFF20]  }
0x21e: {  	[tilespmem:s29+$0xFFFFFEC0] =	vst v3;
	v3 =	vmul.f32 v4, v7;
	v7 =	vld [tilespmem:s29+$0xFFFFFF30]  }
0x21f: {  	[tilespmem:s29+$0xFFFFFED0] =	vst v5;
	v5 =	vmul.f32 v4, v8;
	v11 =	vld [tilespmem:s29+$0xFFFFFF40]  }
0x220: {  	[tilespmem:s29+$0xFFFFFEE0] =	vst v3;
	v3 =	vmul.f32 v4, v9;
	v9 =	vld [tilespmem:s29+$0xFFFFFF50]  }
.Ltmp12:
0x221: {  	[tilespmem:s29+$0xFFFFFEF0] =	vst v5;
	v5 =	vmul.f32 v2, v10;
	v4 =	vld [tilespmem:s29+$0xFFFFFF60];
	(pc) =	sbr.rel @p1 .LBB2_20-.Ltmp12, $4  }
0x222: {  	[tilespmem:s29+$0xFFFFFF00] =	vst v3;
	v6 =	vmul.f32 v2, v6;
	v3 =	vld [tilespmem:s29+$0xFFFFFF70]  }
0x223: {  	s2 =	sadd.s32 $0x3, s1;
	v10 =	vmov s1;
	[tilespmem:s29+$0xFFFFFF10] =	vst v5;
	v13 =	vmul.f32 v2, v7;
	v8 =	vld [tilespmem:s29+$0xFFFFFF90]  }
0x224: {  	s13 =	sadd.s32 $0x1, s1;
	v12 =	vand.u32 $0xFFFFFFFC, v10;
	v5 =	vmov s2;
	[tilespmem:s29+$0xFFFFFF20] =	vst v6;
	v10 =	vmul.f32 v2, v11;
	v7 =	vld [tilespmem:s29+$0xFFFFFFA0]  }
0x225: {  	v6 =	vbroadcast v12, $0x0;
	v12 =	vmov s13;
	s13 =	sadd.s32 $0x2, s1;
	s1 =	sadd.s32 $0x4, s1;
	[tilespmem:s29+$0xFFFFFF30] =	vst v13;
	v11 =	vmul.f32 v2, v9;
	v9 =	vld [tilespmem:s29+$0xFFFFFFB0]  }
0x226: {  	v13 =	vld [tilespmem:s29+$0xFFFFFFC0]  }
0x227: {  	v15 =	vld [tilespmem:s29+$0xFFFFFFD0]  }
0x228: {  	v16 =	vld [tilespmem:s29+$0xFFFFFFE0]  }
0x229: {  	v17 =	vld [tilespmem:s29+$0xFFFFFFF0]  }
0x22a: {  	v29 =	vld [tilespmem:s29+$0x0];
	[tilespmem:s29+$0xFFFFFF40] =	vst v10;
	v4 =	vmul.f32 v2, v4  }
0x22b: {  	v5 =	vld.idx.msk [tilespmem:v5+s18+$0x0], $0xffff;
	[tilespmem:s29+$0xFFFFFF50] =	vst v11;
	v2 =	vmul.f32 v2, v3  }
0x22c: {  	s1 =	sadd.s32 $0x200, s29;
	v3 =	vld.idx.msk [tilespmem:v6+s18+$0x0], $0xffff;
	v8 =	vmul.f32 v1, v8;
	[tilespmem:s29+$0xFFFFFF60] =	vst v4  }
0x22d: {  	v14 =	vmov s13;
	v34 =	vld [tilespmem:s1+$0xFFFFFF80];
	v30 =	vmul.f32 v1, v7;
	[tilespmem:s29+$0xFFFFFF70] =	vst v2  }
0x22e: {  	v14 =	vand.u32 $0xFFFFFFFE, v14;
	v35 =	vld [tilespmem:s1+$0xFFFFFE10];
	[tilespmem:s29+$0xFFFFFF90] =	vst v8;
	v2 =	vmul.f32 v1, v9  }
0x22f: {  	v37 =	vld [tilespmem:s1+$0xFFFFFE20];
	v14 =	vbroadcast v14, $0x0;
	[tilespmem:s29+$0xFFFFFFA0] =	vst v30;
	v33 =	vmul.f32 v1, v13  }
0x230: {  	v38 =	vld [tilespmem:s1+$0xFFFFFE30];
	[tilespmem:s29+$0xFFFFFFB0] =	vst v2;
	v2 =	vmul.f32 v1, v15  }
0x231: {  	v12 =	vand.u32 $0xFFFFFFFD, v12;
	v39 =	vld [tilespmem:s1+$0xFFFFFE40];
	v36 =	vmul.f32 v1, v16;
	[tilespmem:s29+$0xFFFFFFC0] =	vst v33  }
0x232: {  	v12 =	vbroadcast v12, $0x0;
	v41 =	vld [tilespmem:s1+$0xFFFFFE60];
	[tilespmem:s31+$0xFFFFFFD0] =	vst v2;
	v2 =	vmul.f32 v1, v17  }
0x233: {  	v43 =	vld [tilespmem:s1+$0xFFFFFE70];
	[tilespmem:s31+$0xFFFFFFE0] =	vst v36;
	v1 =	vmul.f32 v1, v29  }
0x234: {  	v42 =	vmul.f32 v3, v37;
	[tilespmem:s31+$0xFFFFFFF0] =	vst v2;
	v2 =	vld [tilespmem:s1+$0xFFFFFE50]  }
0x235: {  	v32 =	vld.idx.msk [tilespmem:v14+s18+$0x0], $0xffff;
	[tilespmem:s31+$0x0] =	vst v1;
	v1 =	vmul.f32 v3, v35  }
0x236: {  	v44 =	vld [tilespmem:s1+$0xFFFFFE80];
	v4 =	vmul.f32 v3, v39;
	[tilespmem:s1+$0xFFFFFE20] =	vst v42  }
0x237: {  	v45 =	vld [tilespmem:s1+$0xFFFFFE90];
	[tilespmem:s1+$0xFFFFFE10] =	vst v1;
	v1 =	vmul.f32 v3, v38  }
0x238: {  	v46 =	vmul.f32 v3, v41;
	v31 =	vld.idx.msk [tilespmem:v12+s18+$0x0], $0xffff;
	[tilespmem:s1+$0xFFFFFE40] =	vst v4  }
0x239: {  	[tilespmem:s1+$0xFFFFFE30] =	vst v1;
	v1 =	vmul.f32 v3, v2;
	v2 =	vld [tilespmem:s1+$0xFFFFFEA0]  }
0x23a: {  	v47 =	vld [tilespmem:s1+$0xFFFFFEB0];
	[tilespmem:s1+$0xFFFFFE60] =	vst v46;
	v40 =	vmul.f32 v32, v34  }
0x23b: {  	v48 =	vld [tilespmem:s1+$0xFFFFFEC0];
	[tilespmem:s1+$0xFFFFFE50] =	vst v1;
	v1 =	vmul.f32 v3, v43  }
0x23c: {  	v49 =	vld [tilespmem:s1+$0xFFFFFED0];
	[tilespmem:s1+$0xFFFFFF80] =	vst v40;
	v3 =	vmul.f32 v3, v44  }
0x23d: {  	v50 =	vld [tilespmem:s1+$0xFFFFFEE0];
	[tilespmem:s1+$0xFFFFFE70] =	vst v1;
	v1 =	vmul.f32 v31, v45  }
0x23e: {  	[tilespmem:s1+$0xFFFFFE80] =	vst v3;
	v3 =	vld [tilespmem:s1+$0xFFFFFEF0];
	v2 =	vmul.f32 v31, v2  }
0x23f: {  	v51 =	vld [tilespmem:s1+$0xFFFFFF00];
	[tilespmem:s1+$0xFFFFFE90] =	vst v1;
	v1 =	vmul.f32 v31, v47  }
0x240: {  	v52 =	vld [tilespmem:s1+$0xFFFFFF10];
	[tilespmem:s1+$0xFFFFFEA0] =	vst v2;
	v2 =	vmul.f32 v31, v48  }
0x241: {  	v53 =	vld [tilespmem:s1+$0xFFFFFF20];
	[tilespmem:s1+$0xFFFFFEB0] =	vst v1;
	v1 =	vmul.f32 v31, v49  }
0x242: {  	v54 =	vld [tilespmem:s1+$0xFFFFFF30];
	[tilespmem:s1+$0xFFFFFEC0] =	vst v2;
	v2 =	vmul.f32 v31, v50  }
0x243: {  	[tilespmem:s1+$0xFFFFFED0] =	vst v1;
	v1 =	vmul.f32 v31, v3;
	v3 =	vld [tilespmem:s1+$0xFFFFFF40]  }
0x244: {  	v55 =	vld [tilespmem:s1+$0xFFFFFF50];
	[tilespmem:s1+$0xFFFFFEE0] =	vst v2;
	v2 =	vmul.f32 v31, v51  }
0x245: {  	v56 =	vld [tilespmem:s1+$0xFFFFFF60];
	[tilespmem:s1+$0xFFFFFEF0] =	vst v1;
	v1 =	vmul.f32 v32, v52  }
0x246: {  	v57 =	vld [tilespmem:s1+$0xFFFFFF70];
	[tilespmem:s1+$0xFFFFFF00] =	vst v2;
	v2 =	vmul.f32 v32, v53  }
0x247: {  	v58 =	vld [tilespmem:s1+$0xFFFFFF90];
	[tilespmem:s1+$0xFFFFFF10] =	vst v1;
	v1 =	vmul.f32 v32, v54  }
0x248: {  	[tilespmem:s1+$0xFFFFFF20] =	vst v2;
	v2 =	vmul.f32 v32, v3;
	v3 =	vld [tilespmem:s1+$0xFFFFFFA0]  }
0x249: {  	v59 =	vld [tilespmem:s1+$0xFFFFFFB0];
	[tilespmem:s1+$0xFFFFFF30] =	vst v1;
	v1 =	vmul.f32 v32, v55  }
0x24a: {  	v60 =	vld [tilespmem:s1+$0xFFFFFFC0];
	[tilespmem:s1+$0xFFFFFF40] =	vst v2;
	v2 =	vmul.f32 v32, v56  }
0x24b: {  	v61 =	vld [tilespmem:s1+$0xFFFFFFD0];
	[tilespmem:s1+$0xFFFFFF50] =	vst v1;
	v1 =	vmul.f32 v32, v57  }
0x24c: {  	v62 =	vld [tilespmem:s1+$0xFFFFFFE0];
	[tilespmem:s1+$0xFFFFFF60] =	vst v2;
	v2 =	vmul.f32 v5, v58  }
0x24d: {  	[tilespmem:s1+$0xFFFFFF70] =	vst v1;
	v1 =	vmul.f32 v5, v3;
	v3 =	vld [tilespmem:s1+$0xFFFFFFF0]  }
0x24e: {  	v63 =	vld [tilespmem:s1+$0x0];
	[tilespmem:s1+$0xFFFFFF90] =	vst v2;
	v2 =	vmul.f32 v5, v59  }
0x24f: {  	[tilespmem:s1+$0xFFFFFFA0] =	vst v1;
	v1 =	vmul.f32 v5, v60  }
0x250: {  	[tilespmem:s1+$0xFFFFFFB0] =	vst v2;
	v2 =	vmul.f32 v5, v61  }
0x251: {  	[tilespmem:s1+$0xFFFFFFC0] =	vst v1;
	v1 =	vmul.f32 v5, v62  }
0x252: {  	[tilespmem:s1+$0xFFFFFFD0] =	vst v2;
	v2 =	vmul.f32 v5, v3  }
0x253: {  	[tilespmem:s1+$0xFFFFFFE0] =	vst v1;
	v1 =	vmul.f32 v5, v63  }
0x254: {  	[tilespmem:s1+$0xFFFFFFF0] =	vst v2  }
0x255: {  	[tilespmem:s1+$0x0] =	vst v1  }
0x256: {  	[spmem:s3] =	stream.indirect.scatter.add.f32 [tilespmem:s21], [sflag:$0x7], $0x80, s17, s17, $0xb8;
	[tilespmem:$0x1BE80] =	vst v63  }
.LBB2_22:
0x257: {  	s1 =	simm.s32 @!p3 $0x4  }
0x258: {  	_ =	swait.ge @!p3 [sflag:s1], $0x4000  }
0x259: {  	[sflag:s1] =	ssyncset.done @!p3 $0x0  }
0x25a: {  	s2 =	sadd.s32 $0x6, s28;
	[sflag:s1] =	ssyncadd.s32 @!p3 $0xFFFFC000;
	s1 =	simm.s32 @!p2 $0x7  }
0x25b: {  	p1 =	sge.u32 s2, s6;
	_ =	swait.ge @!p2 [sflag:s1], $0x4000  }
0x25c: {  	s2 =	sshll.u32 @!p1 s2, $0xA;
	[sflag:s1] =	ssyncset.done @!p2 $0x0  }
0x25d: {  	s29 =	simm.s32 @!p1 $0x0;
	[sflag:s1] =	ssyncadd.s32 @!p2 $0xFFFFC000;
	s1 =	sadd.s32 @!p1 s2, s5  }
0x25e: {  	[tilespmem:s29], [sflag:$0x1] =	stream.linear.gather @!p1 [hbm4b:s1+s29], $0x180, $0x38;
	[tilespmem:$0x1BE80] =	vst v63  }
.Ltmp13:
0x25f: {  	s1 =	simm.s32 @!p4 $0x3;
	(pc) =	sbr.rel @p3 .LBB2_26-.Ltmp13, $4  }
0x260: {  	_ =	swait.ge @!p4 [sflag:s1], $0x180  }
0x261: {  	[sflag:s1] =	ssyncset.done @!p4 $0x0  }
0x262: {  	s2 =	simm.s32 @!p4 $0x4600;
	[sflag:s1] =	ssyncadd.s32 @!p4 $0xFFFFFE80;
	s1 =	simm.s32 @!p4 $0x80  }
0x263: {  	[tilespmem:s2], [sflag:$0x5] =	stream.indirect.gather @!p4 [hbm4b:s0+s1], $0x80, s30, s1, $0xb8;
	[tilespmem:$0x1BE80] =	vst v63  }
0x264: {  	s1 =	simm.s32 $0x0  }
0x265: {  	s13 =	simm.s32 $0x2;
	v1 =	vmov s1  }
0x266: {  	v2 =	vmov s13;
	v1 =	vand.u32 $0xFFFFFFFC, v1  }
0x267: {  	v2 =	vand.u32 $0xFFFFFFFE, v2;
	v1 =	vbroadcast v1, $0x0  }
0x268: {  	s30 =	simm.s32 $0x700;
	v2 =	vbroadcast v2, $0x0  }
0x269: {  	v4 =	vld [tilespmem:s30+$0x70]  }
0x26a: {  	v5 =	vld [tilespmem:s30+$0xFFFFFF00]  }
0x26b: {  	s2 =	simm.s32 $0x1;
	v6 =	vld [tilespmem:s30+$0xFFFFFF10]  }
0x26c: {  	v3 =	vmov s2;
	v7 =	vld [tilespmem:s30+$0xFFFFFF20]  }
0x26d: {  	v3 =	vand.u32 $0xFFFFFFFD, v3;
	v1 =	vld.idx.msk [tilespmem:v1+s19+$0x0], $0xffff  }
0x26e: {  	v3 =	vbroadcast v3, $0x0;
	v2 =	vld.idx.msk [tilespmem:v2+s19+$0x0], $0xffff  }
0x26f: {  	v8 =	vld [tilespmem:s30+$0xFFFFFF30]  }
0x270: {  	v9 =	vld [tilespmem:s30+$0xFFFFFF40]  }
0x271: {  	v10 =	vld [tilespmem:s30+$0xFFFFFF50]  }
0x272: {  	v11 =	vld [tilespmem:s30+$0xFFFFFF60];
	v5 =	vmul.f32 v1, v5  }
0x273: {  	v13 =	vld [tilespmem:s30+$0x40];
	v4 =	vmul.f32 v2, v4  }
0x274: {  	v3 =	vld.idx.msk [tilespmem:v3+s19+$0x0], $0xffff;
	[tilespmem:s30+$0xFFFFFF00] =	vst v5;
	v5 =	vmul.f32 v1, v6  }
0x275: {  	v6 =	vld [tilespmem:s30+$0xFFFFFF70];
	[tilespmem:s30+$0x70] =	vst v4;
	v4 =	vmul.f32 v1, v7  }
0x276: {  	v7 =	vld [tilespmem:s30+$0xFFFFFF80];
	[tilespmem:s30+$0xFFFFFF10] =	vst v5;
	v5 =	vmul.f32 v1, v8  }
0x277: {  	v8 =	vld [tilespmem:s30+$0xFFFFFF90];
	[tilespmem:s30+$0xFFFFFF20] =	vst v4;
	v4 =	vmul.f32 v1, v9  }
0x278: {  	v9 =	vld [tilespmem:s30+$0xFFFFFFA0];
	[tilespmem:s30+$0xFFFFFF30] =	vst v5;
	v5 =	vmul.f32 v1, v10  }
0x279: {  	v10 =	vld [tilespmem:s30+$0xFFFFFFB0];
	[tilespmem:s30+$0xFFFFFF40] =	vst v4;
	v4 =	vmul.f32 v1, v11  }
0x27a: {  	v11 =	vld [tilespmem:s30+$0xFFFFFFC0];
	v6 =	vmul.f32 v1, v6;
	[tilespmem:s30+$0xFFFFFF50] =	vst v5  }
0x27b: {  	v5 =	vmul.f32 v3, v7;
	v7 =	vld [tilespmem:s30+$0xFFFFFFD0];
	[tilespmem:s30+$0xFFFFFF60] =	vst v4  }
0x27c: {  	s13 =	simm.s32 $0x3;
	v4 =	vld [tilespmem:s30+$0xFFFFFFE0];
	v8 =	vmul.f32 v3, v8;
	[tilespmem:s30+$0xFFFFFF70] =	vst v6  }
0x27d: {  	v12 =	vmov s13;
	v6 =	vld [tilespmem:s30+$0xFFFFFFF0];
	[tilespmem:s30+$0xFFFFFF80] =	vst v5;
	v5 =	vmul.f32 v3, v9  }
0x27e: {  	v9 =	vld [tilespmem:s30+$0x0];
	[tilespmem:s30+$0xFFFFFF90] =	vst v8;
	v8 =	vmul.f32 v3, v10  }
0x27f: {  	v10 =	vld [tilespmem:s30+$0x10];
	[tilespmem:s30+$0xFFFFFFA0] =	vst v5;
	v5 =	vmul.f32 v3, v11  }
0x280: {  	[tilespmem:s30+$0xFFFFFFB0] =	vst v8;
	v7 =	vmul.f32 v3, v7;
	v8 =	vld [tilespmem:s30+$0x20]  }
0x281: {  	v11 =	vld [tilespmem:s30+$0x30];
	v4 =	vmul.f32 v3, v4;
	[tilespmem:s30+$0xFFFFFFC0] =	vst v5  }
0x282: {  	v1 =	vld.idx.msk [tilespmem:v12+s19+$0x0], $0xffff;
	v3 =	vmul.f32 v3, v6;
	[tilespmem:s30+$0xFFFFFFD0] =	vst v7  }
0x283: {  	[tilespmem:s30+$0xFFFFFFE0] =	vst v4;
	v5 =	vmul.f32 v2, v9;
	v4 =	vld [tilespmem:s30+$0x50]  }
0x284: {  	s2 =	simm.s32 $0x4;
	[tilespmem:s30+$0xFFFFFFF0] =	vst v3;
	v6 =	vmul.f32 v2, v10;
	v3 =	vld [tilespmem:s30+$0x60]  }
0x285: {  	s13 =	simm.s32 $0x7;
	v7 =	vmov s2;
	[tilespmem:s30+$0x0] =	vst v5;
	v9 =	vmul.f32 v2, v8;
	v8 =	vld [tilespmem:s30+$0x80]  }
0x286: {  	s2 =	simm.s32 $0x5;
	v12 =	vand.u32 $0xFFFFFFFC, v7;
	v7 =	vld [tilespmem:s30+$0x90];
	v5 =	vmov s13;
	v10 =	vmul.f32 v2, v11;
	[tilespmem:s30+$0x10] =	vst v6  }
0x287: {  	s31 =	simm.s32 $0x700;
	s1 =	simm.s32 $0x8;
	s13 =	simm.s32 $0x6;
	v11 =	vmul.f32 v2, v13;
	v6 =	vbroadcast v12, $0x0;
	v12 =	vmov s2;
	[tilespmem:s30+$0x20] =	vst v9;
	v9 =	vld [tilespmem:s30+$0xA0]  }
.LBB2_24:
0x288: {  	p2 =	slt.u32 s1, $0x7C;
	v12 =	vand.u32 $0xFFFFFFFD, v12;
	v13 =	vmov s13;
	[tilespmem:s30+$0x30] =	vst v10;
	v4 =	vmul.f32 v2, v4;
	v10 =	vld [tilespmem:s30+$0xB0]  }
0x289: {  	v12 =	vbroadcast v12, $0x0;
	v13 =	vand.u32 $0xFFFFFFFE, v13;
	[tilespmem:s30+$0x40] =	vst v11;
	v2 =	vmul.f32 v2, v3;
	v3 =	vld [tilespmem:s30+$0xC0]  }
0x28a: {  	v11 =	vbroadcast v13, $0x0;
	[tilespmem:s30+$0x50] =	vst v4;
	v4 =	vmul.f32 v1, v8;
	v8 =	vld [tilespmem:s30+$0xD0]  }
0x28b: {  	[tilespmem:s30+$0x60] =	vst v2;
	v2 =	vmul.f32 v1, v7;
	v7 =	vld [tilespmem:s30+$0xE0]  }
0x28c: {  	[tilespmem:s30+$0x80] =	vst v4;
	v4 =	vmul.f32 v1, v9;
	v9 =	vld [tilespmem:s30+$0xF0]  }
0x28d: {  	v5 =	vld.idx.msk [tilespmem:v5+s19+$0x0], $0xffff;
	[tilespmem:s30+$0x90] =	vst v2;
	v2 =	vmul.f32 v1, v10  }
0x28e: {  	v6 =	vld.idx.msk [tilespmem:v6+s19+$0x0], $0xffff;
	[tilespmem:s30+$0xA0] =	vst v4;
	v3 =	vmul.f32 v1, v3  }
0x28f: {  	v4 =	vld.idx.msk [tilespmem:v12+s19+$0x0], $0xffff;
	[tilespmem:s30+$0xB0] =	vst v2;
	v8 =	vmul.f32 v1, v8  }
0x290: {  	s30 =	sadd.s32 $0x200, s30;
	v2 =	vld.idx.msk [tilespmem:v11+s19+$0x0], $0xffff;
	[tilespmem:s31+$0xC0] =	vst v3;
	v3 =	vmul.f32 v1, v7  }
0x291: {  	v7 =	vld [tilespmem:s30+$0x70];
	[tilespmem:s31+$0xD0] =	vst v8;
	v9 =	vmul.f32 v1, v9  }
0x292: {  	v8 =	vld [tilespmem:s30+$0xFFFFFF00];
	[tilespmem:s31+$0xE0] =	vst v3  }
0x293: {  	v1 =	vmov v5;
	v3 =	vld [tilespmem:s30+$0xFFFFFF10];
	[tilespmem:s31+$0xF0] =	vst v9;
	s31 =	smov.u32 s30  }
0x294: {  	v5 =	vld [tilespmem:s30+$0xFFFFFF20]  }
0x295: {  	v9 =	vld [tilespmem:s30+$0xFFFFFF30]  }
0x296: {  	v10 =	vld [tilespmem:s30+$0xFFFFFF40];
	v7 =	vmul.f32 v2, v7  }
0x297: {  	v8 =	vmul.f32 v6, v8;
	v11 =	vld [tilespmem:s30+$0xFFFFFF50]  }
0x298: {  	v3 =	vmul.f32 v6, v3;
	v12 =	vld [tilespmem:s30+$0xFFFFFF60];
	[tilespmem:s30+$0x70] =	vst v7  }
0x299: {  	[tilespmem:s30+$0xFFFFFF00] =	vst v8;
	v5 =	vmul.f32 v6, v5;
	v7 =	vld [tilespmem:s30+$0xFFFFFF70]  }
0x29a: {  	[tilespmem:s30+$0xFFFFFF10] =	vst v3;
	v3 =	vmul.f32 v6, v9;
	v8 =	vld [tilespmem:s30+$0xFFFFFF80]  }
0x29b: {  	[tilespmem:s30+$0xFFFFFF20] =	vst v5;
	v5 =	vmul.f32 v6, v10;
	v9 =	vld [tilespmem:s30+$0xFFFFFF90]  }
0x29c: {  	[tilespmem:s30+$0xFFFFFF30] =	vst v3;
	v3 =	vmul.f32 v6, v11;
	v10 =	vld [tilespmem:s30+$0xFFFFFFA0]  }
0x29d: {  	[tilespmem:s30+$0xFFFFFF40] =	vst v5;
	v5 =	vmul.f32 v6, v12;
	v11 =	vld [tilespmem:s30+$0xFFFFFFB0]  }
0x29e: {  	[tilespmem:s30+$0xFFFFFF50] =	vst v3;
	v3 =	vmul.f32 v6, v7;
	v6 =	vld [tilespmem:s30+$0xFFFFFFC0]  }
0x29f: {  	[tilespmem:s30+$0xFFFFFF60] =	vst v5;
	v5 =	vmul.f32 v4, v8;
	v7 =	vld [tilespmem:s30+$0xFFFFFFD0]  }
0x2a0: {  	[tilespmem:s30+$0xFFFFFF70] =	vst v3;
	v3 =	vmul.f32 v4, v9;
	v8 =	vld [tilespmem:s30+$0xFFFFFFE0]  }
0x2a1: {  	[tilespmem:s30+$0xFFFFFF80] =	vst v5;
	v5 =	vmul.f32 v4, v10;
	v9 =	vld [tilespmem:s30+$0xFFFFFFF0]  }
0x2a2: {  	[tilespmem:s30+$0xFFFFFF90] =	vst v3;
	v3 =	vmul.f32 v4, v11;
	v10 =	vld [tilespmem:s30+$0x0]  }
0x2a3: {  	[tilespmem:s30+$0xFFFFFFA0] =	vst v5;
	v5 =	vmul.f32 v4, v6;
	v6 =	vld [tilespmem:s30+$0x10]  }
0x2a4: {  	[tilespmem:s30+$0xFFFFFFB0] =	vst v3;
	v3 =	vmul.f32 v4, v7;
	v7 =	vld [tilespmem:s30+$0x20]  }
0x2a5: {  	[tilespmem:s30+$0xFFFFFFC0] =	vst v5;
	v5 =	vmul.f32 v4, v8;
	v11 =	vld [tilespmem:s30+$0x30]  }
0x2a6: {  	[tilespmem:s30+$0xFFFFFFD0] =	vst v3;
	v3 =	vmul.f32 v4, v9;
	v9 =	vld [tilespmem:s30+$0x40]  }
.Ltmp14:
0x2a7: {  	[tilespmem:s30+$0xFFFFFFE0] =	vst v5;
	v5 =	vmul.f32 v2, v10;
	v4 =	vld [tilespmem:s30+$0x50];
	(pc) =	sbr.rel @p2 .LBB2_24-.Ltmp14, $4  }
0x2a8: {  	[tilespmem:s30+$0xFFFFFFF0] =	vst v3;
	v6 =	vmul.f32 v2, v6;
	v3 =	vld [tilespmem:s30+$0x60]  }
0x2a9: {  	s2 =	sadd.s32 $0x3, s1;
	v10 =	vmov s1;
	[tilespmem:s30+$0x0] =	vst v5;
	v13 =	vmul.f32 v2, v7;
	v8 =	vld [tilespmem:s30+$0x80]  }
0x2aa: {  	s13 =	sadd.s32 $0x1, s1;
	v12 =	vand.u32 $0xFFFFFFFC, v10;
	v5 =	vmov s2;
	[tilespmem:s30+$0x10] =	vst v6;
	v10 =	vmul.f32 v2, v11;
	v7 =	vld [tilespmem:s30+$0x90]  }
0x2ab: {  	v6 =	vbroadcast v12, $0x0;
	v12 =	vmov s13;
	s13 =	sadd.s32 $0x2, s1;
	s1 =	sadd.s32 $0x4, s1;
	[tilespmem:s30+$0x20] =	vst v13;
	v11 =	vmul.f32 v2, v9;
	v9 =	vld [tilespmem:s30+$0xA0]  }
0x2ac: {  	v13 =	vld [tilespmem:s30+$0xB0]  }
0x2ad: {  	v15 =	vld [tilespmem:s30+$0xC0]  }
0x2ae: {  	v16 =	vld [tilespmem:s30+$0xD0]  }
0x2af: {  	v17 =	vld [tilespmem:s30+$0xE0]  }
0x2b0: {  	v29 =	vld [tilespmem:s30+$0xF0];
	[tilespmem:s30+$0x30] =	vst v10;
	v4 =	vmul.f32 v2, v4  }
0x2b1: {  	v5 =	vld.idx.msk [tilespmem:v5+s19+$0x0], $0xffff;
	[tilespmem:s30+$0x40] =	vst v11;
	v2 =	vmul.f32 v2, v3  }
0x2b2: {  	s1 =	sadd.s32 $0x200, s30;
	v3 =	vld.idx.msk [tilespmem:v6+s19+$0x0], $0xffff;
	v8 =	vmul.f32 v1, v8;
	[tilespmem:s30+$0x50] =	vst v4  }
0x2b3: {  	v14 =	vmov s13;
	v34 =	vld [tilespmem:s1+$0x70];
	v30 =	vmul.f32 v1, v7;
	[tilespmem:s30+$0x60] =	vst v2  }
0x2b4: {  	v14 =	vand.u32 $0xFFFFFFFE, v14;
	v35 =	vld [tilespmem:s1+$0xFFFFFF00];
	[tilespmem:s30+$0x80] =	vst v8;
	v2 =	vmul.f32 v1, v9  }
0x2b5: {  	v37 =	vld [tilespmem:s1+$0xFFFFFF10];
	v14 =	vbroadcast v14, $0x0;
	[tilespmem:s30+$0x90] =	vst v30;
	v33 =	vmul.f32 v1, v13  }
0x2b6: {  	v38 =	vld [tilespmem:s1+$0xFFFFFF20];
	[tilespmem:s30+$0xA0] =	vst v2;
	v2 =	vmul.f32 v1, v15  }
0x2b7: {  	v12 =	vand.u32 $0xFFFFFFFD, v12;
	v39 =	vld [tilespmem:s1+$0xFFFFFF30];
	v36 =	vmul.f32 v1, v16;
	[tilespmem:s30+$0xB0] =	vst v33  }
0x2b8: {  	v12 =	vbroadcast v12, $0x0;
	v41 =	vld [tilespmem:s1+$0xFFFFFF50];
	[tilespmem:s31+$0xC0] =	vst v2;
	v2 =	vmul.f32 v1, v17  }
0x2b9: {  	v43 =	vld [tilespmem:s1+$0xFFFFFF60];
	[tilespmem:s31+$0xD0] =	vst v36;
	v1 =	vmul.f32 v1, v29  }
0x2ba: {  	v42 =	vmul.f32 v3, v37;
	[tilespmem:s31+$0xE0] =	vst v2;
	v2 =	vld [tilespmem:s1+$0xFFFFFF40]  }
0x2bb: {  	v32 =	vld.idx.msk [tilespmem:v14+s19+$0x0], $0xffff;
	[tilespmem:s31+$0xF0] =	vst v1;
	v1 =	vmul.f32 v3, v35  }
0x2bc: {  	v44 =	vld [tilespmem:s1+$0xFFFFFF70];
	v4 =	vmul.f32 v3, v39;
	[tilespmem:s1+$0xFFFFFF10] =	vst v42  }
0x2bd: {  	v45 =	vld [tilespmem:s1+$0xFFFFFF80];
	[tilespmem:s1+$0xFFFFFF00] =	vst v1;
	v1 =	vmul.f32 v3, v38  }
0x2be: {  	v46 =	vmul.f32 v3, v41;
	v31 =	vld.idx.msk [tilespmem:v12+s19+$0x0], $0xffff;
	[tilespmem:s1+$0xFFFFFF30] =	vst v4  }
0x2bf: {  	[tilespmem:s1+$0xFFFFFF20] =	vst v1;
	v1 =	vmul.f32 v3, v2;
	v2 =	vld [tilespmem:s1+$0xFFFFFF90]  }
0x2c0: {  	v47 =	vld [tilespmem:s1+$0xFFFFFFA0];
	[tilespmem:s1+$0xFFFFFF50] =	vst v46;
	v40 =	vmul.f32 v32, v34  }
0x2c1: {  	v48 =	vld [tilespmem:s1+$0xFFFFFFB0];
	[tilespmem:s1+$0xFFFFFF40] =	vst v1;
	v1 =	vmul.f32 v3, v43  }
0x2c2: {  	v49 =	vld [tilespmem:s1+$0xFFFFFFC0];
	[tilespmem:s1+$0x70] =	vst v40;
	v3 =	vmul.f32 v3, v44  }
0x2c3: {  	v50 =	vld [tilespmem:s1+$0xFFFFFFD0];
	[tilespmem:s1+$0xFFFFFF60] =	vst v1;
	v1 =	vmul.f32 v31, v45  }
0x2c4: {  	[tilespmem:s1+$0xFFFFFF70] =	vst v3;
	v3 =	vld [tilespmem:s1+$0xFFFFFFE0];
	v2 =	vmul.f32 v31, v2  }
0x2c5: {  	v51 =	vld [tilespmem:s1+$0xFFFFFFF0];
	[tilespmem:s1+$0xFFFFFF80] =	vst v1;
	v1 =	vmul.f32 v31, v47  }
0x2c6: {  	v52 =	vld [tilespmem:s1+$0x0];
	[tilespmem:s1+$0xFFFFFF90] =	vst v2;
	v2 =	vmul.f32 v31, v48  }
0x2c7: {  	v53 =	vld [tilespmem:s1+$0x10];
	[tilespmem:s1+$0xFFFFFFA0] =	vst v1;
	v1 =	vmul.f32 v31, v49  }
0x2c8: {  	v54 =	vld [tilespmem:s1+$0x20];
	[tilespmem:s1+$0xFFFFFFB0] =	vst v2;
	v2 =	vmul.f32 v31, v50  }
0x2c9: {  	[tilespmem:s1+$0xFFFFFFC0] =	vst v1;
	v1 =	vmul.f32 v31, v3;
	v3 =	vld [tilespmem:s1+$0x30]  }
0x2ca: {  	v55 =	vld [tilespmem:s1+$0x40];
	[tilespmem:s1+$0xFFFFFFD0] =	vst v2;
	v2 =	vmul.f32 v31, v51  }
0x2cb: {  	v56 =	vld [tilespmem:s1+$0x50];
	[tilespmem:s1+$0xFFFFFFE0] =	vst v1;
	v1 =	vmul.f32 v32, v52  }
0x2cc: {  	v57 =	vld [tilespmem:s1+$0x60];
	[tilespmem:s1+$0xFFFFFFF0] =	vst v2;
	v2 =	vmul.f32 v32, v53  }
0x2cd: {  	v58 =	vld [tilespmem:s1+$0x80];
	[tilespmem:s1+$0x0] =	vst v1;
	v1 =	vmul.f32 v32, v54  }
0x2ce: {  	[tilespmem:s1+$0x10] =	vst v2;
	v2 =	vmul.f32 v32, v3;
	v3 =	vld [tilespmem:s1+$0x90]  }
0x2cf: {  	v59 =	vld [tilespmem:s1+$0xA0];
	[tilespmem:s1+$0x20] =	vst v1;
	v1 =	vmul.f32 v32, v55  }
0x2d0: {  	v60 =	vld [tilespmem:s1+$0xB0];
	[tilespmem:s1+$0x30] =	vst v2;
	v2 =	vmul.f32 v32, v56  }
0x2d1: {  	v61 =	vld [tilespmem:s1+$0xC0];
	[tilespmem:s1+$0x40] =	vst v1;
	v1 =	vmul.f32 v32, v57  }
0x2d2: {  	v62 =	vld [tilespmem:s1+$0xD0];
	[tilespmem:s1+$0x50] =	vst v2;
	v2 =	vmul.f32 v5, v58  }
0x2d3: {  	[tilespmem:s1+$0x60] =	vst v1;
	v1 =	vmul.f32 v5, v3;
	v3 =	vld [tilespmem:s1+$0xE0]  }
0x2d4: {  	v63 =	vld [tilespmem:s1+$0xF0];
	[tilespmem:s1+$0x80] =	vst v2;
	v2 =	vmul.f32 v5, v59  }
0x2d5: {  	[tilespmem:s1+$0x90] =	vst v1;
	v1 =	vmul.f32 v5, v60  }
0x2d6: {  	[tilespmem:s1+$0xA0] =	vst v2;
	v2 =	vmul.f32 v5, v61  }
0x2d7: {  	[tilespmem:s1+$0xB0] =	vst v1;
	v1 =	vmul.f32 v5, v62  }
0x2d8: {  	[tilespmem:s1+$0xC0] =	vst v2;
	v2 =	vmul.f32 v5, v3  }
0x2d9: {  	[tilespmem:s1+$0xD0] =	vst v1;
	v1 =	vmul.f32 v5, v63  }
0x2da: {  	[tilespmem:s1+$0xE0] =	vst v2  }
0x2db: {  	[tilespmem:s1+$0xF0] =	vst v1  }
0x2dc: {  	[spmem:s3] =	stream.indirect.scatter.add.f32 [tilespmem:s14], [sflag:$0x6], $0x80, s20, s17, $0xb8;
	[tilespmem:$0x1BE80] =	vst v63  }
.LBB2_26:
0x2dd: {  	s1 =	simm.s32 @!p4 $0x5  }
0x2de: {  	_ =	swait.ge @!p4 [sflag:s1], $0x4000  }
0x2df: {  	[sflag:s1] =	ssyncset.done @!p4 $0x0  }
0x2e0: {  	[sflag:s1] =	ssyncadd.s32 @!p4 $0xFFFFC000;
	s1 =	simm.s32 @!p3 $0x6  }
0x2e1: {  	s2 =	sadd.s32 $0x7, s28;
	_ =	swait.ge @!p3 [sflag:s1], $0x4000  }
0x2e2: {  	p2 =	sge.u32 s2, s6;
	[sflag:s1] =	ssyncset.done @!p3 $0x0  }
0x2e3: {  	[sflag:s1] =	ssyncadd.s32 @!p3 $0xFFFFC000;
	s1 =	sshll.u32 @!p2 s2, $0xA  }
0x2e4: {  	s13 =	simm.s32 @!p2 $0x200;
	s2 =	simm.s32 @!p2 $0x0;
	s1 =	sadd.s32 @!p2 s1, s5  }
0x2e5: {  	[tilespmem:s13], [sflag:$0x2] =	stream.linear.gather @!p2 [hbm4b:s1+s2], $0x180, $0x38;
	[tilespmem:$0x1BE80] =	vst v63  }
.Ltmp15:
0x2e6: {  	s1 =	simm.s32 @!p1 $0x1;
	(pc) =	sbr.rel @p4 .LBB2_30-.Ltmp15, $4  }
0x2e7: {  	_ =	swait.ge @!p1 [sflag:s1], $0x180  }
0x2e8: {  	[sflag:s1] =	ssyncset.done @!p1 $0x0  }
0x2e9: {  	s2 =	simm.s32 @!p1 $0x600;
	[sflag:s1] =	ssyncadd.s32 @!p1 $0xFFFFFE80;
	s1 =	simm.s32 @!p1 $0x80  }
0x2ea: {  	[tilespmem:s2], [sflag:$0x4] =	stream.indirect.gather @!p1 [hbm4b:s0+s1], $0x80, s29, s1, $0xb8;
	[tilespmem:$0x1BE80] =	vst v63  }
0x2eb: {  	s1 =	simm.s32 $0x0  }
0x2ec: {  	s31 =	simm.s32 $0x2;
	v1 =	vmov s1  }
0x2ed: {  	v2 =	vmov s31;
	v1 =	vand.u32 $0xFFFFFFFC, v1  }
0x2ee: {  	v2 =	vand.u32 $0xFFFFFFFE, v2;
	v1 =	vbroadcast v1, $0x0  }
0x2ef: {  	s28 =	simm.s32 $0x47F0;
	v2 =	vbroadcast v2, $0x0  }
0x2f0: {  	v4 =	vld [tilespmem:s28+$0xFFFFFF80]  }
0x2f1: {  	v5 =	vld [tilespmem:s28+$0xFFFFFE10]  }
0x2f2: {  	s2 =	simm.s32 $0x1;
	v6 =	vld [tilespmem:s28+$0xFFFFFE20]  }
0x2f3: {  	v3 =	vmov s2;
	v7 =	vld [tilespmem:s28+$0xFFFFFE30]  }
0x2f4: {  	v3 =	vand.u32 $0xFFFFFFFD, v3;
	v1 =	vld.idx.msk [tilespmem:v1+s22+$0x0], $0xffff  }
0x2f5: {  	v3 =	vbroadcast v3, $0x0;
	v2 =	vld.idx.msk [tilespmem:v2+s22+$0x0], $0xffff  }
0x2f6: {  	v8 =	vld [tilespmem:s28+$0xFFFFFE40]  }
0x2f7: {  	v9 =	vld [tilespmem:s28+$0xFFFFFE50]  }
0x2f8: {  	v10 =	vld [tilespmem:s28+$0xFFFFFE60]  }
0x2f9: {  	v11 =	vld [tilespmem:s28+$0xFFFFFE70];
	v5 =	vmul.f32 v1, v5  }
0x2fa: {  	v13 =	vld [tilespmem:s28+$0xFFFFFF50];
	v4 =	vmul.f32 v2, v4  }
0x2fb: {  	v3 =	vld.idx.msk [tilespmem:v3+s22+$0x0], $0xffff;
	[tilespmem:s28+$0xFFFFFE10] =	vst v5;
	v5 =	vmul.f32 v1, v6  }
0x2fc: {  	v6 =	vld [tilespmem:s28+$0xFFFFFE80];
	[tilespmem:s28+$0xFFFFFF80] =	vst v4;
	v4 =	vmul.f32 v1, v7  }
0x2fd: {  	v7 =	vld [tilespmem:s28+$0xFFFFFE90];
	[tilespmem:s28+$0xFFFFFE20] =	vst v5;
	v5 =	vmul.f32 v1, v8  }
0x2fe: {  	v8 =	vld [tilespmem:s28+$0xFFFFFEA0];
	[tilespmem:s28+$0xFFFFFE30] =	vst v4;
	v4 =	vmul.f32 v1, v9  }
0x2ff: {  	v9 =	vld [tilespmem:s28+$0xFFFFFEB0];
	[tilespmem:s28+$0xFFFFFE40] =	vst v5;
	v5 =	vmul.f32 v1, v10  }
0x300: {  	v10 =	vld [tilespmem:s28+$0xFFFFFEC0];
	[tilespmem:s28+$0xFFFFFE50] =	vst v4;
	v4 =	vmul.f32 v1, v11  }
0x301: {  	v11 =	vld [tilespmem:s28+$0xFFFFFED0];
	v6 =	vmul.f32 v1, v6;
	[tilespmem:s28+$0xFFFFFE60] =	vst v5  }
0x302: {  	v5 =	vmul.f32 v3, v7;
	v7 =	vld [tilespmem:s28+$0xFFFFFEE0];
	[tilespmem:s28+$0xFFFFFE70] =	vst v4  }
0x303: {  	s13 =	simm.s32 $0x3;
	v4 =	vld [tilespmem:s28+$0xFFFFFEF0];
	v8 =	vmul.f32 v3, v8;
	[tilespmem:s28+$0xFFFFFE80] =	vst v6  }
0x304: {  	v12 =	vmov s13;
	v6 =	vld [tilespmem:s28+$0xFFFFFF00];
	[tilespmem:s28+$0xFFFFFE90] =	vst v5;
	v5 =	vmul.f32 v3, v9  }
0x305: {  	v9 =	vld [tilespmem:s28+$0xFFFFFF10];
	[tilespmem:s28+$0xFFFFFEA0] =	vst v8;
	v8 =	vmul.f32 v3, v10  }
0x306: {  	v10 =	vld [tilespmem:s28+$0xFFFFFF20];
	[tilespmem:s28+$0xFFFFFEB0] =	vst v5;
	v5 =	vmul.f32 v3, v11  }
0x307: {  	[tilespmem:s28+$0xFFFFFEC0] =	vst v8;
	v7 =	vmul.f32 v3, v7;
	v8 =	vld [tilespmem:s28+$0xFFFFFF30]  }
0x308: {  	v11 =	vld [tilespmem:s28+$0xFFFFFF40];
	v4 =	vmul.f32 v3, v4;
	[tilespmem:s28+$0xFFFFFED0] =	vst v5  }
0x309: {  	v1 =	vld.idx.msk [tilespmem:v12+s22+$0x0], $0xffff;
	v3 =	vmul.f32 v3, v6;
	[tilespmem:s28+$0xFFFFFEE0] =	vst v7  }
0x30a: {  	[tilespmem:s28+$0xFFFFFEF0] =	vst v4;
	v5 =	vmul.f32 v2, v9;
	v4 =	vld [tilespmem:s28+$0xFFFFFF60]  }
0x30b: {  	s30 =	simm.s32 $0x4;
	[tilespmem:s28+$0xFFFFFF00] =	vst v3;
	v6 =	vmul.f32 v2, v10;
	v3 =	vld [tilespmem:s28+$0xFFFFFF70]  }
0x30c: {  	s31 =	simm.s32 $0x7;
	v7 =	vmov s30;
	[tilespmem:s28+$0xFFFFFF10] =	vst v5;
	v9 =	vmul.f32 v2, v8;
	v8 =	vld [tilespmem:s28+$0xFFFFFF90]  }
0x30d: {  	s2 =	simm.s32 $0x5;
	v12 =	vand.u32 $0xFFFFFFFC, v7;
	v7 =	vld [tilespmem:s28+$0xFFFFFFA0];
	v5 =	vmov s31;
	v10 =	vmul.f32 v2, v11;
	[tilespmem:s28+$0xFFFFFF20] =	vst v6  }
0x30e: {  	s29 =	simm.s32 $0x47F0;
	s13 =	simm.s32 $0x6;
	s1 =	simm.s32 $0x8;
	v11 =	vmul.f32 v2, v13;
	v6 =	vbroadcast v12, $0x0;
	v12 =	vmov s2;
	[tilespmem:s28+$0xFFFFFF30] =	vst v9;
	v9 =	vld [tilespmem:s28+$0xFFFFFFB0]  }
.LBB2_28:
0x30f: {  	p1 =	slt.u32 s1, $0x7C;
	v12 =	vand.u32 $0xFFFFFFFD, v12;
	v13 =	vmov s13;
	[tilespmem:s28+$0xFFFFFF40] =	vst v10;
	v4 =	vmul.f32 v2, v4;
	v10 =	vld [tilespmem:s28+$0xFFFFFFC0]  }
0x310: {  	v12 =	vbroadcast v12, $0x0;
	v13 =	vand.u32 $0xFFFFFFFE, v13;
	[tilespmem:s28+$0xFFFFFF50] =	vst v11;
	v2 =	vmul.f32 v2, v3;
	v3 =	vld [tilespmem:s28+$0xFFFFFFD0]  }
0x311: {  	v11 =	vbroadcast v13, $0x0;
	[tilespmem:s28+$0xFFFFFF60] =	vst v4;
	v4 =	vmul.f32 v1, v8;
	v8 =	vld [tilespmem:s28+$0xFFFFFFE0]  }
0x312: {  	[tilespmem:s28+$0xFFFFFF70] =	vst v2;
	v2 =	vmul.f32 v1, v7;
	v7 =	vld [tilespmem:s28+$0xFFFFFFF0]  }
0x313: {  	[tilespmem:s28+$0xFFFFFF90] =	vst v4;
	v4 =	vmul.f32 v1, v9;
	v9 =	vld [tilespmem:s28+$0x0]  }
0x314: {  	v5 =	vld.idx.msk [tilespmem:v5+s22+$0x0], $0xffff;
	[tilespmem:s28+$0xFFFFFFA0] =	vst v2;
	v2 =	vmul.f32 v1, v10  }
0x315: {  	v6 =	vld.idx.msk [tilespmem:v6+s22+$0x0], $0xffff;
	[tilespmem:s28+$0xFFFFFFB0] =	vst v4;
	v3 =	vmul.f32 v1, v3  }
0x316: {  	v4 =	vld.idx.msk [tilespmem:v12+s22+$0x0], $0xffff;
	[tilespmem:s28+$0xFFFFFFC0] =	vst v2;
	v8 =	vmul.f32 v1, v8  }
0x317: {  	s28 =	sadd.s32 $0x200, s28;
	v2 =	vld.idx.msk [tilespmem:v11+s22+$0x0], $0xffff;
	[tilespmem:s29+$0xFFFFFFD0] =	vst v3;
	v3 =	vmul.f32 v1, v7  }
0x318: {  	v7 =	vld [tilespmem:s28+$0xFFFFFF80];
	[tilespmem:s29+$0xFFFFFFE0] =	vst v8;
	v9 =	vmul.f32 v1, v9  }
0x319: {  	v8 =	vld [tilespmem:s28+$0xFFFFFE10];
	[tilespmem:s29+$0xFFFFFFF0] =	vst v3  }
0x31a: {  	v1 =	vmov v5;
	v3 =	vld [tilespmem:s28+$0xFFFFFE20];
	[tilespmem:s29+$0x0] =	vst v9;
	s29 =	smov.u32 s28  }
0x31b: {  	v5 =	vld [tilespmem:s28+$0xFFFFFE30]  }
0x31c: {  	v9 =	vld [tilespmem:s28+$0xFFFFFE40]  }
0x31d: {  	v10 =	vld [tilespmem:s28+$0xFFFFFE50];
	v7 =	vmul.f32 v2, v7  }
0x31e: {  	v8 =	vmul.f32 v6, v8;
	v11 =	vld [tilespmem:s28+$0xFFFFFE60]  }
0x31f: {  	v3 =	vmul.f32 v6, v3;
	v12 =	vld [tilespmem:s28+$0xFFFFFE70];
	[tilespmem:s28+$0xFFFFFF80] =	vst v7  }
0x320: {  	[tilespmem:s28+$0xFFFFFE10] =	vst v8;
	v5 =	vmul.f32 v6, v5;
	v7 =	vld [tilespmem:s28+$0xFFFFFE80]  }
0x321: {  	[tilespmem:s28+$0xFFFFFE20] =	vst v3;
	v3 =	vmul.f32 v6, v9;
	v8 =	vld [tilespmem:s28+$0xFFFFFE90]  }
0x322: {  	[tilespmem:s28+$0xFFFFFE30] =	vst v5;
	v5 =	vmul.f32 v6, v10;
	v9 =	vld [tilespmem:s28+$0xFFFFFEA0]  }
0x323: {  	[tilespmem:s28+$0xFFFFFE40] =	vst v3;
	v3 =	vmul.f32 v6, v11;
	v10 =	vld [tilespmem:s28+$0xFFFFFEB0]  }
0x324: {  	[tilespmem:s28+$0xFFFFFE50] =	vst v5;
	v5 =	vmul.f32 v6, v12;
	v11 =	vld [tilespmem:s28+$0xFFFFFEC0]  }
0x325: {  	[tilespmem:s28+$0xFFFFFE60] =	vst v3;
	v3 =	vmul.f32 v6, v7;
	v6 =	vld [tilespmem:s28+$0xFFFFFED0]  }
0x326: {  	[tilespmem:s28+$0xFFFFFE70] =	vst v5;
	v5 =	vmul.f32 v4, v8;
	v7 =	vld [tilespmem:s28+$0xFFFFFEE0]  }
0x327: {  	[tilespmem:s28+$0xFFFFFE80] =	vst v3;
	v3 =	vmul.f32 v4, v9;
	v8 =	vld [tilespmem:s28+$0xFFFFFEF0]  }
0x328: {  	[tilespmem:s28+$0xFFFFFE90] =	vst v5;
	v5 =	vmul.f32 v4, v10;
	v9 =	vld [tilespmem:s28+$0xFFFFFF00]  }
0x329: {  	[tilespmem:s28+$0xFFFFFEA0] =	vst v3;
	v3 =	vmul.f32 v4, v11;
	v10 =	vld [tilespmem:s28+$0xFFFFFF10]  }
0x32a: {  	[tilespmem:s28+$0xFFFFFEB0] =	vst v5;
	v5 =	vmul.f32 v4, v6;
	v6 =	vld [tilespmem:s28+$0xFFFFFF20]  }
0x32b: {  	[tilespmem:s28+$0xFFFFFEC0] =	vst v3;
	v3 =	vmul.f32 v4, v7;
	v7 =	vld [tilespmem:s28+$0xFFFFFF30]  }
0x32c: {  	[tilespmem:s28+$0xFFFFFED0] =	vst v5;
	v5 =	vmul.f32 v4, v8;
	v11 =	vld [tilespmem:s28+$0xFFFFFF40]  }
0x32d: {  	[tilespmem:s28+$0xFFFFFEE0] =	vst v3;
	v3 =	vmul.f32 v4, v9;
	v9 =	vld [tilespmem:s28+$0xFFFFFF50]  }
.Ltmp16:
0x32e: {  	[tilespmem:s28+$0xFFFFFEF0] =	vst v5;
	v5 =	vmul.f32 v2, v10;
	v4 =	vld [tilespmem:s28+$0xFFFFFF60];
	(pc) =	sbr.rel @p1 .LBB2_28-.Ltmp16, $4  }
0x32f: {  	[tilespmem:s28+$0xFFFFFF00] =	vst v3;
	v6 =	vmul.f32 v2, v6;
	v3 =	vld [tilespmem:s28+$0xFFFFFF70]  }
0x330: {  	s2 =	sadd.s32 $0x3, s1;
	v10 =	vmov s1;
	[tilespmem:s28+$0xFFFFFF10] =	vst v5;
	v13 =	vmul.f32 v2, v7;
	v8 =	vld [tilespmem:s28+$0xFFFFFF90]  }
0x331: {  	s13 =	sadd.s32 $0x1, s1;
	v12 =	vand.u32 $0xFFFFFFFC, v10;
	v5 =	vmov s2;
	[tilespmem:s28+$0xFFFFFF20] =	vst v6;
	v10 =	vmul.f32 v2, v11;
	v7 =	vld [tilespmem:s28+$0xFFFFFFA0]  }
0x332: {  	v6 =	vbroadcast v12, $0x0;
	v12 =	vmov s13;
	s13 =	sadd.s32 $0x2, s1;
	s1 =	sadd.s32 $0x4, s1;
	[tilespmem:s28+$0xFFFFFF30] =	vst v13;
	v11 =	vmul.f32 v2, v9;
	v9 =	vld [tilespmem:s28+$0xFFFFFFB0]  }
0x333: {  	v13 =	vld [tilespmem:s28+$0xFFFFFFC0]  }
0x334: {  	v15 =	vld [tilespmem:s28+$0xFFFFFFD0]  }
0x335: {  	v16 =	vld [tilespmem:s28+$0xFFFFFFE0]  }
0x336: {  	v17 =	vld [tilespmem:s28+$0xFFFFFFF0]  }
0x337: {  	v29 =	vld [tilespmem:s28+$0x0];
	[tilespmem:s28+$0xFFFFFF40] =	vst v10;
	v4 =	vmul.f32 v2, v4  }
0x338: {  	v5 =	vld.idx.msk [tilespmem:v5+s22+$0x0], $0xffff;
	[tilespmem:s28+$0xFFFFFF50] =	vst v11;
	v2 =	vmul.f32 v2, v3  }
0x339: {  	s1 =	sadd.s32 $0x200, s28;
	v3 =	vld.idx.msk [tilespmem:v6+s22+$0x0], $0xffff;
	v8 =	vmul.f32 v1, v8;
	[tilespmem:s28+$0xFFFFFF60] =	vst v4  }
0x33a: {  	v14 =	vmov s13;
	v34 =	vld [tilespmem:s1+$0xFFFFFF80];
	v30 =	vmul.f32 v1, v7;
	[tilespmem:s28+$0xFFFFFF70] =	vst v2  }
0x33b: {  	v14 =	vand.u32 $0xFFFFFFFE, v14;
	v35 =	vld [tilespmem:s1+$0xFFFFFE10];
	[tilespmem:s28+$0xFFFFFF90] =	vst v8;
	v2 =	vmul.f32 v1, v9  }
0x33c: {  	v37 =	vld [tilespmem:s1+$0xFFFFFE20];
	v14 =	vbroadcast v14, $0x0;
	[tilespmem:s28+$0xFFFFFFA0] =	vst v30;
	v33 =	vmul.f32 v1, v13  }
0x33d: {  	v38 =	vld [tilespmem:s1+$0xFFFFFE30];
	[tilespmem:s28+$0xFFFFFFB0] =	vst v2;
	v2 =	vmul.f32 v1, v15  }
0x33e: {  	v12 =	vand.u32 $0xFFFFFFFD, v12;
	v39 =	vld [tilespmem:s1+$0xFFFFFE40];
	v36 =	vmul.f32 v1, v16;
	[tilespmem:s28+$0xFFFFFFC0] =	vst v33  }
0x33f: {  	v12 =	vbroadcast v12, $0x0;
	v41 =	vld [tilespmem:s1+$0xFFFFFE60];
	[tilespmem:s29+$0xFFFFFFD0] =	vst v2;
	v2 =	vmul.f32 v1, v17  }
0x340: {  	v43 =	vld [tilespmem:s1+$0xFFFFFE70];
	[tilespmem:s29+$0xFFFFFFE0] =	vst v36;
	v1 =	vmul.f32 v1, v29  }
0x341: {  	v42 =	vmul.f32 v3, v37;
	[tilespmem:s29+$0xFFFFFFF0] =	vst v2;
	v2 =	vld [tilespmem:s1+$0xFFFFFE50]  }
0x342: {  	v32 =	vld.idx.msk [tilespmem:v14+s22+$0x0], $0xffff;
	[tilespmem:s29+$0x0] =	vst v1;
	v1 =	vmul.f32 v3, v35  }
0x343: {  	v44 =	vld [tilespmem:s1+$0xFFFFFE80];
	v4 =	vmul.f32 v3, v39;
	[tilespmem:s1+$0xFFFFFE20] =	vst v42  }
0x344: {  	v45 =	vld [tilespmem:s1+$0xFFFFFE90];
	[tilespmem:s1+$0xFFFFFE10] =	vst v1;
	v1 =	vmul.f32 v3, v38  }
0x345: {  	v46 =	vmul.f32 v3, v41;
	v31 =	vld.idx.msk [tilespmem:v12+s22+$0x0], $0xffff;
	[tilespmem:s1+$0xFFFFFE40] =	vst v4  }
0x346: {  	[tilespmem:s1+$0xFFFFFE30] =	vst v1;
	v1 =	vmul.f32 v3, v2;
	v2 =	vld [tilespmem:s1+$0xFFFFFEA0]  }
0x347: {  	v47 =	vld [tilespmem:s1+$0xFFFFFEB0];
	[tilespmem:s1+$0xFFFFFE60] =	vst v46;
	v40 =	vmul.f32 v32, v34  }
0x348: {  	v48 =	vld [tilespmem:s1+$0xFFFFFEC0];
	[tilespmem:s1+$0xFFFFFE50] =	vst v1;
	v1 =	vmul.f32 v3, v43  }
0x349: {  	v49 =	vld [tilespmem:s1+$0xFFFFFED0];
	[tilespmem:s1+$0xFFFFFF80] =	vst v40;
	v3 =	vmul.f32 v3, v44  }
0x34a: {  	v50 =	vld [tilespmem:s1+$0xFFFFFEE0];
	[tilespmem:s1+$0xFFFFFE70] =	vst v1;
	v1 =	vmul.f32 v31, v45  }
0x34b: {  	[tilespmem:s1+$0xFFFFFE80] =	vst v3;
	v3 =	vld [tilespmem:s1+$0xFFFFFEF0];
	v2 =	vmul.f32 v31, v2  }
0x34c: {  	v51 =	vld [tilespmem:s1+$0xFFFFFF00];
	[tilespmem:s1+$0xFFFFFE90] =	vst v1;
	v1 =	vmul.f32 v31, v47  }
0x34d: {  	v52 =	vld [tilespmem:s1+$0xFFFFFF10];
	[tilespmem:s1+$0xFFFFFEA0] =	vst v2;
	v2 =	vmul.f32 v31, v48  }
0x34e: {  	v53 =	vld [tilespmem:s1+$0xFFFFFF20];
	[tilespmem:s1+$0xFFFFFEB0] =	vst v1;
	v1 =	vmul.f32 v31, v49  }
0x34f: {  	v54 =	vld [tilespmem:s1+$0xFFFFFF30];
	[tilespmem:s1+$0xFFFFFEC0] =	vst v2;
	v2 =	vmul.f32 v31, v50  }
0x350: {  	[tilespmem:s1+$0xFFFFFED0] =	vst v1;
	v1 =	vmul.f32 v31, v3;
	v3 =	vld [tilespmem:s1+$0xFFFFFF40]  }
0x351: {  	v55 =	vld [tilespmem:s1+$0xFFFFFF50];
	[tilespmem:s1+$0xFFFFFEE0] =	vst v2;
	v2 =	vmul.f32 v31, v51  }
0x352: {  	v56 =	vld [tilespmem:s1+$0xFFFFFF60];
	[tilespmem:s1+$0xFFFFFEF0] =	vst v1;
	v1 =	vmul.f32 v32, v52  }
0x353: {  	v57 =	vld [tilespmem:s1+$0xFFFFFF70];
	[tilespmem:s1+$0xFFFFFF00] =	vst v2;
	v2 =	vmul.f32 v32, v53  }
0x354: {  	v58 =	vld [tilespmem:s1+$0xFFFFFF90];
	[tilespmem:s1+$0xFFFFFF10] =	vst v1;
	v1 =	vmul.f32 v32, v54  }
0x355: {  	[tilespmem:s1+$0xFFFFFF20] =	vst v2;
	v2 =	vmul.f32 v32, v3;
	v3 =	vld [tilespmem:s1+$0xFFFFFFA0]  }
0x356: {  	v59 =	vld [tilespmem:s1+$0xFFFFFFB0];
	[tilespmem:s1+$0xFFFFFF30] =	vst v1;
	v1 =	vmul.f32 v32, v55  }
0x357: {  	v60 =	vld [tilespmem:s1+$0xFFFFFFC0];
	[tilespmem:s1+$0xFFFFFF40] =	vst v2;
	v2 =	vmul.f32 v32, v56  }
0x358: {  	v61 =	vld [tilespmem:s1+$0xFFFFFFD0];
	[tilespmem:s1+$0xFFFFFF50] =	vst v1;
	v1 =	vmul.f32 v32, v57  }
0x359: {  	v62 =	vld [tilespmem:s1+$0xFFFFFFE0];
	[tilespmem:s1+$0xFFFFFF60] =	vst v2;
	v2 =	vmul.f32 v5, v58  }
0x35a: {  	[tilespmem:s1+$0xFFFFFF70] =	vst v1;
	v1 =	vmul.f32 v5, v3;
	v3 =	vld [tilespmem:s1+$0xFFFFFFF0]  }
0x35b: {  	v63 =	vld [tilespmem:s1+$0x0];
	[tilespmem:s1+$0xFFFFFF90] =	vst v2;
	v2 =	vmul.f32 v5, v59  }
0x35c: {  	[tilespmem:s1+$0xFFFFFFA0] =	vst v1;
	v1 =	vmul.f32 v5, v60  }
0x35d: {  	[tilespmem:s1+$0xFFFFFFB0] =	vst v2;
	v2 =	vmul.f32 v5, v61  }
0x35e: {  	[tilespmem:s1+$0xFFFFFFC0] =	vst v1;
	v1 =	vmul.f32 v5, v62  }
.Ltmp17:
0x35f: {  	[tilespmem:s1+$0xFFFFFFD0] =	vst v2;
	v2 =	vmul.f32 v5, v3;
	(pc) =	sbr.rel .LBB2_30-.Ltmp17, $4  }
0x360: {  	[tilespmem:s1+$0xFFFFFFE0] =	vst v1;
	v1 =	vmul.f32 v5, v63  }
0x361: {  	[tilespmem:s1+$0xFFFFFFF0] =	vst v2  }
0x362: {  	[tilespmem:s1+$0x0] =	vst v1  }
0x363: {  	[spmem:s3] =	stream.indirect.scatter.add.f32 [tilespmem:s21], [sflag:$0x7], $0x80, s23, s17, $0xb8;
	[tilespmem:$0x1BE80] =	vst v63  }
.LBB2_31:
.Ltmp18:
0x364: {  	s1 =	stileid.u32;
	(pc) =	sbr.rel @!p0 .LBB2_33-.Ltmp18, $4  }
0x365: {  	[bflag:$0x0] =	sbarrier.arrive $0xFFFF;
	s1 =	sshll.u32 s1, $0x6  }
0x366: {  	s2 =	sshrl.u32 s11, $0x3;
	s25 =	sadd.s32 $0xFFFFFFFF, s8;
	s1 =	sor.u32 $0x1C08, s1  }
0x367: {  	[hbm:s12], [sflag:s1] =	dma.local [spmem:s2], $0x500  }
0x368: {  	s26 =	sadd.s32 $0x5000, s12;
	s28 =	smov.u32 s11;
	_ =	swait.ge [sflag:s15], $0x500  }
.LBB2_32:
0x369: {  	[sflag:s15] =	ssyncset.done $0x0;
	s28 =	sadd.s32 $0x28000, s28;
	p0 =	sne.s32 s25, $0x1  }
.Ltmp19:
0x36a: {  	s2 =	sshrl.u32 s28, $0x3;
	[sflag:s15] =	ssyncadd.s32 $0xFFFFFB00;
	(pc) =	sbr.rel @p0 .LBB2_32-.Ltmp19, $3  }
0x36b: {  	[hbm:s26], [sflag:s1] =	dma.local [spmem:s2], $0x500  }
0x36c: {  	s25 =	sadd.s32 $0xFFFFFFFF, s25;
	_ =	sdelay $0x1  }
0x36d: {  	s26 =	sadd.s32 $0x5000, s26;
	_ =	swait.ge [sflag:s15], $0x500  }
.LBB2_33:
0x36e: {  	s24 =	sadd.s32 $0x1, s24  }
0x36f: {  	p0 =	sne.s32 s24, s9  }
.Ltmp20:
0x370: {  	_ = 	snop;
	(pc) =	sbr.rel @p0 .LBB2_1-.Ltmp20, $3  }
0x371: {  	_ =	sdelay $0x1  }
0x372: {  	[sflag:s15] =	ssyncset.done $0x0  }
0x373: {  	[sflag:s15] =	ssyncadd.s32 $0xFFFFFB00  }
0x374: {  	_ =	sfence.sel $0x180000  }
0x375: {  	[bflag:$0x0] =	sbarrier.arrive $0xFFFF  }
0x376: {  	_ =	strace $0x90000047  }
0x377: {  	s0 =	stileid.u32;
	[bflag:$0x2] =	sbarrier.arrive $0xFFFF  }
0x378: {  	p0 =	sne.s32 s0, $0x0;
	s0 =	rddreg [dreg:$0x4]  }
0x379: {  	s0 =	sadd.s32 @!p0 $0x100000, s0  }
0x37a: {  	[sflag:s0] =	ssyncadd.tile.s32 @!p0 $0x1;
	_ =	shalt  }
.Lfunc_end2:
_tile_overlayer_lowered:
.L_overlay_start_2:
0x37b: {  	(tag) =	ssettag $0x2  }
0x37c: {  	s0 =	rddreg [dreg:$0x0];
	s2 =	stileid.u32  }
0x37d: {  	s1 =	rddreg [dreg:$0x1];
	p0 =	sne.s32 s2, $0x0  }
0x37e: {  	s3 =	rddreg [dreg:$0x2];
	[bflag:$0x3] =	sbarrier.arrive $0xFFFF;
	s2 =	simm.s32 @!p0 $0x1C08  }
0x37f: {  	[timem:s3], [sflag:s2] =	dma.local @!p0 [hbm:s0], s1  }
0x380: {  	s0 =	simm.s32 @!p0 $0x8  }
0x381: {  	_ =	swait.ge @!p0 [sflag:s0], s1  }
0x382: {  	s1 =	ssub.s32 @!p0 $0x0, s1;
	[sflag:s0] =	ssyncset.done @!p0 $0x0  }
0x383: {  	[sflag:s0] =	ssyncadd.s32 @!p0 s1  }
0x384: {  	[bflag:$0x3] =	sbarrier.arrive $0xFFFF  }
0x385: {  	_ =	shalt  }

</sc_bundles>
